<compile_context>
chip_gen: v7x
topology: tpu7x:2x2x1
jax: 0.10.2.dev20260603
libtpu: 0.0.44.dev20260713+nightly
codegen_flags: <defaults>
</compile_context>

<pallas_src>
import functools

import jax
import jax.numpy as jnp
import numpy as np
from jax import lax
from jax.experimental import pallas as pl
from jax.experimental.pallas import tpu as pltpu
from jax.experimental.pallas import tpu_sc as plsc

_VOCAB = 64
_SEQ = 512
_D = 128
_H = 768
_BATCH = 1024

_INFO = plsc.get_sparse_core_info()
_NC = _INFO.num_cores
_NS = _INFO.num_subcores
_NW = _NC * _NS
_TOK = _BATCH * _SEQ
_TPW = _TOK // _NW
_CH = 64
_NB = 4
_K = 2
_LANES = 16

_HALF = _SEQ // _NC
_NPHASE = 4
_QUART = _HALF // _NPHASE
_ROWS_W = _BATCH // _NS
_CPR = _QUART // _CH
_NCH_P = _ROWS_W * _CPR


def _sinusoid_pe_np():
    pos = np.arange(_SEQ)[:, None].astype(np.float32)
    i = np.arange(_D // 2)[None, :].astype(np.float32)
    ang = pos / np.power(10000.0, (2.0 * i) / float(_D))
    pe = np.zeros((_SEQ, _D), dtype=np.float32)
    pe[:, 0::2] = np.sin(ang)
    pe[:, 1::2] = np.cos(ang)
    return pe


_PE = _sinusoid_pe_np()

_L_BLK = 128


def _comb_body(tbl_ref, w_ref, b_ref, pe_ref, out_ref, red_ref):
    @pl.when(pl.program_id(0) == 0)
    def _():
        red_ref[...] = (
            jax.lax.dot_general(
                tbl_ref[...], w_ref[...], (((1,), (0,)), ((), ())),
                preferred_element_type=jnp.float32,
                precision=jax.lax.Precision.HIGHEST,
            )
            + b_ref[...][None, :]
        )
    out_ref[...] = red_ref[...][None, :, :] + pe_ref[...][:, None, :]


def _build_combined(matbert_table, W, b, pe):
    out3 = pl.pallas_call(
        _comb_body,
        grid=(_SEQ // _L_BLK,),
        in_specs=[
            pl.BlockSpec((_VOCAB, _H), lambda i: (0, 0)),
            pl.BlockSpec((_H, _D), lambda i: (0, 0)),
            pl.BlockSpec((_D,), lambda i: (0,)),
            pl.BlockSpec((_L_BLK, _D), lambda i: (i, 0)),
        ],
        out_specs=pl.BlockSpec((_L_BLK, _VOCAB, _D), lambda i: (i, 0, 0)),
        out_shape=jax.ShapeDtypeStruct((_SEQ, _VOCAB, _D), jnp.float32),
        scratch_shapes=[pltpu.VMEM((_VOCAB, _D), jnp.float32)],
    )(matbert_table, W, b, pe)
    return out3.reshape(_SEQ * _VOCAB, _D)


def _sc_gather(comb, x, posv):
    @functools.partial(
        pl.kernel,
        out_type=jax.ShapeDtypeStruct((_TOK, _D), jnp.float32),
        mesh=plsc.VectorSubcoreMesh(core_axis_name="c", subcore_axis_name="s"),
        scratch_types=(
            [pltpu.VMEM_SHARED((_QUART * _VOCAB, _D), jnp.float32) for _ in range(2)]
            + [pltpu.VMEM((_ROWS_W, 2 * _QUART), jnp.int32) for _ in range(2)]
            + [pltpu.VMEM((_QUART,), jnp.int32)]
            + [pltpu.VMEM((_CH,), jnp.int32) for _ in range(_NB)]
            + [pltpu.VMEM((_CH, _D), jnp.float32) for _ in range(_NB)]
            + [pltpu.SemaphoreType.DMA for _ in range(2 * _NB + 3)]
        ),
    )
    def run(comb_hbm, x_hbm, pos_hbm, out_hbm, comb_sh0, comb_sh1,
            x_all0, x_all1, pos_v, *bufs):
        comb_shs = (comb_sh0, comb_sh1)
        x_alls = (x_all0, x_all1)
        idxb = bufs[:_NB]
        rows = bufs[_NB : 2 * _NB]
        sg = bufs[2 * _NB : 3 * _NB]
        ss = bufs[3 * _NB : 4 * _NB]
        stg = bufs[4 * _NB : 4 * _NB + 2]
        sx = bufs[4 * _NB + 2]
        ci = lax.axis_index("c")
        si = lax.axis_index("s")

        _SEG = _QUART * _VOCAB // _NS

        def stage(p):
            return pltpu.make_async_copy(
                comb_hbm.at[
                    pl.ds(
                        (ci * _NPHASE + p) * (_QUART * _VOCAB) + si * _SEG,
                        _SEG,
                    )
                ],
                comb_shs[p % 2].at[pl.ds(si * _SEG, _SEG)],
                stg[p % 2],
            )

        stage(0).start()

        def xdesc(h):
            return pltpu.make_async_copy(
                x_hbm.at[
                    pl.ds(si * _ROWS_W, _ROWS_W),
                    pl.ds(ci * _HALF + h * 2 * _QUART, 2 * _QUART),
                ],
                x_alls[h],
                sx,
            )

        xdesc(0).start()
        xdesc(1).start()
        pltpu.sync_copy(pos_hbm, pos_v)

        for p in range(_NPHASE):
            comb_sh = comb_shs[p % 2]
            x_all = x_alls[p // 2]

            if p == 0:
                xdesc(0).wait()
                xdesc(1).wait()

            stage(p).wait()

            plsc.subcore_barrier()

            if p + 1 < _NPHASE:
                stage(p + 1).start()

            def fill_idx(b, row, win):
                dst = idxb[b]
                for j in range(_CH // _LANES):
                    o = win * _CH + j * _LANES
                    dst[pl.ds(j * _LANES, _LANES)] = (
                        x_all[row, pl.ds((p % 2) * _QUART + o, _LANES)]
                        + pos_v[pl.ds(o, _LANES)]
                    )

            def gdesc(b):
                return pltpu.make_async_copy(
                    comb_sh.at[idxb[b]], rows[b], sg[b]
                )

            def sdesc(b, row, win):
                base = (
                    (si * _ROWS_W + row) * _SEQ
                    + ci * _HALF
                    + p * _QUART
                    + win * _CH
                )
                return pltpu.make_async_copy(
                    rows[b], out_hbm.at[pl.ds(base, _CH)], ss[b]
                )

            for k0 in range(_K):
                if p > 0:
                    sdesc(k0 % _NB, 0, 0).wait()
                fill_idx(k0 % _NB, k0 // _CPR, k0 % _CPR)
                gdesc(k0 % _NB).start()

            def outer(i, carry):
                for b in range(_NB):
                    k = i * _NB + b
                    row = i * (_NB // _CPR) + b // _CPR
                    win = b % _CPR
                    pf = k + _K
                    bp = (b + _K) % _NB
                    pfrow = i * (_NB // _CPR) + (b + _K) // _CPR
                    pfwin = (b + _K) % _CPR

                    @pl.when(pf < _NCH_P)
                    def _():
                        if p == 0:
                            @pl.when(pf >= _NB)
                            def _():
                                sdesc(bp, 0, 0).wait()
                        else:
                            sdesc(bp, 0, 0).wait()

                        fill_idx(bp, pfrow, pfwin)
                        gdesc(bp).start()

                    gdesc(b).wait()
                    sdesc(b, row, win).start()
                return carry

            lax.fori_loop(0, _NCH_P // _NB, outer, 0)

        for b in range(_NB):
            pltpu.make_async_copy(
                rows[b], out_hbm.at[pl.ds(b * _CH, _CH)], ss[b]
            ).wait()

    return run(comb, x, posv)


def kernel(x, matbert_table, W, b):
    pe = jnp.asarray(_PE)
    posv = jnp.arange(_QUART, dtype=jnp.int32) * _VOCAB
    comb = _build_combined(matbert_table, W, b, pe)
    out = _sc_gather(comb, x, posv)
    return out.reshape(_BATCH, _SEQ, _D)

# --- scband reference (transcript-rebuilt; emitter-appended) ---
"""Pipeline reference for scband-seq-embedding-block-class-13271448945343 (READ-ONLY COPY).

The authoritative reference and input builder live on the scoring server;
editing this copy changes nothing except your own understanding.
"""

import jax, jax.numpy as jnp
import numpy as np

VOCAB = 64
SEQ_LEN = 512
PS_DIM = 128
MATBERT_H = 768
POS_ENC_LEN = 512
BATCH = 1024

def _sinusoid_pe(length, dim):
    pos = np.arange(length)[:, None].astype(np.float32)
    i = np.arange(dim // 2)[None, :].astype(np.float32)
    ang = pos / np.power(10000.0, (2.0 * i) / float(dim))
    pe = np.zeros((length, dim), dtype=np.float32)
    pe[:, 0::2] = np.sin(ang)
    pe[:, 1::2] = np.cos(ang)
    return jnp.asarray(pe)

def setup_inputs(seed: int = 0):
    key = jax.random.key(seed)
    k1, k2, k3 = jax.random.split(key, 3)
    x = jax.random.randint(k1, (BATCH, SEQ_LEN), 0, VOCAB, dtype=jnp.int32)
    matbert_table = jax.random.normal(k2, (VOCAB, MATBERT_H), dtype=jnp.float32)
    W = jax.random.normal(k3, (MATBERT_H, PS_DIM), dtype=jnp.float32) * 0.02
    b = jnp.zeros((PS_DIM,), dtype=jnp.float32)
    return {"x": x, "matbert_table": matbert_table, "W": W, "b": b}

def reference(x, matbert_table, W, b):
    # MaterialWordEmbedding: frozen MatBERT word vectors per reagent (vocab x 768),
    # reduced to ps_dim via Linear, then token embedding lookup (gather).
    reduced = matbert_table @ W + b  # [VOCAB, PS_DIM]
    rgn_emb = jnp.take(reduced, x, axis=0)  # [B, L, PS_DIM] gather
    # PositionalEncoding: sinusoid table sliced to seq len, broadcast over batch.
    pe = _sinusoid_pe(POS_ENC_LEN, PS_DIM)
    pos_emb = pe[None, : x.shape[1], :]
    out = rgn_emb + pos_emb  # rgn_vec_onoff=True branch
    # drop_prob_output=0.0 and drop_prob_mat_we=0.0 -> dropout is identity
    return out

if __name__ == "__main__":
    import jax
    _d = setup_inputs()
    print(jax.jit(kernel)(*tuple(_d.values())))

</pallas_src>

<mosaic_0001>
#map = affine_map<(d0, d1) -> (0, 0)>
#map1 = affine_map<(d0, d1) -> (0)>
module attributes {stable_mosaic.version = 14 : i64} {
  func.func @run(%arg0: i32, %arg1: i32, %arg2: memref<32768x128xf32, #tpu.memory_space<hbm>>, %arg3: memref<1024x512xi32, #tpu.memory_space<hbm>>, %arg4: memref<64xi32, #tpu.memory_space<hbm>>, %arg5: memref<524288x128xf32, #tpu.memory_space<hbm>>, %arg6: memref<4096x128xf32, #tpu.memory_space<vmem_shared>>, %arg7: memref<4096x128xf32, #tpu.memory_space<vmem_shared>>, %arg8: memref<64x128xi32, #tpu.memory_space<vmem>>, %arg9: memref<64x128xi32, #tpu.memory_space<vmem>>, %arg10: memref<64xi32, #tpu.memory_space<vmem>>, %arg11: memref<64xi32, #tpu.memory_space<vmem>>, %arg12: memref<64xi32, #tpu.memory_space<vmem>>, %arg13: memref<64xi32, #tpu.memory_space<vmem>>, %arg14: memref<64xi32, #tpu.memory_space<vmem>>, %arg15: memref<64x128xf32, #tpu.memory_space<vmem>>, %arg16: memref<64x128xf32, #tpu.memory_space<vmem>>, %arg17: memref<64x128xf32, #tpu.memory_space<vmem>>, %arg18: memref<64x128xf32, #tpu.memory_space<vmem>>, %arg19: memref<!tpu.dma_semaphore, #tpu.memory_space<semaphore_mem>>, %arg20: memref<!tpu.dma_semaphore, #tpu.memory_space<semaphore_mem>>, %arg21: memref<!tpu.dma_semaphore, #tpu.memory_space<semaphore_mem>>, %arg22: memref<!tpu.dma_semaphore, #tpu.memory_space<semaphore_mem>>, %arg23: memref<!tpu.dma_semaphore, #tpu.memory_space<semaphore_mem>>, %arg24: memref<!tpu.dma_semaphore, #tpu.memory_space<semaphore_mem>>, %arg25: memref<!tpu.dma_semaphore, #tpu.memory_space<semaphore_mem>>, %arg26: memref<!tpu.dma_semaphore, #tpu.memory_space<semaphore_mem>>, %arg27: memref<!tpu.dma_semaphore, #tpu.memory_space<semaphore_mem>>, %arg28: memref<!tpu.dma_semaphore, #tpu.memory_space<semaphore_mem>>, %arg29: memref<!tpu.dma_semaphore, #tpu.memory_space<semaphore_mem>>) attributes {dimension_semantics = [#tpu.dimension_semantics<core_parallel>, #tpu.dimension_semantics<subcore_parallel>], iteration_bounds = array<i64: 2, 16>, scalar_prefetch = 0 : i64, scratch_operands = 24 : i64, tpu.core_type = #tpu.core_type<sc_vector_subcore>, window_params = [{transform_indices = #map}, {transform_indices = #map}, {transform_indices = #map1}, {transform_indices = #map}]} {
    %mul3A = arith.constant 4 : i32
    %mul3A_0 = arith.muli %arg0, %mul3A : i32
    %add3A = arith.constant 0 : i32
    %add3A_1 = arith.addi %mul3A_0, %add3A : i32
    %mul3A_2 = arith.constant 4096 : i32
    %mul3A_3 = arith.muli %add3A_1, %mul3A_2 : i32
    %mul3A_4 = arith.constant 256 : i32
    %mul3A_5 = arith.muli %arg1, %mul3A_4 : i32
    %add3A_6 = arith.addi %mul3A_3, %mul3A_5 : i32
    %mul3A_7 = arith.constant 256 : i32
    %mul3A_8 = arith.muli %arg1, %mul3A_7 : i32
    %dma_start3A = arith.constant 0 : i32
    %dma_start3A_9 = tpu.memref_slice %arg6[%mul3A_8, %dma_start3A] : memref<4096x128xf32, #tpu.memory_space<vmem_shared>> -> memref<256x128xf32, #tpu.memory_space<vmem_shared>>
    %dma_start3A_10 = arith.constant 0 : i32
    %dma_start3A_11 = tpu.memref_slice %arg2[%add3A_6, %dma_start3A_10] : memref<32768x128xf32, #tpu.memory_space<hbm>> -> memref<256x128xf32, #tpu.memory_space<hbm>>
    tpu.enqueue_dma source(%dma_start3A_11 : memref<256x128xf32, #tpu.memory_space<hbm>>) target(%dma_start3A_9 : memref<256x128xf32, #tpu.memory_space<vmem_shared>>) target_semaphore(%arg27 : memref<!tpu.dma_semaphore, #tpu.memory_space<semaphore_mem>>)
    %mul3A_12 = arith.constant 64 : i32
    %mul3A_13 = arith.muli %arg1, %mul3A_12 : i32
    %mul3A_14 = arith.constant 256 : i32
    %mul3A_15 = arith.muli %arg0, %mul3A_14 : i32
    %add3A_16 = arith.constant 0 : i32
    %add3A_17 = arith.addi %mul3A_15, %add3A_16 : i32
    %dma_start3A_18 = tpu.memref_slice %arg3[%mul3A_13, %add3A_17] : memref<1024x512xi32, #tpu.memory_space<hbm>> -> memref<64x128xi32, #tpu.memory_space<hbm>>
    %dma_start3A_19 = tpu.memref_slice %arg3[%mul3A_13, %add3A_17] : memref<1024x512xi32, #tpu.memory_space<hbm>> -> memref<64x128xi32, #tpu.memory_space<hbm>>
    tpu.enqueue_dma source(%dma_start3A_19 : memref<64x128xi32, #tpu.memory_space<hbm>>) target(%arg8 : memref<64x128xi32, #tpu.memory_space<vmem>>) target_semaphore(%arg29 : memref<!tpu.dma_semaphore, #tpu.memory_space<semaphore_mem>>)
    %mul3A_20 = arith.constant 64 : i32
    %mul3A_21 = arith.muli %arg1, %mul3A_20 : i32
    %mul3A_22 = arith.constant 256 : i32
    %mul3A_23 = arith.muli %arg0, %mul3A_22 : i32
    %add3A_24 = arith.constant 128 : i32
    %add3A_25 = arith.addi %mul3A_23, %add3A_24 : i32
    %dma_start3A_26 = tpu.memref_slice %arg3[%mul3A_21, %add3A_25] : memref<1024x512xi32, #tpu.memory_space<hbm>> -> memref<64x128xi32, #tpu.memory_space<hbm>>
    %dma_start3A_27 = tpu.memref_slice %arg3[%mul3A_21, %add3A_25] : memref<1024x512xi32, #tpu.memory_space<hbm>> -> memref<64x128xi32, #tpu.memory_space<hbm>>
    tpu.enqueue_dma source(%dma_start3A_27 : memref<64x128xi32, #tpu.memory_space<hbm>>) target(%arg9 : memref<64x128xi32, #tpu.memory_space<vmem>>) target_semaphore(%arg29 : memref<!tpu.dma_semaphore, #tpu.memory_space<semaphore_mem>>)
    "tpu.region"() ({
      %run_scoped3A = tpu.sem_alloc : memref<!tpu.dma_semaphore, #tpu.memory_space<semaphore_mem>>
      tpu.enqueue_dma source(%arg4 : memref<64xi32, #tpu.memory_space<hbm>>) target(%arg10 : memref<64xi32, #tpu.memory_space<vmem>>) target_semaphore(%run_scoped3A : memref<!tpu.dma_semaphore, #tpu.memory_space<semaphore_mem>>)
      tpu.wait_dma2 semaphore(%run_scoped3A : memref<!tpu.dma_semaphore, #tpu.memory_space<semaphore_mem>>) src(%arg4 : memref<64xi32, #tpu.memory_space<hbm>>) dst(%arg10 : memref<64xi32, #tpu.memory_space<vmem>>)
      tpu.yield
    }) : () -> ()
    %mul3A_28 = arith.constant 64 : i32
    %mul3A_29 = arith.muli %arg1, %mul3A_28 : i32
    %mul3A_30 = arith.constant 256 : i32
    %mul3A_31 = arith.muli %arg0, %mul3A_30 : i32
    %add3A_32 = arith.constant 0 : i32
    %add3A_33 = arith.addi %mul3A_31, %add3A_32 : i32
    %dma_wait3A = tpu.memref_slice %arg3[%mul3A_29, %add3A_33] : memref<1024x512xi32, #tpu.memory_space<hbm>> -> memref<64x128xi32, #tpu.memory_space<hbm>>
    %dma_wait3A_34 = tpu.memref_slice %arg3[%mul3A_29, %add3A_33] : memref<1024x512xi32, #tpu.memory_space<hbm>> -> memref<64x128xi32, #tpu.memory_space<hbm>>
    tpu.wait_dma2 semaphore(%arg29 : memref<!tpu.dma_semaphore, #tpu.memory_space<semaphore_mem>>) src(%dma_wait3A_34 : memref<64x128xi32, #tpu.memory_space<hbm>>) dst(%arg8 : memref<64x128xi32, #tpu.memory_space<vmem>>)
    %mul3A_35 = arith.constant 64 : i32
    %mul3A_36 = arith.muli %arg1, %mul3A_35 : i32
    %mul3A_37 = arith.constant 256 : i32
    %mul3A_38 = arith.muli %arg0, %mul3A_37 : i32
    %add3A_39 = arith.constant 128 : i32
    %add3A_40 = arith.addi %mul3A_38, %add3A_39 : i32
    %dma_wait3A_41 = tpu.memref_slice %arg3[%mul3A_36, %add3A_40] : memref<1024x512xi32, #tpu.memory_space<hbm>> -> memref<64x128xi32, #tpu.memory_space<hbm>>
    %dma_wait3A_42 = tpu.memref_slice %arg3[%mul3A_36, %add3A_40] : memref<1024x512xi32, #tpu.memory_space<hbm>> -> memref<64x128xi32, #tpu.memory_space<hbm>>
    tpu.wait_dma2 semaphore(%arg29 : memref<!tpu.dma_semaphore, #tpu.memory_space<semaphore_mem>>) src(%dma_wait3A_42 : memref<64x128xi32, #tpu.memory_space<hbm>>) dst(%arg9 : memref<64x128xi32, #tpu.memory_space<vmem>>)
    %mul3A_43 = arith.constant 4 : i32
    %mul3A_44 = arith.muli %arg0, %mul3A_43 : i32
    %add3A_45 = arith.constant 0 : i32
    %add3A_46 = arith.addi %mul3A_44, %add3A_45 : i32
    %mul3A_47 = arith.constant 4096 : i32
    %mul3A_48 = arith.muli %add3A_46, %mul3A_47 : i32
    %mul3A_49 = arith.constant 256 : i32
    %mul3A_50 = arith.muli %arg1, %mul3A_49 : i32
    %add3A_51 = arith.addi %mul3A_48, %mul3A_50 : i32
    %mul3A_52 = arith.constant 256 : i32
    %mul3A_53 = arith.muli %arg1, %mul3A_52 : i32
    %dma_wait3A_54 = arith.constant 0 : i32
    %dma_wait3A_55 = tpu.memref_slice %arg6[%mul3A_53, %dma_wait3A_54] : memref<4096x128xf32, #tpu.memory_space<vmem_shared>> -> memref<256x128xf32, #tpu.memory_space<vmem_shared>>
    %dma_wait3A_56 = arith.constant 0 : i32
    %dma_wait3A_57 = tpu.memref_slice %arg2[%add3A_51, %dma_wait3A_56] : memref<32768x128xf32, #tpu.memory_space<hbm>> -> memref<256x128xf32, #tpu.memory_space<hbm>>
    tpu.wait_dma2 semaphore(%arg27 : memref<!tpu.dma_semaphore, #tpu.memory_space<semaphore_mem>>) src(%dma_wait3A_57 : memref<256x128xf32, #tpu.memory_space<hbm>>) dst(%dma_wait3A_55 : memref<256x128xf32, #tpu.memory_space<vmem_shared>>)
    %barrier3A = arith.constant 0 : index
    tpu.barrier barrier_id(%barrier3A)
    %mul3A_58 = arith.constant 4 : i32
    %mul3A_59 = arith.muli %arg0, %mul3A_58 : i32
    %add3A_60 = arith.constant 1 : i32
    %add3A_61 = arith.addi %mul3A_59, %add3A_60 : i32
    %mul3A_62 = arith.constant 4096 : i32
    %mul3A_63 = arith.muli %add3A_61, %mul3A_62 : i32
    %mul3A_64 = arith.constant 256 : i32
    %mul3A_65 = arith.muli %arg1, %mul3A_64 : i32
    %add3A_66 = arith.addi %mul3A_63, %mul3A_65 : i32
    %mul3A_67 = arith.constant 256 : i32
    %mul3A_68 = arith.muli %arg1, %mul3A_67 : i32
    %dma_start3A_69 = arith.constant 0 : i32
    %dma_start3A_70 = tpu.memref_slice %arg7[%mul3A_68, %dma_start3A_69] : memref<4096x128xf32, #tpu.memory_space<vmem_shared>> -> memref<256x128xf32, #tpu.memory_space<vmem_shared>>
    %dma_start3A_71 = arith.constant 0 : i32
    %dma_start3A_72 = tpu.memref_slice %arg2[%add3A_66, %dma_start3A_71] : memref<32768x128xf32, #tpu.memory_space<hbm>> -> memref<256x128xf32, #tpu.memory_space<hbm>>
    tpu.enqueue_dma source(%dma_start3A_72 : memref<256x128xf32, #tpu.memory_space<hbm>>) target(%dma_start3A_70 : memref<256x128xf32, #tpu.memory_space<vmem_shared>>) target_semaphore(%arg28 : memref<!tpu.dma_semaphore, #tpu.memory_space<semaphore_mem>>)
    %get3A = arith.constant 0 : i32
    %get3A_73 = arith.index_cast %get3A : i32 to index
    %get3A_74 = arith.constant 0 : index
    %get3A_75 = tpu.vector_load %arg8[%get3A_73, %get3A_74] {strides = array<i32>} : memref<64x128xi32, #tpu.memory_space<vmem>>, vector<1x16xi32>,
    %get3A_76 = vector.shape_cast %get3A_75 : vector<1x16xi32> to vector<16xi32>
    %get3A_77 = arith.constant 0 : index
    %get3A_78 = tpu.vector_load %arg10[%get3A_77] {strides = array<i32>} : memref<64xi32, #tpu.memory_space<vmem>>, vector<16xi32>,
    %get3A_79 = vector.shape_cast %get3A_78 : vector<16xi32> to vector<16xi32>
    %add3A_80 = arith.addi %get3A_76, %get3A_79 : vector<16xi32>
    %swap3A = arith.constant 0 : index
    %swap3A_81 = tpu.vector_load %arg11[%swap3A] {strides = array<i32>} : memref<64xi32, #tpu.memory_space<vmem>>, vector<16xi32>,
    %swap3A_82 = vector.shape_cast %swap3A_81 : vector<16xi32> to vector<16xi32>
    %swap3A_83 = vector.shape_cast %add3A_80 : vector<16xi32> to vector<16xi32>
    tpu.vector_store %arg11[%swap3A], %swap3A_83 {strides = array<i32>} : memref<64xi32, #tpu.memory_space<vmem>>, vector<16xi32>,
    %get3A_84 = arith.constant 0 : i32
    %get3A_85 = arith.index_cast %get3A_84 : i32 to index
    %get3A_86 = arith.constant 16 : index
    %get3A_87 = tpu.vector_load %arg8[%get3A_85, %get3A_86] {strides = array<i32>} : memref<64x128xi32, #tpu.memory_space<vmem>>, vector<1x16xi32>,
    %get3A_88 = vector.shape_cast %get3A_87 : vector<1x16xi32> to vector<16xi32>
    %get3A_89 = arith.constant 16 : index
    %get3A_90 = tpu.vector_load %arg10[%get3A_89] {strides = array<i32>} : memref<64xi32, #tpu.memory_space<vmem>>, vector<16xi32>,
    %get3A_91 = vector.shape_cast %get3A_90 : vector<16xi32> to vector<16xi32>
    %add3A_92 = arith.addi %get3A_88, %get3A_91 : vector<16xi32>
    %swap3A_93 = arith.constant 16 : index
    %swap3A_94 = tpu.vector_load %arg11[%swap3A_93] {strides = array<i32>} : memref<64xi32, #tpu.memory_space<vmem>>, vector<16xi32>,
    %swap3A_95 = vector.shape_cast %swap3A_94 : vector<16xi32> to vector<16xi32>
    %swap3A_96 = vector.shape_cast %add3A_92 : vector<16xi32> to vector<16xi32>
    tpu.vector_store %arg11[%swap3A_93], %swap3A_96 {strides = array<i32>} : memref<64xi32, #tpu.memory_space<vmem>>, vector<16xi32>,
    %get3A_97 = arith.constant 0 : i32
    %get3A_98 = arith.index_cast %get3A_97 : i32 to index
    %get3A_99 = arith.constant 32 : index
    %get3A_100 = tpu.vector_load %arg8[%get3A_98, %get3A_99] {strides = array<i32>} : memref<64x128xi32, #tpu.memory_space<vmem>>, vector<1x16xi32>,
    %get3A_101 = vector.shape_cast %get3A_100 : vector<1x16xi32> to vector<16xi32>
    %get3A_102 = arith.constant 32 : index
    %get3A_103 = tpu.vector_load %arg10[%get3A_102] {strides = array<i32>} : memref<64xi32, #tpu.memory_space<vmem>>, vector<16xi32>,
    %get3A_104 = vector.shape_cast %get3A_103 : vector<16xi32> to vector<16xi32>
    %add3A_105 = arith.addi %get3A_101, %get3A_104 : vector<16xi32>
    %swap3A_106 = arith.constant 32 : index
    %swap3A_107 = tpu.vector_load %arg11[%swap3A_106] {strides = array<i32>} : memref<64xi32, #tpu.memory_space<vmem>>, vector<16xi32>,
    %swap3A_108 = vector.shape_cast %swap3A_107 : vector<16xi32> to vector<16xi32>
    %swap3A_109 = vector.shape_cast %add3A_105 : vector<16xi32> to vector<16xi32>
    tpu.vector_store %arg11[%swap3A_106], %swap3A_109 {strides = array<i32>} : memref<64xi32, #tpu.memory_space<vmem>>, vector<16xi32>,
    %get3A_110 = arith.constant 0 : i32
    %get3A_111 = arith.index_cast %get3A_110 : i32 to index
    %get3A_112 = arith.constant 48 : index
    %get3A_113 = tpu.vector_load %arg8[%get3A_111, %get3A_112] {strides = array<i32>} : memref<64x128xi32, #tpu.memory_space<vmem>>, vector<1x16xi32>,
    %get3A_114 = vector.shape_cast %get3A_113 : vector<1x16xi32> to vector<16xi32>
    %get3A_115 = arith.constant 48 : index
    %get3A_116 = tpu.vector_load %arg10[%get3A_115] {strides = array<i32>} : memref<64xi32, #tpu.memory_space<vmem>>, vector<16xi32>,
    %get3A_117 = vector.shape_cast %get3A_116 : vector<16xi32> to vector<16xi32>
    %add3A_118 = arith.addi %get3A_114, %get3A_117 : vector<16xi32>
    %swap3A_119 = arith.constant 48 : index
    %swap3A_120 = tpu.vector_load %arg11[%swap3A_119] {strides = array<i32>} : memref<64xi32, #tpu.memory_space<vmem>>, vector<16xi32>,
    %swap3A_121 = vector.shape_cast %swap3A_120 : vector<16xi32> to vector<16xi32>
    %swap3A_122 = vector.shape_cast %add3A_118 : vector<16xi32> to vector<16xi32>
    tpu.vector_store %arg11[%swap3A_119], %swap3A_122 {strides = array<i32>} : memref<64xi32, #tpu.memory_space<vmem>>, vector<16xi32>,
    %dma_start3A_123 = arith.constant 0 : i32
    %dma_start3A_124 = arith.constant 0 : i32
    %dma_start3A_125 = tpu.memref_slice %arg6[%dma_start3A_123, %dma_start3A_124] : memref<4096x128xf32, #tpu.memory_space<vmem_shared>> -> memref<4096x128xf32, #tpu.memory_space<vmem_shared>>
    tpu.enqueue_indirect_dma source(%dma_start3A_125 : memref<4096x128xf32, #tpu.memory_space<vmem_shared>>) target(%arg15 : memref<64x128xf32, #tpu.memory_space<vmem>>) offsets(%arg11 : memref<64xi32, #tpu.memory_space<vmem>>) semaphore(%arg19 : memref<!tpu.dma_semaphore, #tpu.memory_space<semaphore_mem>>)
    %get3A_126 = arith.constant 1 : i32
    %get3A_127 = arith.index_cast %get3A_126 : i32 to index
    %get3A_128 = arith.constant 0 : index
    %get3A_129 = tpu.vector_load %arg8[%get3A_127, %get3A_128] {strides = array<i32>} : memref<64x128xi32, #tpu.memory_space<vmem>>, vector<1x16xi32>,
    %get3A_130 = vector.shape_cast %get3A_129 : vector<1x16xi32> to vector<16xi32>
    %get3A_131 = arith.constant 0 : index
    %get3A_132 = tpu.vector_load %arg10[%get3A_131] {strides = array<i32>} : memref<64xi32, #tpu.memory_space<vmem>>, vector<16xi32>,
    %get3A_133 = vector.shape_cast %get3A_132 : vector<16xi32> to vector<16xi32>
    %add3A_134 = arith.addi %get3A_130, %get3A_133 : vector<16xi32>
    %swap3A_135 = arith.constant 0 : index
    %swap3A_136 = tpu.vector_load %arg12[%swap3A_135] {strides = array<i32>} : memref<64xi32, #tpu.memory_space<vmem>>, vector<16xi32>,
    %swap3A_137 = vector.shape_cast %swap3A_136 : vector<16xi32> to vector<16xi32>
    %swap3A_138 = vector.shape_cast %add3A_134 : vector<16xi32> to vector<16xi32>
    tpu.vector_store %arg12[%swap3A_135], %swap3A_138 {strides = array<i32>} : memref<64xi32, #tpu.memory_space<vmem>>, vector<16xi32>,
    %get3A_139 = arith.constant 1 : i32
    %get3A_140 = arith.index_cast %get3A_139 : i32 to index
    %get3A_141 = arith.constant 16 : index
    %get3A_142 = tpu.vector_load %arg8[%get3A_140, %get3A_141] {strides = array<i32>} : memref<64x128xi32, #tpu.memory_space<vmem>>, vector<1x16xi32>,
    %get3A_143 = vector.shape_cast %get3A_142 : vector<1x16xi32> to vector<16xi32>
    %get3A_144 = arith.constant 16 : index
    %get3A_145 = tpu.vector_load %arg10[%get3A_144] {strides = array<i32>} : memref<64xi32, #tpu.memory_space<vmem>>, vector<16xi32>,
    %get3A_146 = vector.shape_cast %get3A_145 : vector<16xi32> to vector<16xi32>
    %add3A_147 = arith.addi %get3A_143, %get3A_146 : vector<16xi32>
    %swap3A_148 = arith.constant 16 : index
    %swap3A_149 = tpu.vector_load %arg12[%swap3A_148] {strides = array<i32>} : memref<64xi32, #tpu.memory_space<vmem>>, vector<16xi32>,
    %swap3A_150 = vector.shape_cast %swap3A_149 : vector<16xi32> to vector<16xi32>
    %swap3A_151 = vector.shape_cast %add3A_147 : vector<16xi32> to vector<16xi32>
    tpu.vector_store %arg12[%swap3A_148], %swap3A_151 {strides = array<i32>} : memref<64xi32, #tpu.memory_space<vmem>>, vector<16xi32>,
    %get3A_152 = arith.constant 1 : i32
    %get3A_153 = arith.index_cast %get3A_152 : i32 to index
    %get3A_154 = arith.constant 32 : index
    %get3A_155 = tpu.vector_load %arg8[%get3A_153, %get3A_154] {strides = array<i32>} : memref<64x128xi32, #tpu.memory_space<vmem>>, vector<1x16xi32>,
    %get3A_156 = vector.shape_cast %get3A_155 : vector<1x16xi32> to vector<16xi32>
    %get3A_157 = arith.constant 32 : index
    %get3A_158 = tpu.vector_load %arg10[%get3A_157] {strides = array<i32>} : memref<64xi32, #tpu.memory_space<vmem>>, vector<16xi32>,
    %get3A_159 = vector.shape_cast %get3A_158 : vector<16xi32> to vector<16xi32>
    %add3A_160 = arith.addi %get3A_156, %get3A_159 : vector<16xi32>
    %swap3A_161 = arith.constant 32 : index
    %swap3A_162 = tpu.vector_load %arg12[%swap3A_161] {strides = array<i32>} : memref<64xi32, #tpu.memory_space<vmem>>, vector<16xi32>,
    %swap3A_163 = vector.shape_cast %swap3A_162 : vector<16xi32> to vector<16xi32>
    %swap3A_164 = vector.shape_cast %add3A_160 : vector<16xi32> to vector<16xi32>
    tpu.vector_store %arg12[%swap3A_161], %swap3A_164 {strides = array<i32>} : memref<64xi32, #tpu.memory_space<vmem>>, vector<16xi32>,
    %get3A_165 = arith.constant 1 : i32
    %get3A_166 = arith.index_cast %get3A_165 : i32 to index
    %get3A_167 = arith.constant 48 : index
    %get3A_168 = tpu.vector_load %arg8[%get3A_166, %get3A_167] {strides = array<i32>} : memref<64x128xi32, #tpu.memory_space<vmem>>, vector<1x16xi32>,
    %get3A_169 = vector.shape_cast %get3A_168 : vector<1x16xi32> to vector<16xi32>
    %get3A_170 = arith.constant 48 : index
    %get3A_171 = tpu.vector_load %arg10[%get3A_170] {strides = array<i32>} : memref<64xi32, #tpu.memory_space<vmem>>, vector<16xi32>,
    %get3A_172 = vector.shape_cast %get3A_171 : vector<16xi32> to vector<16xi32>
    %add3A_173 = arith.addi %get3A_169, %get3A_172 : vector<16xi32>
    %swap3A_174 = arith.constant 48 : index
    %swap3A_175 = tpu.vector_load %arg12[%swap3A_174] {strides = array<i32>} : memref<64xi32, #tpu.memory_space<vmem>>, vector<16xi32>,
    %swap3A_176 = vector.shape_cast %swap3A_175 : vector<16xi32> to vector<16xi32>
    %swap3A_177 = vector.shape_cast %add3A_173 : vector<16xi32> to vector<16xi32>
    tpu.vector_store %arg12[%swap3A_174], %swap3A_177 {strides = array<i32>} : memref<64xi32, #tpu.memory_space<vmem>>, vector<16xi32>,
    %dma_start3A_178 = arith.constant 0 : i32
    %dma_start3A_179 = arith.constant 0 : i32
    %dma_start3A_180 = tpu.memref_slice %arg6[%dma_start3A_178, %dma_start3A_179] : memref<4096x128xf32, #tpu.memory_space<vmem_shared>> -> memref<4096x128xf32, #tpu.memory_space<vmem_shared>>
    tpu.enqueue_indirect_dma source(%dma_start3A_180 : memref<4096x128xf32, #tpu.memory_space<vmem_shared>>) target(%arg16 : memref<64x128xf32, #tpu.memory_space<vmem>>) offsets(%arg12 : memref<64xi32, #tpu.memory_space<vmem>>) semaphore(%arg20 : memref<!tpu.dma_semaphore, #tpu.memory_space<semaphore_mem>>)
    %scan3A = arith.constant 0 : i32
    %scan3A_181 = arith.constant 0 : i32
    %scan3A_182 = arith.constant 16 : i32
    %scan3A_183 = arith.addi %scan3A_181, %scan3A_182 : i32
    %scan3A_184 = arith.constant 1 : i32
    scf.for %scan3A_738 = %scan3A_181 to %scan3A_183 step %scan3A_184  : i32 {
      %mul3A_739 = arith.constant 4 : i32
      %mul3A_740 = arith.muli %scan3A_738, %mul3A_739 : i32
      %add3A_741 = arith.constant 0 : i32
      %add3A_742 = arith.addi %mul3A_740, %add3A_741 : i32
      %mul3A_743 = arith.constant 4 : i32
      %mul3A_744 = arith.muli %scan3A_738, %mul3A_743 : i32
      %add3A_745 = arith.constant 0 : i32
      %add3A_746 = arith.addi %mul3A_744, %add3A_745 : i32
      %add3A_747 = arith.constant 2 : i32
      %add3A_748 = arith.addi %add3A_742, %add3A_747 : i32
      %mul3A_749 = arith.constant 4 : i32
      %mul3A_750 = arith.muli %scan3A_738, %mul3A_749 : i32
      %add3A_751 = arith.constant 2 : i32
      %add3A_752 = arith.addi %mul3A_750, %add3A_751 : i32
      %lt3A = arith.constant 64 : i32
      %lt3A_753 = arith.cmpi slt, %add3A_748, %lt3A : i32
      %convert_element_type3A = arith.extui %lt3A_753 : i1 to i32
      %cond3A = arith.constant 0 : i32
      %cond3A_754 = arith.cmpi ne, %convert_element_type3A, %cond3A : i32
      scf.if %cond3A_754 {
        %ge3A = arith.constant 4 : i32
        %ge3A_888 = arith.cmpi sge, %add3A_748, %ge3A : i32
        %convert_element_type3A_889 = arith.extui %ge3A_888 : i1 to i32
        %cond3A_890 = arith.constant 0 : i32
        %cond3A_891 = arith.cmpi ne, %convert_element_type3A_889, %cond3A_890 : i32
        scf.if %cond3A_891 {
          %mul3A_943 = arith.constant 64 : i32
          %mul3A_944 = arith.muli %arg1, %mul3A_943 : i32
          %add3A_945 = arith.constant 0 : i32
          %add3A_946 = arith.addi %mul3A_944, %add3A_945 : i32
          %mul3A_947 = arith.constant 512 : i32
          %mul3A_948 = arith.muli %add3A_946, %mul3A_947 : i32
          %mul3A_949 = arith.constant 256 : i32
          %mul3A_950 = arith.muli %arg0, %mul3A_949 : i32
          %add3A_951 = arith.addi %mul3A_948, %mul3A_950 : i32
          %add3A_952 = arith.constant 0 : i32
          %add3A_953 = arith.addi %add3A_951, %add3A_952 : i32
          %add3A_954 = arith.constant 0 : i32
          %add3A_955 = arith.addi %add3A_953, %add3A_954 : i32
          %dma_wait3A_956 = arith.constant 0 : i32
          %dma_wait3A_957 = tpu.memref_slice %arg5[%add3A_955, %dma_wait3A_956] : memref<524288x128xf32, #tpu.memory_space<hbm>> -> memref<64x128xf32, #tpu.memory_space<hbm>>
          %dma_wait3A_958 = arith.constant 0 : i32
          %dma_wait3A_959 = tpu.memref_slice %arg5[%add3A_955, %dma_wait3A_958] : memref<524288x128xf32, #tpu.memory_space<hbm>> -> memref<64x128xf32, #tpu.memory_space<hbm>>
          tpu.wait_dma2 semaphore(%arg25 : memref<!tpu.dma_semaphore, #tpu.memory_space<semaphore_mem>>) src(%arg17 : memref<64x128xf32, #tpu.memory_space<vmem>>) dst(%dma_wait3A_959 : memref<64x128xf32, #tpu.memory_space<hbm>>)
        } else {
        }
        %get3A_892 = arith.index_cast %add3A_752 : i32 to index
        %get3A_893 = arith.constant 0 : index
        %get3A_894 = tpu.vector_load %arg8[%get3A_892, %get3A_893] {strides = array<i32>} : memref<64x128xi32, #tpu.memory_space<vmem>>, vector<1x16xi32>,
        %get3A_895 = vector.shape_cast %get3A_894 : vector<1x16xi32> to vector<16xi32>
        %get3A_896 = arith.constant 0 : index
        %get3A_897 = tpu.vector_load %arg10[%get3A_896] {strides = array<i32>} : memref<64xi32, #tpu.memory_space<vmem>>, vector<16xi32>,
        %get3A_898 = vector.shape_cast %get3A_897 : vector<16xi32> to vector<16xi32>
        %add3A_899 = arith.addi %get3A_895, %get3A_898 : vector<16xi32>
        %swap3A_900 = arith.constant 0 : index
        %swap3A_901 = tpu.vector_load %arg13[%swap3A_900] {strides = array<i32>} : memref<64xi32, #tpu.memory_space<vmem>>, vector<16xi32>,
        %swap3A_902 = vector.shape_cast %swap3A_901 : vector<16xi32> to vector<16xi32>
        %swap3A_903 = vector.shape_cast %add3A_899 : vector<16xi32> to vector<16xi32>
        tpu.vector_store %arg13[%swap3A_900], %swap3A_903 {strides = array<i32>} : memref<64xi32, #tpu.memory_space<vmem>>, vector<16xi32>,
        %get3A_904 = arith.index_cast %add3A_752 : i32 to index
        %get3A_905 = arith.constant 16 : index
        %get3A_906 = tpu.vector_load %arg8[%get3A_904, %get3A_905] {strides = array<i32>} : memref<64x128xi32, #tpu.memory_space<vmem>>, vector<1x16xi32>,
        %get3A_907 = vector.shape_cast %get3A_906 : vector<1x16xi32> to vector<16xi32>
        %get3A_908 = arith.constant 16 : index
        %get3A_909 = tpu.vector_load %arg10[%get3A_908] {strides = array<i32>} : memref<64xi32, #tpu.memory_space<vmem>>, vector<16xi32>,
        %get3A_910 = vector.shape_cast %get3A_909 : vector<16xi32> to vector<16xi32>
        %add3A_911 = arith.addi %get3A_907, %get3A_910 : vector<16xi32>
        %swap3A_912 = arith.constant 16 : index
        %swap3A_913 = tpu.vector_load %arg13[%swap3A_912] {strides = array<i32>} : memref<64xi32, #tpu.memory_space<vmem>>, vector<16xi32>,
        %swap3A_914 = vector.shape_cast %swap3A_913 : vector<16xi32> to vector<16xi32>
        %swap3A_915 = vector.shape_cast %add3A_911 : vector<16xi32> to vector<16xi32>
        tpu.vector_store %arg13[%swap3A_912], %swap3A_915 {strides = array<i32>} : memref<64xi32, #tpu.memory_space<vmem>>, vector<16xi32>,
        %get3A_916 = arith.index_cast %add3A_752 : i32 to index
        %get3A_917 = arith.constant 32 : index
        %get3A_918 = tpu.vector_load %arg8[%get3A_916, %get3A_917] {strides = array<i32>} : memref<64x128xi32, #tpu.memory_space<vmem>>, vector<1x16xi32>,
        %get3A_919 = vector.shape_cast %get3A_918 : vector<1x16xi32> to vector<16xi32>
        %get3A_920 = arith.constant 32 : index
        %get3A_921 = tpu.vector_load %arg10[%get3A_920] {strides = array<i32>} : memref<64xi32, #tpu.memory_space<vmem>>, vector<16xi32>,
        %get3A_922 = vector.shape_cast %get3A_921 : vector<16xi32> to vector<16xi32>
        %add3A_923 = arith.addi %get3A_919, %get3A_922 : vector<16xi32>
        %swap3A_924 = arith.constant 32 : index
        %swap3A_925 = tpu.vector_load %arg13[%swap3A_924] {strides = array<i32>} : memref<64xi32, #tpu.memory_space<vmem>>, vector<16xi32>,
        %swap3A_926 = vector.shape_cast %swap3A_925 : vector<16xi32> to vector<16xi32>
        %swap3A_927 = vector.shape_cast %add3A_923 : vector<16xi32> to vector<16xi32>
        tpu.vector_store %arg13[%swap3A_924], %swap3A_927 {strides = array<i32>} : memref<64xi32, #tpu.memory_space<vmem>>, vector<16xi32>,
        %get3A_928 = arith.index_cast %add3A_752 : i32 to index
        %get3A_929 = arith.constant 48 : index
        %get3A_930 = tpu.vector_load %arg8[%get3A_928, %get3A_929] {strides = array<i32>} : memref<64x128xi32, #tpu.memory_space<vmem>>, vector<1x16xi32>,
        %get3A_931 = vector.shape_cast %get3A_930 : vector<1x16xi32> to vector<16xi32>
        %get3A_932 = arith.constant 48 : index
        %get3A_933 = tpu.vector_load %arg10[%get3A_932] {strides = array<i32>} : memref<64xi32, #tpu.memory_space<vmem>>, vector<16xi32>,
        %get3A_934 = vector.shape_cast %get3A_933 : vector<16xi32> to vector<16xi32>
        %add3A_935 = arith.addi %get3A_931, %get3A_934 : vector<16xi32>
        %swap3A_936 = arith.constant 48 : index
        %swap3A_937 = tpu.vector_load %arg13[%swap3A_936] {strides = array<i32>} : memref<64xi32, #tpu.memory_space<vmem>>, vector<16xi32>,
        %swap3A_938 = vector.shape_cast %swap3A_937 : vector<16xi32> to vector<16xi32>
        %swap3A_939 = vector.shape_cast %add3A_935 : vector<16xi32> to vector<16xi32>
        tpu.vector_store %arg13[%swap3A_936], %swap3A_939 {strides = array<i32>} : memref<64xi32, #tpu.memory_space<vmem>>, vector<16xi32>,
        %dma_start3A_940 = arith.constant 0 : i32
        %dma_start3A_941 = arith.constant 0 : i32
        %dma_start3A_942 = tpu.memref_slice %arg6[%dma_start3A_940, %dma_start3A_941] : memref<4096x128xf32, #tpu.memory_space<vmem_shared>> -> memref<4096x128xf32, #tpu.memory_space<vmem_shared>>
        tpu.enqueue_indirect_dma source(%dma_start3A_942 : memref<4096x128xf32, #tpu.memory_space<vmem_shared>>) target(%arg17 : memref<64x128xf32, #tpu.memory_space<vmem>>) offsets(%arg13 : memref<64xi32, #tpu.memory_space<vmem>>) semaphore(%arg21 : memref<!tpu.dma_semaphore, #tpu.memory_space<semaphore_mem>>)
      } else {
      }
      %dma_wait3A_755 = arith.constant 0 : i32
      %dma_wait3A_756 = arith.constant 0 : i32
      %dma_wait3A_757 = tpu.memref_slice %arg6[%dma_wait3A_755, %dma_wait3A_756] : memref<4096x128xf32, #tpu.memory_space<vmem_shared>> -> memref<4096x128xf32, #tpu.memory_space<vmem_shared>>
      tpu.wait_indirect_dma semaphore(%arg19 : memref<!tpu.dma_semaphore, #tpu.memory_space<semaphore_mem>>) src(%dma_wait3A_757 : memref<4096x128xf32, #tpu.memory_space<vmem_shared>>) dst(%arg15 : memref<64x128xf32, #tpu.memory_space<vmem>>)
      %mul3A_758 = arith.constant 64 : i32
      %mul3A_759 = arith.muli %arg1, %mul3A_758 : i32
      %add3A_760 = arith.addi %mul3A_759, %add3A_746 : i32
      %mul3A_761 = arith.constant 512 : i32
      %mul3A_762 = arith.muli %add3A_760, %mul3A_761 : i32
      %mul3A_763 = arith.constant 256 : i32
      %mul3A_764 = arith.muli %arg0, %mul3A_763 : i32
      %add3A_765 = arith.addi %mul3A_762, %mul3A_764 : i32
      %add3A_766 = arith.constant 0 : i32
      %add3A_767 = arith.addi %add3A_765, %add3A_766 : i32
      %add3A_768 = arith.constant 0 : i32
      %add3A_769 = arith.addi %add3A_767, %add3A_768 : i32
      %dma_start3A_770 = arith.constant 0 : i32
      %dma_start3A_771 = tpu.memref_slice %arg5[%add3A_769, %dma_start3A_770] : memref<524288x128xf32, #tpu.memory_space<hbm>> -> memref<64x128xf32, #tpu.memory_space<hbm>>
      %dma_start3A_772 = arith.constant 0 : i32
      %dma_start3A_773 = tpu.memref_slice %arg5[%add3A_769, %dma_start3A_772] : memref<524288x128xf32, #tpu.memory_space<hbm>> -> memref<64x128xf32, #tpu.memory_space<hbm>>
      tpu.enqueue_dma source(%arg15 : memref<64x128xf32, #tpu.memory_space<vmem>>) target(%dma_start3A_773 : memref<64x128xf32, #tpu.memory_space<hbm>>) target_semaphore(%arg23 : memref<!tpu.dma_semaphore, #tpu.memory_space<semaphore_mem>>)
      %mul3A_774 = arith.constant 4 : i32
      %mul3A_775 = arith.muli %scan3A_738, %mul3A_774 : i32
      %add3A_776 = arith.constant 1 : i32
      %add3A_777 = arith.addi %mul3A_775, %add3A_776 : i32
      %mul3A_778 = arith.constant 4 : i32
      %mul3A_779 = arith.muli %scan3A_738, %mul3A_778 : i32
      %add3A_780 = arith.constant 1 : i32
      %add3A_781 = arith.addi %mul3A_779, %add3A_780 : i32
      %add3A_782 = arith.constant 2 : i32
      %add3A_783 = arith.addi %add3A_777, %add3A_782 : i32
      %mul3A_784 = arith.constant 4 : i32
      %mul3A_785 = arith.muli %scan3A_738, %mul3A_784 : i32
      %add3A_786 = arith.constant 3 : i32
      %add3A_787 = arith.addi %mul3A_785, %add3A_786 : i32
      %lt3A_788 = arith.constant 64 : i32
      %lt3A_789 = arith.cmpi slt, %add3A_783, %lt3A_788 : i32
      %convert_element_type3A_790 = arith.extui %lt3A_789 : i1 to i32
      %cond3A_791 = arith.constant 0 : i32
      %cond3A_792 = arith.cmpi ne, %convert_element_type3A_790, %cond3A_791 : i32
      scf.if %cond3A_792 {
        %ge3A = arith.constant 4 : i32
        %ge3A_888 = arith.cmpi sge, %add3A_783, %ge3A : i32
        %convert_element_type3A_889 = arith.extui %ge3A_888 : i1 to i32
        %cond3A_890 = arith.constant 0 : i32
        %cond3A_891 = arith.cmpi ne, %convert_element_type3A_889, %cond3A_890 : i32
        scf.if %cond3A_891 {
          %mul3A_943 = arith.constant 64 : i32
          %mul3A_944 = arith.muli %arg1, %mul3A_943 : i32
          %add3A_945 = arith.constant 0 : i32
          %add3A_946 = arith.addi %mul3A_944, %add3A_945 : i32
          %mul3A_947 = arith.constant 512 : i32
          %mul3A_948 = arith.muli %add3A_946, %mul3A_947 : i32
          %mul3A_949 = arith.constant 256 : i32
          %mul3A_950 = arith.muli %arg0, %mul3A_949 : i32
          %add3A_951 = arith.addi %mul3A_948, %mul3A_950 : i32
          %add3A_952 = arith.constant 0 : i32
          %add3A_953 = arith.addi %add3A_951, %add3A_952 : i32
          %add3A_954 = arith.constant 0 : i32
          %add3A_955 = arith.addi %add3A_953, %add3A_954 : i32
          %dma_wait3A_956 = arith.constant 0 : i32
          %dma_wait3A_957 = tpu.memref_slice %arg5[%add3A_955, %dma_wait3A_956] : memref<524288x128xf32, #tpu.memory_space<hbm>> -> memref<64x128xf32, #tpu.memory_space<hbm>>
          %dma_wait3A_958 = arith.constant 0 : i32
          %dma_wait3A_959 = tpu.memref_slice %arg5[%add3A_955, %dma_wait3A_958] : memref<524288x128xf32, #tpu.memory_space<hbm>> -> memref<64x128xf32, #tpu.memory_space<hbm>>
          tpu.wait_dma2 semaphore(%arg26 : memref<!tpu.dma_semaphore, #tpu.memory_space<semaphore_mem>>) src(%arg18 : memref<64x128xf32, #tpu.memory_space<vmem>>) dst(%dma_wait3A_959 : memref<64x128xf32, #tpu.memory_space<hbm>>)
        } else {
        }
        %get3A_892 = arith.index_cast %add3A_787 : i32 to index
        %get3A_893 = arith.constant 0 : index
        %get3A_894 = tpu.vector_load %arg8[%get3A_892, %get3A_893] {strides = array<i32>} : memref<64x128xi32, #tpu.memory_space<vmem>>, vector<1x16xi32>,
        %get3A_895 = vector.shape_cast %get3A_894 : vector<1x16xi32> to vector<16xi32>
        %get3A_896 = arith.constant 0 : index
        %get3A_897 = tpu.vector_load %arg10[%get3A_896] {strides = array<i32>} : memref<64xi32, #tpu.memory_space<vmem>>, vector<16xi32>,
        %get3A_898 = vector.shape_cast %get3A_897 : vector<16xi32> to vector<16xi32>
        %add3A_899 = arith.addi %get3A_895, %get3A_898 : vector<16xi32>
        %swap3A_900 = arith.constant 0 : index
        %swap3A_901 = tpu.vector_load %arg14[%swap3A_900] {strides = array<i32>} : memref<64xi32, #tpu.memory_space<vmem>>, vector<16xi32>,
        %swap3A_902 = vector.shape_cast %swap3A_901 : vector<16xi32> to vector<16xi32>
        %swap3A_903 = vector.shape_cast %add3A_899 : vector<16xi32> to vector<16xi32>
        tpu.vector_store %arg14[%swap3A_900], %swap3A_903 {strides = array<i32>} : memref<64xi32, #tpu.memory_space<vmem>>, vector<16xi32>,
        %get3A_904 = arith.index_cast %add3A_787 : i32 to index
        %get3A_905 = arith.constant 16 : index
        %get3A_906 = tpu.vector_load %arg8[%get3A_904, %get3A_905] {strides = array<i32>} : memref<64x128xi32, #tpu.memory_space<vmem>>, vector<1x16xi32>,
        %get3A_907 = vector.shape_cast %get3A_906 : vector<1x16xi32> to vector<16xi32>
        %get3A_908 = arith.constant 16 : index
        %get3A_909 = tpu.vector_load %arg10[%get3A_908] {strides = array<i32>} : memref<64xi32, #tpu.memory_space<vmem>>, vector<16xi32>,
        %get3A_910 = vector.shape_cast %get3A_909 : vector<16xi32> to vector<16xi32>
        %add3A_911 = arith.addi %get3A_907, %get3A_910 : vector<16xi32>
        %swap3A_912 = arith.constant 16 : index
        %swap3A_913 = tpu.vector_load %arg14[%swap3A_912] {strides = array<i32>} : memref<64xi32, #tpu.memory_space<vmem>>, vector<16xi32>,
        %swap3A_914 = vector.shape_cast %swap3A_913 : vector<16xi32> to vector<16xi32>
        %swap3A_915 = vector.shape_cast %add3A_911 : vector<16xi32> to vector<16xi32>
        tpu.vector_store %arg14[%swap3A_912], %swap3A_915 {strides = array<i32>} : memref<64xi32, #tpu.memory_space<vmem>>, vector<16xi32>,
        %get3A_916 = arith.index_cast %add3A_787 : i32 to index
        %get3A_917 = arith.constant 32 : index
        %get3A_918 = tpu.vector_load %arg8[%get3A_916, %get3A_917] {strides = array<i32>} : memref<64x128xi32, #tpu.memory_space<vmem>>, vector<1x16xi32>,
        %get3A_919 = vector.shape_cast %get3A_918 : vector<1x16xi32> to vector<16xi32>
        %get3A_920 = arith.constant 32 : index
        %get3A_921 = tpu.vector_load %arg10[%get3A_920] {strides = array<i32>} : memref<64xi32, #tpu.memory_space<vmem>>, vector<16xi32>,
        %get3A_922 = vector.shape_cast %get3A_921 : vector<16xi32> to vector<16xi32>
        %add3A_923 = arith.addi %get3A_919, %get3A_922 : vector<16xi32>
        %swap3A_924 = arith.constant 32 : index
        %swap3A_925 = tpu.vector_load %arg14[%swap3A_924] {strides = array<i32>} : memref<64xi32, #tpu.memory_space<vmem>>, vector<16xi32>,
        %swap3A_926 = vector.shape_cast %swap3A_925 : vector<16xi32> to vector<16xi32>
        %swap3A_927 = vector.shape_cast %add3A_923 : vector<16xi32> to vector<16xi32>
        tpu.vector_store %arg14[%swap3A_924], %swap3A_927 {strides = array<i32>} : memref<64xi32, #tpu.memory_space<vmem>>, vector<16xi32>,
        %get3A_928 = arith.index_cast %add3A_787 : i32 to index
        %get3A_929 = arith.constant 48 : index
        %get3A_930 = tpu.vector_load %arg8[%get3A_928, %get3A_929] {strides = array<i32>} : memref<64x128xi32, #tpu.memory_space<vmem>>, vector<1x16xi32>,
        %get3A_931 = vector.shape_cast %get3A_930 : vector<1x16xi32> to vector<16xi32>
        %get3A_932 = arith.constant 48 : index
        %get3A_933 = tpu.vector_load %arg10[%get3A_932] {strides = array<i32>} : memref<64xi32, #tpu.memory_space<vmem>>, vector<16xi32>,
        %get3A_934 = vector.shape_cast %get3A_933 : vector<16xi32> to vector<16xi32>
        %add3A_935 = arith.addi %get3A_931, %get3A_934 : vector<16xi32>
        %swap3A_936 = arith.constant 48 : index
        %swap3A_937 = tpu.vector_load %arg14[%swap3A_936] {strides = array<i32>} : memref<64xi32, #tpu.memory_space<vmem>>, vector<16xi32>,
        %swap3A_938 = vector.shape_cast %swap3A_937 : vector<16xi32> to vector<16xi32>
        %swap3A_939 = vector.shape_cast %add3A_935 : vector<16xi32> to vector<16xi32>
        tpu.vector_store %arg14[%swap3A_936], %swap3A_939 {strides = array<i32>} : memref<64xi32, #tpu.memory_space<vmem>>, vector<16xi32>,
        %dma_start3A_940 = arith.constant 0 : i32
        %dma_start3A_941 = arith.constant 0 : i32
        %dma_start3A_942 = tpu.memref_slice %arg6[%dma_start3A_940, %dma_start3A_941] : memref<4096x128xf32, #tpu.memory_space<vmem_shared>> -> memref<4096x128xf32, #tpu.memory_space<vmem_shared>>
        tpu.enqueue_indirect_dma source(%dma_start3A_942 : memref<4096x128xf32, #tpu.memory_space<vmem_shared>>) target(%arg18 : memref<64x128xf32, #tpu.memory_space<vmem>>) offsets(%arg14 : memref<64xi32, #tpu.memory_space<vmem>>) semaphore(%arg22 : memref<!tpu.dma_semaphore, #tpu.memory_space<semaphore_mem>>)
      } else {
      }
      %dma_wait3A_793 = arith.constant 0 : i32
      %dma_wait3A_794 = arith.constant 0 : i32
      %dma_wait3A_795 = tpu.memref_slice %arg6[%dma_wait3A_793, %dma_wait3A_794] : memref<4096x128xf32, #tpu.memory_space<vmem_shared>> -> memref<4096x128xf32, #tpu.memory_space<vmem_shared>>
      tpu.wait_indirect_dma semaphore(%arg20 : memref<!tpu.dma_semaphore, #tpu.memory_space<semaphore_mem>>) src(%dma_wait3A_795 : memref<4096x128xf32, #tpu.memory_space<vmem_shared>>) dst(%arg16 : memref<64x128xf32, #tpu.memory_space<vmem>>)
      %mul3A_796 = arith.constant 64 : i32
      %mul3A_797 = arith.muli %arg1, %mul3A_796 : i32
      %add3A_798 = arith.addi %mul3A_797, %add3A_781 : i32
      %mul3A_799 = arith.constant 512 : i32
      %mul3A_800 = arith.muli %add3A_798, %mul3A_799 : i32
      %mul3A_801 = arith.constant 256 : i32
      %mul3A_802 = arith.muli %arg0, %mul3A_801 : i32
      %add3A_803 = arith.addi %mul3A_800, %mul3A_802 : i32
      %add3A_804 = arith.constant 0 : i32
      %add3A_805 = arith.addi %add3A_803, %add3A_804 : i32
      %add3A_806 = arith.constant 0 : i32
      %add3A_807 = arith.addi %add3A_805, %add3A_806 : i32
      %dma_start3A_808 = arith.constant 0 : i32
      %dma_start3A_809 = tpu.memref_slice %arg5[%add3A_807, %dma_start3A_808] : memref<524288x128xf32, #tpu.memory_space<hbm>> -> memref<64x128xf32, #tpu.memory_space<hbm>>
      %dma_start3A_810 = arith.constant 0 : i32
      %dma_start3A_811 = tpu.memref_slice %arg5[%add3A_807, %dma_start3A_810] : memref<524288x128xf32, #tpu.memory_space<hbm>> -> memref<64x128xf32, #tpu.memory_space<hbm>>
      tpu.enqueue_dma source(%arg16 : memref<64x128xf32, #tpu.memory_space<vmem>>) target(%dma_start3A_811 : memref<64x128xf32, #tpu.memory_space<hbm>>) target_semaphore(%arg24 : memref<!tpu.dma_semaphore, #tpu.memory_space<semaphore_mem>>)
      %mul3A_812 = arith.constant 4 : i32
      %mul3A_813 = arith.muli %scan3A_738, %mul3A_812 : i32
      %add3A_814 = arith.constant 2 : i32
      %add3A_815 = arith.addi %mul3A_813, %add3A_814 : i32
      %mul3A_816 = arith.constant 4 : i32
      %mul3A_817 = arith.muli %scan3A_738, %mul3A_816 : i32
      %add3A_818 = arith.constant 2 : i32
      %add3A_819 = arith.addi %mul3A_817, %add3A_818 : i32
      %add3A_820 = arith.constant 2 : i32
      %add3A_821 = arith.addi %add3A_815, %add3A_820 : i32
      %mul3A_822 = arith.constant 4 : i32
      %mul3A_823 = arith.muli %scan3A_738, %mul3A_822 : i32
      %add3A_824 = arith.constant 4 : i32
      %add3A_825 = arith.addi %mul3A_823, %add3A_824 : i32
      %lt3A_826 = arith.constant 64 : i32
      %lt3A_827 = arith.cmpi slt, %add3A_821, %lt3A_826 : i32
      %convert_element_type3A_828 = arith.extui %lt3A_827 : i1 to i32
      %cond3A_829 = arith.constant 0 : i32
      %cond3A_830 = arith.cmpi ne, %convert_element_type3A_828, %cond3A_829 : i32
      scf.if %cond3A_830 {
        %ge3A = arith.constant 4 : i32
        %ge3A_888 = arith.cmpi sge, %add3A_821, %ge3A : i32
        %convert_element_type3A_889 = arith.extui %ge3A_888 : i1 to i32
        %cond3A_890 = arith.constant 0 : i32
        %cond3A_891 = arith.cmpi ne, %convert_element_type3A_889, %cond3A_890 : i32
        scf.if %cond3A_891 {
          %mul3A_943 = arith.constant 64 : i32
          %mul3A_944 = arith.muli %arg1, %mul3A_943 : i32
          %add3A_945 = arith.constant 0 : i32
          %add3A_946 = arith.addi %mul3A_944, %add3A_945 : i32
          %mul3A_947 = arith.constant 512 : i32
          %mul3A_948 = arith.muli %add3A_946, %mul3A_947 : i32
          %mul3A_949 = arith.constant 256 : i32
          %mul3A_950 = arith.muli %arg0, %mul3A_949 : i32
          %add3A_951 = arith.addi %mul3A_948, %mul3A_950 : i32
          %add3A_952 = arith.constant 0 : i32
          %add3A_953 = arith.addi %add3A_951, %add3A_952 : i32
          %add3A_954 = arith.constant 0 : i32
          %add3A_955 = arith.addi %add3A_953, %add3A_954 : i32
          %dma_wait3A_956 = arith.constant 0 : i32
          %dma_wait3A_957 = tpu.memref_slice %arg5[%add3A_955, %dma_wait3A_956] : memref<524288x128xf32, #tpu.memory_space<hbm>> -> memref<64x128xf32, #tpu.memory_space<hbm>>
          %dma_wait3A_958 = arith.constant 0 : i32
          %dma_wait3A_959 = tpu.memref_slice %arg5[%add3A_955, %dma_wait3A_958] : memref<524288x128xf32, #tpu.memory_space<hbm>> -> memref<64x128xf32, #tpu.memory_space<hbm>>
          tpu.wait_dma2 semaphore(%arg23 : memref<!tpu.dma_semaphore, #tpu.memory_space<semaphore_mem>>) src(%arg15 : memref<64x128xf32, #tpu.memory_space<vmem>>) dst(%dma_wait3A_959 : memref<64x128xf32, #tpu.memory_space<hbm>>)
        } else {
        }
        %get3A_892 = arith.index_cast %add3A_825 : i32 to index
        %get3A_893 = arith.constant 0 : index
        %get3A_894 = tpu.vector_load %arg8[%get3A_892, %get3A_893] {strides = array<i32>} : memref<64x128xi32, #tpu.memory_space<vmem>>, vector<1x16xi32>,
        %get3A_895 = vector.shape_cast %get3A_894 : vector<1x16xi32> to vector<16xi32>
        %get3A_896 = arith.constant 0 : index
        %get3A_897 = tpu.vector_load %arg10[%get3A_896] {strides = array<i32>} : memref<64xi32, #tpu.memory_space<vmem>>, vector<16xi32>,
        %get3A_898 = vector.shape_cast %get3A_897 : vector<16xi32> to vector<16xi32>
        %add3A_899 = arith.addi %get3A_895, %get3A_898 : vector<16xi32>
        %swap3A_900 = arith.constant 0 : index
        %swap3A_901 = tpu.vector_load %arg11[%swap3A_900] {strides = array<i32>} : memref<64xi32, #tpu.memory_space<vmem>>, vector<16xi32>,
        %swap3A_902 = vector.shape_cast %swap3A_901 : vector<16xi32> to vector<16xi32>
        %swap3A_903 = vector.shape_cast %add3A_899 : vector<16xi32> to vector<16xi32>
        tpu.vector_store %arg11[%swap3A_900], %swap3A_903 {strides = array<i32>} : memref<64xi32, #tpu.memory_space<vmem>>, vector<16xi32>,
        %get3A_904 = arith.index_cast %add3A_825 : i32 to index
        %get3A_905 = arith.constant 16 : index
        %get3A_906 = tpu.vector_load %arg8[%get3A_904, %get3A_905] {strides = array<i32>} : memref<64x128xi32, #tpu.memory_space<vmem>>, vector<1x16xi32>,
        %get3A_907 = vector.shape_cast %get3A_906 : vector<1x16xi32> to vector<16xi32>
        %get3A_908 = arith.constant 16 : index
        %get3A_909 = tpu.vector_load %arg10[%get3A_908] {strides = array<i32>} : memref<64xi32, #tpu.memory_space<vmem>>, vector<16xi32>,
        %get3A_910 = vector.shape_cast %get3A_909 : vector<16xi32> to vector<16xi32>
        %add3A_911 = arith.addi %get3A_907, %get3A_910 : vector<16xi32>
        %swap3A_912 = arith.constant 16 : index
        %swap3A_913 = tpu.vector_load %arg11[%swap3A_912] {strides = array<i32>} : memref<64xi32, #tpu.memory_space<vmem>>, vector<16xi32>,
        %swap3A_914 = vector.shape_cast %swap3A_913 : vector<16xi32> to vector<16xi32>
        %swap3A_915 = vector.shape_cast %add3A_911 : vector<16xi32> to vector<16xi32>
        tpu.vector_store %arg11[%swap3A_912], %swap3A_915 {strides = array<i32>} : memref<64xi32, #tpu.memory_space<vmem>>, vector<16xi32>,
        %get3A_916 = arith.index_cast %add3A_825 : i32 to index
        %get3A_917 = arith.constant 32 : index
        %get3A_918 = tpu.vector_load %arg8[%get3A_916, %get3A_917] {strides = array<i32>} : memref<64x128xi32, #tpu.memory_space<vmem>>, vector<1x16xi32>,
        %get3A_919 = vector.shape_cast %get3A_918 : vector<1x16xi32> to vector<16xi32>
        %get3A_920 = arith.constant 32 : index
        %get3A_921 = tpu.vector_load %arg10[%get3A_920] {strides = array<i32>} : memref<64xi32, #tpu.memory_space<vmem>>, vector<16xi32>,
        %get3A_922 = vector.shape_cast %get3A_921 : vector<16xi32> to vector<16xi32>
        %add3A_923 = arith.addi %get3A_919, %get3A_922 : vector<16xi32>
        %swap3A_924 = arith.constant 32 : index
        %swap3A_925 = tpu.vector_load %arg11[%swap3A_924] {strides = array<i32>} : memref<64xi32, #tpu.memory_space<vmem>>, vector<16xi32>,
        %swap3A_926 = vector.shape_cast %swap3A_925 : vector<16xi32> to vector<16xi32>
        %swap3A_927 = vector.shape_cast %add3A_923 : vector<16xi32> to vector<16xi32>
        tpu.vector_store %arg11[%swap3A_924], %swap3A_927 {strides = array<i32>} : memref<64xi32, #tpu.memory_space<vmem>>, vector<16xi32>,
        %get3A_928 = arith.index_cast %add3A_825 : i32 to index
        %get3A_929 = arith.constant 48 : index
        %get3A_930 = tpu.vector_load %arg8[%get3A_928, %get3A_929] {strides = array<i32>} : memref<64x128xi32, #tpu.memory_space<vmem>>, vector<1x16xi32>,
        %get3A_931 = vector.shape_cast %get3A_930 : vector<1x16xi32> to vector<16xi32>
        %get3A_932 = arith.constant 48 : index
        %get3A_933 = tpu.vector_load %arg10[%get3A_932] {strides = array<i32>} : memref<64xi32, #tpu.memory_space<vmem>>, vector<16xi32>,
        %get3A_934 = vector.shape_cast %get3A_933 : vector<16xi32> to vector<16xi32>
        %add3A_935 = arith.addi %get3A_931, %get3A_934 : vector<16xi32>
        %swap3A_936 = arith.constant 48 : index
        %swap3A_937 = tpu.vector_load %arg11[%swap3A_936] {strides = array<i32>} : memref<64xi32, #tpu.memory_space<vmem>>, vector<16xi32>,
        %swap3A_938 = vector.shape_cast %swap3A_937 : vector<16xi32> to vector<16xi32>
        %swap3A_939 = vector.shape_cast %add3A_935 : vector<16xi32> to vector<16xi32>
        tpu.vector_store %arg11[%swap3A_936], %swap3A_939 {strides = array<i32>} : memref<64xi32, #tpu.memory_space<vmem>>, vector<16xi32>,
        %dma_start3A_940 = arith.constant 0 : i32
        %dma_start3A_941 = arith.constant 0 : i32
        %dma_start3A_942 = tpu.memref_slice %arg6[%dma_start3A_940, %dma_start3A_941] : memref<4096x128xf32, #tpu.memory_space<vmem_shared>> -> memref<4096x128xf32, #tpu.memory_space<vmem_shared>>
        tpu.enqueue_indirect_dma source(%dma_start3A_942 : memref<4096x128xf32, #tpu.memory_space<vmem_shared>>) target(%arg15 : memref<64x128xf32, #tpu.memory_space<vmem>>) offsets(%arg11 : memref<64xi32, #tpu.memory_space<vmem>>) semaphore(%arg19 : memref<!tpu.dma_semaphore, #tpu.memory_space<semaphore_mem>>)
      } else {
      }
      %dma_wait3A_831 = arith.constant 0 : i32
      %dma_wait3A_832 = arith.constant 0 : i32
      %dma_wait3A_833 = tpu.memref_slice %arg6[%dma_wait3A_831, %dma_wait3A_832] : memref<4096x128xf32, #tpu.memory_space<vmem_shared>> -> memref<4096x128xf32, #tpu.memory_space<vmem_shared>>
      tpu.wait_indirect_dma semaphore(%arg21 : memref<!tpu.dma_semaphore, #tpu.memory_space<semaphore_mem>>) src(%dma_wait3A_833 : memref<4096x128xf32, #tpu.memory_space<vmem_shared>>) dst(%arg17 : memref<64x128xf32, #tpu.memory_space<vmem>>)
      %mul3A_834 = arith.constant 64 : i32
      %mul3A_835 = arith.muli %arg1, %mul3A_834 : i32
      %add3A_836 = arith.addi %mul3A_835, %add3A_819 : i32
      %mul3A_837 = arith.constant 512 : i32
      %mul3A_838 = arith.muli %add3A_836, %mul3A_837 : i32
      %mul3A_839 = arith.constant 256 : i32
      %mul3A_840 = arith.muli %arg0, %mul3A_839 : i32
      %add3A_841 = arith.addi %mul3A_838, %mul3A_840 : i32
      %add3A_842 = arith.constant 0 : i32
      %add3A_843 = arith.addi %add3A_841, %add3A_842 : i32
      %add3A_844 = arith.constant 0 : i32
      %add3A_845 = arith.addi %add3A_843, %add3A_844 : i32
      %dma_start3A_846 = arith.constant 0 : i32
      %dma_start3A_847 = tpu.memref_slice %arg5[%add3A_845, %dma_start3A_846] : memref<524288x128xf32, #tpu.memory_space<hbm>> -> memref<64x128xf32, #tpu.memory_space<hbm>>
      %dma_start3A_848 = arith.constant 0 : i32
      %dma_start3A_849 = tpu.memref_slice %arg5[%add3A_845, %dma_start3A_848] : memref<524288x128xf32, #tpu.memory_space<hbm>> -> memref<64x128xf32, #tpu.memory_space<hbm>>
      tpu.enqueue_dma source(%arg17 : memref<64x128xf32, #tpu.memory_space<vmem>>) target(%dma_start3A_849 : memref<64x128xf32, #tpu.memory_space<hbm>>) target_semaphore(%arg25 : memref<!tpu.dma_semaphore, #tpu.memory_space<semaphore_mem>>)
      %mul3A_850 = arith.constant 4 : i32
      %mul3A_851 = arith.muli %scan3A_738, %mul3A_850 : i32
      %add3A_852 = arith.constant 3 : i32
      %add3A_853 = arith.addi %mul3A_851, %add3A_852 : i32
      %mul3A_854 = arith.constant 4 : i32
      %mul3A_855 = arith.muli %scan3A_738, %mul3A_854 : i32
      %add3A_856 = arith.constant 3 : i32
      %add3A_857 = arith.addi %mul3A_855, %add3A_856 : i32
      %add3A_858 = arith.constant 2 : i32
      %add3A_859 = arith.addi %add3A_853, %add3A_858 : i32
      %mul3A_860 = arith.constant 4 : i32
      %mul3A_861 = arith.muli %scan3A_738, %mul3A_860 : i32
      %add3A_862 = arith.constant 5 : i32
      %add3A_863 = arith.addi %mul3A_861, %add3A_862 : i32
      %lt3A_864 = arith.constant 64 : i32
      %lt3A_865 = arith.cmpi slt, %add3A_859, %lt3A_864 : i32
      %convert_element_type3A_866 = arith.extui %lt3A_865 : i1 to i32
      %cond3A_867 = arith.constant 0 : i32
      %cond3A_868 = arith.cmpi ne, %convert_element_type3A_866, %cond3A_867 : i32
      scf.if %cond3A_868 {
        %ge3A = arith.constant 4 : i32
        %ge3A_888 = arith.cmpi sge, %add3A_859, %ge3A : i32
        %convert_element_type3A_889 = arith.extui %ge3A_888 : i1 to i32
        %cond3A_890 = arith.constant 0 : i32
        %cond3A_891 = arith.cmpi ne, %convert_element_type3A_889, %cond3A_890 : i32
        scf.if %cond3A_891 {
          %mul3A_943 = arith.constant 64 : i32
          %mul3A_944 = arith.muli %arg1, %mul3A_943 : i32
          %add3A_945 = arith.constant 0 : i32
          %add3A_946 = arith.addi %mul3A_944, %add3A_945 : i32
          %mul3A_947 = arith.constant 512 : i32
          %mul3A_948 = arith.muli %add3A_946, %mul3A_947 : i32
          %mul3A_949 = arith.constant 256 : i32
          %mul3A_950 = arith.muli %arg0, %mul3A_949 : i32
          %add3A_951 = arith.addi %mul3A_948, %mul3A_950 : i32
          %add3A_952 = arith.constant 0 : i32
          %add3A_953 = arith.addi %add3A_951, %add3A_952 : i32
          %add3A_954 = arith.constant 0 : i32
          %add3A_955 = arith.addi %add3A_953, %add3A_954 : i32
          %dma_wait3A_956 = arith.constant 0 : i32
          %dma_wait3A_957 = tpu.memref_slice %arg5[%add3A_955, %dma_wait3A_956] : memref<524288x128xf32, #tpu.memory_space<hbm>> -> memref<64x128xf32, #tpu.memory_space<hbm>>
          %dma_wait3A_958 = arith.constant 0 : i32
          %dma_wait3A_959 = tpu.memref_slice %arg5[%add3A_955, %dma_wait3A_958] : memref<524288x128xf32, #tpu.memory_space<hbm>> -> memref<64x128xf32, #tpu.memory_space<hbm>>
          tpu.wait_dma2 semaphore(%arg24 : memref<!tpu.dma_semaphore, #tpu.memory_space<semaphore_mem>>) src(%arg16 : memref<64x128xf32, #tpu.memory_space<vmem>>) dst(%dma_wait3A_959 : memref<64x128xf32, #tpu.memory_space<hbm>>)
        } else {
        }
        %get3A_892 = arith.index_cast %add3A_863 : i32 to index
        %get3A_893 = arith.constant 0 : index
        %get3A_894 = tpu.vector_load %arg8[%get3A_892, %get3A_893] {strides = array<i32>} : memref<64x128xi32, #tpu.memory_space<vmem>>, vector<1x16xi32>,
        %get3A_895 = vector.shape_cast %get3A_894 : vector<1x16xi32> to vector<16xi32>
        %get3A_896 = arith.constant 0 : index
        %get3A_897 = tpu.vector_load %arg10[%get3A_896] {strides = array<i32>} : memref<64xi32, #tpu.memory_space<vmem>>, vector<16xi32>,
        %get3A_898 = vector.shape_cast %get3A_897 : vector<16xi32> to vector<16xi32>
        %add3A_899 = arith.addi %get3A_895, %get3A_898 : vector<16xi32>
        %swap3A_900 = arith.constant 0 : index
        %swap3A_901 = tpu.vector_load %arg12[%swap3A_900] {strides = array<i32>} : memref<64xi32, #tpu.memory_space<vmem>>, vector<16xi32>,
        %swap3A_902 = vector.shape_cast %swap3A_901 : vector<16xi32> to vector<16xi32>
        %swap3A_903 = vector.shape_cast %add3A_899 : vector<16xi32> to vector<16xi32>
        tpu.vector_store %arg12[%swap3A_900], %swap3A_903 {strides = array<i32>} : memref<64xi32, #tpu.memory_space<vmem>>, vector<16xi32>,
        %get3A_904 = arith.index_cast %add3A_863 : i32 to index
        %get3A_905 = arith.constant 16 : index
        %get3A_906 = tpu.vector_load %arg8[%get3A_904, %get3A_905] {strides = array<i32>} : memref<64x128xi32, #tpu.memory_space<vmem>>, vector<1x16xi32>,
        %get3A_907 = vector.shape_cast %get3A_906 : vector<1x16xi32> to vector<16xi32>
        %get3A_908 = arith.constant 16 : index
        %get3A_909 = tpu.vector_load %arg10[%get3A_908] {strides = array<i32>} : memref<64xi32, #tpu.memory_space<vmem>>, vector<16xi32>,
        %get3A_910 = vector.shape_cast %get3A_909 : vector<16xi32> to vector<16xi32>
        %add3A_911 = arith.addi %get3A_907, %get3A_910 : vector<16xi32>
        %swap3A_912 = arith.constant 16 : index
        %swap3A_913 = tpu.vector_load %arg12[%swap3A_912] {strides = array<i32>} : memref<64xi32, #tpu.memory_space<vmem>>, vector<16xi32>,
        %swap3A_914 = vector.shape_cast %swap3A_913 : vector<16xi32> to vector<16xi32>
        %swap3A_915 = vector.shape_cast %add3A_911 : vector<16xi32> to vector<16xi32>
        tpu.vector_store %arg12[%swap3A_912], %swap3A_915 {strides = array<i32>} : memref<64xi32, #tpu.memory_space<vmem>>, vector<16xi32>,
        %get3A_916 = arith.index_cast %add3A_863 : i32 to index
        %get3A_917 = arith.constant 32 : index
        %get3A_918 = tpu.vector_load %arg8[%get3A_916, %get3A_917] {strides = array<i32>} : memref<64x128xi32, #tpu.memory_space<vmem>>, vector<1x16xi32>,
        %get3A_919 = vector.shape_cast %get3A_918 : vector<1x16xi32> to vector<16xi32>
        %get3A_920 = arith.constant 32 : index
        %get3A_921 = tpu.vector_load %arg10[%get3A_920] {strides = array<i32>} : memref<64xi32, #tpu.memory_space<vmem>>, vector<16xi32>,
        %get3A_922 = vector.shape_cast %get3A_921 : vector<16xi32> to vector<16xi32>
        %add3A_923 = arith.addi %get3A_919, %get3A_922 : vector<16xi32>
        %swap3A_924 = arith.constant 32 : index
        %swap3A_925 = tpu.vector_load %arg12[%swap3A_924] {strides = array<i32>} : memref<64xi32, #tpu.memory_space<vmem>>, vector<16xi32>,
        %swap3A_926 = vector.shape_cast %swap3A_925 : vector<16xi32> to vector<16xi32>
        %swap3A_927 = vector.shape_cast %add3A_923 : vector<16xi32> to vector<16xi32>
        tpu.vector_store %arg12[%swap3A_924], %swap3A_927 {strides = array<i32>} : memref<64xi32, #tpu.memory_space<vmem>>, vector<16xi32>,
        %get3A_928 = arith.index_cast %add3A_863 : i32 to index
        %get3A_929 = arith.constant 48 : index
        %get3A_930 = tpu.vector_load %arg8[%get3A_928, %get3A_929] {strides = array<i32>} : memref<64x128xi32, #tpu.memory_space<vmem>>, vector<1x16xi32>,
        %get3A_931 = vector.shape_cast %get3A_930 : vector<1x16xi32> to vector<16xi32>
        %get3A_932 = arith.constant 48 : index
        %get3A_933 = tpu.vector_load %arg10[%get3A_932] {strides = array<i32>} : memref<64xi32, #tpu.memory_space<vmem>>, vector<16xi32>,
        %get3A_934 = vector.shape_cast %get3A_933 : vector<16xi32> to vector<16xi32>
        %add3A_935 = arith.addi %get3A_931, %get3A_934 : vector<16xi32>
        %swap3A_936 = arith.constant 48 : index
        %swap3A_937 = tpu.vector_load %arg12[%swap3A_936] {strides = array<i32>} : memref<64xi32, #tpu.memory_space<vmem>>, vector<16xi32>,
        %swap3A_938 = vector.shape_cast %swap3A_937 : vector<16xi32> to vector<16xi32>
        %swap3A_939 = vector.shape_cast %add3A_935 : vector<16xi32> to vector<16xi32>
        tpu.vector_store %arg12[%swap3A_936], %swap3A_939 {strides = array<i32>} : memref<64xi32, #tpu.memory_space<vmem>>, vector<16xi32>,
        %dma_start3A_940 = arith.constant 0 : i32
        %dma_start3A_941 = arith.constant 0 : i32
        %dma_start3A_942 = tpu.memref_slice %arg6[%dma_start3A_940, %dma_start3A_941] : memref<4096x128xf32, #tpu.memory_space<vmem_shared>> -> memref<4096x128xf32, #tpu.memory_space<vmem_shared>>
        tpu.enqueue_indirect_dma source(%dma_start3A_942 : memref<4096x128xf32, #tpu.memory_space<vmem_shared>>) target(%arg16 : memref<64x128xf32, #tpu.memory_space<vmem>>) offsets(%arg12 : memref<64xi32, #tpu.memory_space<vmem>>) semaphore(%arg20 : memref<!tpu.dma_semaphore, #tpu.memory_space<semaphore_mem>>)
      } else {
      }
      %dma_wait3A_869 = arith.constant 0 : i32
      %dma_wait3A_870 = arith.constant 0 : i32
      %dma_wait3A_871 = tpu.memref_slice %arg6[%dma_wait3A_869, %dma_wait3A_870] : memref<4096x128xf32, #tpu.memory_space<vmem_shared>> -> memref<4096x128xf32, #tpu.memory_space<vmem_shared>>
      tpu.wait_indirect_dma semaphore(%arg22 : memref<!tpu.dma_semaphore, #tpu.memory_space<semaphore_mem>>) src(%dma_wait3A_871 : memref<4096x128xf32, #tpu.memory_space<vmem_shared>>) dst(%arg18 : memref<64x128xf32, #tpu.memory_space<vmem>>)
      %mul3A_872 = arith.constant 64 : i32
      %mul3A_873 = arith.muli %arg1, %mul3A_872 : i32
      %add3A_874 = arith.addi %mul3A_873, %add3A_857 : i32
      %mul3A_875 = arith.constant 512 : i32
      %mul3A_876 = arith.muli %add3A_874, %mul3A_875 : i32
      %mul3A_877 = arith.constant 256 : i32
      %mul3A_878 = arith.muli %arg0, %mul3A_877 : i32
      %add3A_879 = arith.addi %mul3A_876, %mul3A_878 : i32
      %add3A_880 = arith.constant 0 : i32
      %add3A_881 = arith.addi %add3A_879, %add3A_880 : i32
      %add3A_882 = arith.constant 0 : i32
      %add3A_883 = arith.addi %add3A_881, %add3A_882 : i32
      %dma_start3A_884 = arith.constant 0 : i32
      %dma_start3A_885 = tpu.memref_slice %arg5[%add3A_883, %dma_start3A_884] : memref<524288x128xf32, #tpu.memory_space<hbm>> -> memref<64x128xf32, #tpu.memory_space<hbm>>
      %dma_start3A_886 = arith.constant 0 : i32
      %dma_start3A_887 = tpu.memref_slice %arg5[%add3A_883, %dma_start3A_886] : memref<524288x128xf32, #tpu.memory_space<hbm>> -> memref<64x128xf32, #tpu.memory_space<hbm>>
      tpu.enqueue_dma source(%arg18 : memref<64x128xf32, #tpu.memory_space<vmem>>) target(%dma_start3A_887 : memref<64x128xf32, #tpu.memory_space<hbm>>) target_semaphore(%arg26 : memref<!tpu.dma_semaphore, #tpu.memory_space<semaphore_mem>>)
    }
    %scan3A_185 = arith.constant 16 : i32
    %mul3A_186 = arith.constant 4 : i32
    %mul3A_187 = arith.muli %arg0, %mul3A_186 : i32
    %add3A_188 = arith.constant 1 : i32
    %add3A_189 = arith.addi %mul3A_187, %add3A_188 : i32
    %mul3A_190 = arith.constant 4096 : i32
    %mul3A_191 = arith.muli %add3A_189, %mul3A_190 : i32
    %mul3A_192 = arith.constant 256 : i32
    %mul3A_193 = arith.muli %arg1, %mul3A_192 : i32
    %add3A_194 = arith.addi %mul3A_191, %mul3A_193 : i32
    %mul3A_195 = arith.constant 256 : i32
    %mul3A_196 = arith.muli %arg1, %mul3A_195 : i32
    %dma_wait3A_197 = arith.constant 0 : i32
    %dma_wait3A_198 = tpu.memref_slice %arg7[%mul3A_196, %dma_wait3A_197] : memref<4096x128xf32, #tpu.memory_space<vmem_shared>> -> memref<256x128xf32, #tpu.memory_space<vmem_shared>>
    %dma_wait3A_199 = arith.constant 0 : i32
    %dma_wait3A_200 = tpu.memref_slice %arg2[%add3A_194, %dma_wait3A_199] : memref<32768x128xf32, #tpu.memory_space<hbm>> -> memref<256x128xf32, #tpu.memory_space<hbm>>
    tpu.wait_dma2 semaphore(%arg28 : memref<!tpu.dma_semaphore, #tpu.memory_space<semaphore_mem>>) src(%dma_wait3A_200 : memref<256x128xf32, #tpu.memory_space<hbm>>) dst(%dma_wait3A_198 : memref<256x128xf32, #tpu.memory_space<vmem_shared>>)
    %barrier3A_201 = arith.constant 0 : index
    tpu.barrier barrier_id(%barrier3A_201)
    %mul3A_202 = arith.constant 4 : i32
    %mul3A_203 = arith.muli %arg0, %mul3A_202 : i32
    %add3A_204 = arith.constant 2 : i32
    %add3A_205 = arith.addi %mul3A_203, %add3A_204 : i32
    %mul3A_206 = arith.constant 4096 : i32
    %mul3A_207 = arith.muli %add3A_205, %mul3A_206 : i32
    %mul3A_208 = arith.constant 256 : i32
    %mul3A_209 = arith.muli %arg1, %mul3A_208 : i32
    %add3A_210 = arith.addi %mul3A_207, %mul3A_209 : i32
    %mul3A_211 = arith.constant 256 : i32
    %mul3A_212 = arith.muli %arg1, %mul3A_211 : i32
    %dma_start3A_213 = arith.constant 0 : i32
    %dma_start3A_214 = tpu.memref_slice %arg6[%mul3A_212, %dma_start3A_213] : memref<4096x128xf32, #tpu.memory_space<vmem_shared>> -> memref<256x128xf32, #tpu.memory_space<vmem_shared>>
    %dma_start3A_215 = arith.constant 0 : i32
    %dma_start3A_216 = tpu.memref_slice %arg2[%add3A_210, %dma_start3A_215] : memref<32768x128xf32, #tpu.memory_space<hbm>> -> memref<256x128xf32, #tpu.memory_space<hbm>>
    tpu.enqueue_dma source(%dma_start3A_216 : memref<256x128xf32, #tpu.memory_space<hbm>>) target(%dma_start3A_214 : memref<256x128xf32, #tpu.memory_space<vmem_shared>>) target_semaphore(%arg27 : memref<!tpu.dma_semaphore, #tpu.memory_space<semaphore_mem>>)
    %mul3A_217 = arith.constant 64 : i32
    %mul3A_218 = arith.muli %arg1, %mul3A_217 : i32
    %add3A_219 = arith.constant 0 : i32
    %add3A_220 = arith.addi %mul3A_218, %add3A_219 : i32
    %mul3A_221 = arith.constant 512 : i32
    %mul3A_222 = arith.muli %add3A_220, %mul3A_221 : i32
    %mul3A_223 = arith.constant 256 : i32
    %mul3A_224 = arith.muli %arg0, %mul3A_223 : i32
    %add3A_225 = arith.addi %mul3A_222, %mul3A_224 : i32
    %add3A_226 = arith.constant 64 : i32
    %add3A_227 = arith.addi %add3A_225, %add3A_226 : i32
    %add3A_228 = arith.constant 0 : i32
    %add3A_229 = arith.addi %add3A_227, %add3A_228 : i32
    %dma_wait3A_230 = arith.constant 0 : i32
    %dma_wait3A_231 = tpu.memref_slice %arg5[%add3A_229, %dma_wait3A_230] : memref<524288x128xf32, #tpu.memory_space<hbm>> -> memref<64x128xf32, #tpu.memory_space<hbm>>
    %dma_wait3A_232 = arith.constant 0 : i32
    %dma_wait3A_233 = tpu.memref_slice %arg5[%add3A_229, %dma_wait3A_232] : memref<524288x128xf32, #tpu.memory_space<hbm>> -> memref<64x128xf32, #tpu.memory_space<hbm>>
    tpu.wait_dma2 semaphore(%arg23 : memref<!tpu.dma_semaphore, #tpu.memory_space<semaphore_mem>>) src(%arg15 : memref<64x128xf32, #tpu.memory_space<vmem>>) dst(%dma_wait3A_233 : memref<64x128xf32, #tpu.memory_space<hbm>>)
    %get3A_234 = arith.constant 0 : i32
    %get3A_235 = arith.index_cast %get3A_234 : i32 to index
    %get3A_236 = arith.constant 64 : index
    %get3A_237 = tpu.vector_load %arg8[%get3A_235, %get3A_236] {strides = array<i32>} : memref<64x128xi32, #tpu.memory_space<vmem>>, vector<1x16xi32>,
    %get3A_238 = vector.shape_cast %get3A_237 : vector<1x16xi32> to vector<16xi32>
    %get3A_239 = arith.constant 0 : index
    %get3A_240 = tpu.vector_load %arg10[%get3A_239] {strides = array<i32>} : memref<64xi32, #tpu.memory_space<vmem>>, vector<16xi32>,
    %get3A_241 = vector.shape_cast %get3A_240 : vector<16xi32> to vector<16xi32>
    %add3A_242 = arith.addi %get3A_238, %get3A_241 : vector<16xi32>
    %swap3A_243 = arith.constant 0 : index
    %swap3A_244 = tpu.vector_load %arg11[%swap3A_243] {strides = array<i32>} : memref<64xi32, #tpu.memory_space<vmem>>, vector<16xi32>,
    %swap3A_245 = vector.shape_cast %swap3A_244 : vector<16xi32> to vector<16xi32>
    %swap3A_246 = vector.shape_cast %add3A_242 : vector<16xi32> to vector<16xi32>
    tpu.vector_store %arg11[%swap3A_243], %swap3A_246 {strides = array<i32>} : memref<64xi32, #tpu.memory_space<vmem>>, vector<16xi32>,
    %get3A_247 = arith.constant 0 : i32
    %get3A_248 = arith.index_cast %get3A_247 : i32 to index
    %get3A_249 = arith.constant 80 : index
    %get3A_250 = tpu.vector_load %arg8[%get3A_248, %get3A_249] {strides = array<i32>} : memref<64x128xi32, #tpu.memory_space<vmem>>, vector<1x16xi32>,
    %get3A_251 = vector.shape_cast %get3A_250 : vector<1x16xi32> to vector<16xi32>
    %get3A_252 = arith.constant 16 : index
    %get3A_253 = tpu.vector_load %arg10[%get3A_252] {strides = array<i32>} : memref<64xi32, #tpu.memory_space<vmem>>, vector<16xi32>,
    %get3A_254 = vector.shape_cast %get3A_253 : vector<16xi32> to vector<16xi32>
    %add3A_255 = arith.addi %get3A_251, %get3A_254 : vector<16xi32>
    %swap3A_256 = arith.constant 16 : index
    %swap3A_257 = tpu.vector_load %arg11[%swap3A_256] {strides = array<i32>} : memref<64xi32, #tpu.memory_space<vmem>>, vector<16xi32>,
    %swap3A_258 = vector.shape_cast %swap3A_257 : vector<16xi32> to vector<16xi32>
    %swap3A_259 = vector.shape_cast %add3A_255 : vector<16xi32> to vector<16xi32>
    tpu.vector_store %arg11[%swap3A_256], %swap3A_259 {strides = array<i32>} : memref<64xi32, #tpu.memory_space<vmem>>, vector<16xi32>,
    %get3A_260 = arith.constant 0 : i32
    %get3A_261 = arith.index_cast %get3A_260 : i32 to index
    %get3A_262 = arith.constant 96 : index
    %get3A_263 = tpu.vector_load %arg8[%get3A_261, %get3A_262] {strides = array<i32>} : memref<64x128xi32, #tpu.memory_space<vmem>>, vector<1x16xi32>,
    %get3A_264 = vector.shape_cast %get3A_263 : vector<1x16xi32> to vector<16xi32>
    %get3A_265 = arith.constant 32 : index
    %get3A_266 = tpu.vector_load %arg10[%get3A_265] {strides = array<i32>} : memref<64xi32, #tpu.memory_space<vmem>>, vector<16xi32>,
    %get3A_267 = vector.shape_cast %get3A_266 : vector<16xi32> to vector<16xi32>
    %add3A_268 = arith.addi %get3A_264, %get3A_267 : vector<16xi32>
    %swap3A_269 = arith.constant 32 : index
    %swap3A_270 = tpu.vector_load %arg11[%swap3A_269] {strides = array<i32>} : memref<64xi32, #tpu.memory_space<vmem>>, vector<16xi32>,
    %swap3A_271 = vector.shape_cast %swap3A_270 : vector<16xi32> to vector<16xi32>
    %swap3A_272 = vector.shape_cast %add3A_268 : vector<16xi32> to vector<16xi32>
    tpu.vector_store %arg11[%swap3A_269], %swap3A_272 {strides = array<i32>} : memref<64xi32, #tpu.memory_space<vmem>>, vector<16xi32>,
    %get3A_273 = arith.constant 0 : i32
    %get3A_274 = arith.index_cast %get3A_273 : i32 to index
    %get3A_275 = arith.constant 112 : index
    %get3A_276 = tpu.vector_load %arg8[%get3A_274, %get3A_275] {strides = array<i32>} : memref<64x128xi32, #tpu.memory_space<vmem>>, vector<1x16xi32>,
    %get3A_277 = vector.shape_cast %get3A_276 : vector<1x16xi32> to vector<16xi32>
    %get3A_278 = arith.constant 48 : index
    %get3A_279 = tpu.vector_load %arg10[%get3A_278] {strides = array<i32>} : memref<64xi32, #tpu.memory_space<vmem>>, vector<16xi32>,
    %get3A_280 = vector.shape_cast %get3A_279 : vector<16xi32> to vector<16xi32>
    %add3A_281 = arith.addi %get3A_277, %get3A_280 : vector<16xi32>
    %swap3A_282 = arith.constant 48 : index
    %swap3A_283 = tpu.vector_load %arg11[%swap3A_282] {strides = array<i32>} : memref<64xi32, #tpu.memory_space<vmem>>, vector<16xi32>,
    %swap3A_284 = vector.shape_cast %swap3A_283 : vector<16xi32> to vector<16xi32>
    %swap3A_285 = vector.shape_cast %add3A_281 : vector<16xi32> to vector<16xi32>
    tpu.vector_store %arg11[%swap3A_282], %swap3A_285 {strides = array<i32>} : memref<64xi32, #tpu.memory_space<vmem>>, vector<16xi32>,
    %dma_start3A_286 = arith.constant 0 : i32
    %dma_start3A_287 = arith.constant 0 : i32
    %dma_start3A_288 = tpu.memref_slice %arg7[%dma_start3A_286, %dma_start3A_287] : memref<4096x128xf32, #tpu.memory_space<vmem_shared>> -> memref<4096x128xf32, #tpu.memory_space<vmem_shared>>
    tpu.enqueue_indirect_dma source(%dma_start3A_288 : memref<4096x128xf32, #tpu.memory_space<vmem_shared>>) target(%arg15 : memref<64x128xf32, #tpu.memory_space<vmem>>) offsets(%arg11 : memref<64xi32, #tpu.memory_space<vmem>>) semaphore(%arg19 : memref<!tpu.dma_semaphore, #tpu.memory_space<semaphore_mem>>)
    %mul3A_289 = arith.constant 64 : i32
    %mul3A_290 = arith.muli %arg1, %mul3A_289 : i32
    %add3A_291 = arith.constant 0 : i32
    %add3A_292 = arith.addi %mul3A_290, %add3A_291 : i32
    %mul3A_293 = arith.constant 512 : i32
    %mul3A_294 = arith.muli %add3A_292, %mul3A_293 : i32
    %mul3A_295 = arith.constant 256 : i32
    %mul3A_296 = arith.muli %arg0, %mul3A_295 : i32
    %add3A_297 = arith.addi %mul3A_294, %mul3A_296 : i32
    %add3A_298 = arith.constant 64 : i32
    %add3A_299 = arith.addi %add3A_297, %add3A_298 : i32
    %add3A_300 = arith.constant 0 : i32
    %add3A_301 = arith.addi %add3A_299, %add3A_300 : i32
    %dma_wait3A_302 = arith.constant 0 : i32
    %dma_wait3A_303 = tpu.memref_slice %arg5[%add3A_301, %dma_wait3A_302] : memref<524288x128xf32, #tpu.memory_space<hbm>> -> memref<64x128xf32, #tpu.memory_space<hbm>>
    %dma_wait3A_304 = arith.constant 0 : i32
    %dma_wait3A_305 = tpu.memref_slice %arg5[%add3A_301, %dma_wait3A_304] : memref<524288x128xf32, #tpu.memory_space<hbm>> -> memref<64x128xf32, #tpu.memory_space<hbm>>
    tpu.wait_dma2 semaphore(%arg24 : memref<!tpu.dma_semaphore, #tpu.memory_space<semaphore_mem>>) src(%arg16 : memref<64x128xf32, #tpu.memory_space<vmem>>) dst(%dma_wait3A_305 : memref<64x128xf32, #tpu.memory_space<hbm>>)
    %get3A_306 = arith.constant 1 : i32
    %get3A_307 = arith.index_cast %get3A_306 : i32 to index
    %get3A_308 = arith.constant 64 : index
    %get3A_309 = tpu.vector_load %arg8[%get3A_307, %get3A_308] {strides = array<i32>} : memref<64x128xi32, #tpu.memory_space<vmem>>, vector<1x16xi32>,
    %get3A_310 = vector.shape_cast %get3A_309 : vector<1x16xi32> to vector<16xi32>
    %get3A_311 = arith.constant 0 : index
    %get3A_312 = tpu.vector_load %arg10[%get3A_311] {strides = array<i32>} : memref<64xi32, #tpu.memory_space<vmem>>, vector<16xi32>,
    %get3A_313 = vector.shape_cast %get3A_312 : vector<16xi32> to vector<16xi32>
    %add3A_314 = arith.addi %get3A_310, %get3A_313 : vector<16xi32>
    %swap3A_315 = arith.constant 0 : index
    %swap3A_316 = tpu.vector_load %arg12[%swap3A_315] {strides = array<i32>} : memref<64xi32, #tpu.memory_space<vmem>>, vector<16xi32>,
    %swap3A_317 = vector.shape_cast %swap3A_316 : vector<16xi32> to vector<16xi32>
    %swap3A_318 = vector.shape_cast %add3A_314 : vector<16xi32> to vector<16xi32>
    tpu.vector_store %arg12[%swap3A_315], %swap3A_318 {strides = array<i32>} : memref<64xi32, #tpu.memory_space<vmem>>, vector<16xi32>,
    %get3A_319 = arith.constant 1 : i32
    %get3A_320 = arith.index_cast %get3A_319 : i32 to index
    %get3A_321 = arith.constant 80 : index
    %get3A_322 = tpu.vector_load %arg8[%get3A_320, %get3A_321] {strides = array<i32>} : memref<64x128xi32, #tpu.memory_space<vmem>>, vector<1x16xi32>,
    %get3A_323 = vector.shape_cast %get3A_322 : vector<1x16xi32> to vector<16xi32>
    %get3A_324 = arith.constant 16 : index
    %get3A_325 = tpu.vector_load %arg10[%get3A_324] {strides = array<i32>} : memref<64xi32, #tpu.memory_space<vmem>>, vector<16xi32>,
    %get3A_326 = vector.shape_cast %get3A_325 : vector<16xi32> to vector<16xi32>
    %add3A_327 = arith.addi %get3A_323, %get3A_326 : vector<16xi32>
    %swap3A_328 = arith.constant 16 : index
    %swap3A_329 = tpu.vector_load %arg12[%swap3A_328] {strides = array<i32>} : memref<64xi32, #tpu.memory_space<vmem>>, vector<16xi32>,
    %swap3A_330 = vector.shape_cast %swap3A_329 : vector<16xi32> to vector<16xi32>
    %swap3A_331 = vector.shape_cast %add3A_327 : vector<16xi32> to vector<16xi32>
    tpu.vector_store %arg12[%swap3A_328], %swap3A_331 {strides = array<i32>} : memref<64xi32, #tpu.memory_space<vmem>>, vector<16xi32>,
    %get3A_332 = arith.constant 1 : i32
    %get3A_333 = arith.index_cast %get3A_332 : i32 to index
    %get3A_334 = arith.constant 96 : index
    %get3A_335 = tpu.vector_load %arg8[%get3A_333, %get3A_334] {strides = array<i32>} : memref<64x128xi32, #tpu.memory_space<vmem>>, vector<1x16xi32>,
    %get3A_336 = vector.shape_cast %get3A_335 : vector<1x16xi32> to vector<16xi32>
    %get3A_337 = arith.constant 32 : index
    %get3A_338 = tpu.vector_load %arg10[%get3A_337] {strides = array<i32>} : memref<64xi32, #tpu.memory_space<vmem>>, vector<16xi32>,
    %get3A_339 = vector.shape_cast %get3A_338 : vector<16xi32> to vector<16xi32>
    %add3A_340 = arith.addi %get3A_336, %get3A_339 : vector<16xi32>
    %swap3A_341 = arith.constant 32 : index
    %swap3A_342 = tpu.vector_load %arg12[%swap3A_341] {strides = array<i32>} : memref<64xi32, #tpu.memory_space<vmem>>, vector<16xi32>,
    %swap3A_343 = vector.shape_cast %swap3A_342 : vector<16xi32> to vector<16xi32>
    %swap3A_344 = vector.shape_cast %add3A_340 : vector<16xi32> to vector<16xi32>
    tpu.vector_store %arg12[%swap3A_341], %swap3A_344 {strides = array<i32>} : memref<64xi32, #tpu.memory_space<vmem>>, vector<16xi32>,
    %get3A_345 = arith.constant 1 : i32
    %get3A_346 = arith.index_cast %get3A_345 : i32 to index
    %get3A_347 = arith.constant 112 : index
    %get3A_348 = tpu.vector_load %arg8[%get3A_346, %get3A_347] {strides = array<i32>} : memref<64x128xi32, #tpu.memory_space<vmem>>, vector<1x16xi32>,
    %get3A_349 = vector.shape_cast %get3A_348 : vector<1x16xi32> to vector<16xi32>
    %get3A_350 = arith.constant 48 : index
    %get3A_351 = tpu.vector_load %arg10[%get3A_350] {strides = array<i32>} : memref<64xi32, #tpu.memory_space<vmem>>, vector<16xi32>,
    %get3A_352 = vector.shape_cast %get3A_351 : vector<16xi32> to vector<16xi32>
    %add3A_353 = arith.addi %get3A_349, %get3A_352 : vector<16xi32>
    %swap3A_354 = arith.constant 48 : index
    %swap3A_355 = tpu.vector_load %arg12[%swap3A_354] {strides = array<i32>} : memref<64xi32, #tpu.memory_space<vmem>>, vector<16xi32>,
    %swap3A_356 = vector.shape_cast %swap3A_355 : vector<16xi32> to vector<16xi32>
    %swap3A_357 = vector.shape_cast %add3A_353 : vector<16xi32> to vector<16xi32>
    tpu.vector_store %arg12[%swap3A_354], %swap3A_357 {strides = array<i32>} : memref<64xi32, #tpu.memory_space<vmem>>, vector<16xi32>,
    %dma_start3A_358 = arith.constant 0 : i32
    %dma_start3A_359 = arith.constant 0 : i32
    %dma_start3A_360 = tpu.memref_slice %arg7[%dma_start3A_358, %dma_start3A_359] : memref<4096x128xf32, #tpu.memory_space<vmem_shared>> -> memref<4096x128xf32, #tpu.memory_space<vmem_shared>>
    tpu.enqueue_indirect_dma source(%dma_start3A_360 : memref<4096x128xf32, #tpu.memory_space<vmem_shared>>) target(%arg16 : memref<64x128xf32, #tpu.memory_space<vmem>>) offsets(%arg12 : memref<64xi32, #tpu.memory_space<vmem>>) semaphore(%arg20 : memref<!tpu.dma_semaphore, #tpu.memory_space<semaphore_mem>>)
    %scan3A_361 = arith.constant 0 : i32
    %scan3A_362 = arith.constant 0 : i32
    %scan3A_363 = arith.constant 16 : i32
    %scan3A_364 = arith.addi %scan3A_362, %scan3A_363 : i32
    %scan3A_365 = arith.constant 1 : i32
    scf.for %scan3A_738 = %scan3A_362 to %scan3A_364 step %scan3A_365  : i32 {
      %mul3A_739 = arith.constant 4 : i32
      %mul3A_740 = arith.muli %scan3A_738, %mul3A_739 : i32
      %add3A_741 = arith.constant 0 : i32
      %add3A_742 = arith.addi %mul3A_740, %add3A_741 : i32
      %mul3A_743 = arith.constant 4 : i32
      %mul3A_744 = arith.muli %scan3A_738, %mul3A_743 : i32
      %add3A_745 = arith.constant 0 : i32
      %add3A_746 = arith.addi %mul3A_744, %add3A_745 : i32
      %add3A_747 = arith.constant 2 : i32
      %add3A_748 = arith.addi %add3A_742, %add3A_747 : i32
      %mul3A_749 = arith.constant 4 : i32
      %mul3A_750 = arith.muli %scan3A_738, %mul3A_749 : i32
      %add3A_751 = arith.constant 2 : i32
      %add3A_752 = arith.addi %mul3A_750, %add3A_751 : i32
      %lt3A = arith.constant 64 : i32
      %lt3A_753 = arith.cmpi slt, %add3A_748, %lt3A : i32
      %convert_element_type3A = arith.extui %lt3A_753 : i1 to i32
      %cond3A = arith.constant 0 : i32
      %cond3A_754 = arith.cmpi ne, %convert_element_type3A, %cond3A : i32
      scf.if %cond3A_754 {
        %mul3A_888 = arith.constant 64 : i32
        %mul3A_889 = arith.muli %arg1, %mul3A_888 : i32
        %add3A_890 = arith.constant 0 : i32
        %add3A_891 = arith.addi %mul3A_889, %add3A_890 : i32
        %mul3A_892 = arith.constant 512 : i32
        %mul3A_893 = arith.muli %add3A_891, %mul3A_892 : i32
        %mul3A_894 = arith.constant 256 : i32
        %mul3A_895 = arith.muli %arg0, %mul3A_894 : i32
        %add3A_896 = arith.addi %mul3A_893, %mul3A_895 : i32
        %add3A_897 = arith.constant 64 : i32
        %add3A_898 = arith.addi %add3A_896, %add3A_897 : i32
        %add3A_899 = arith.constant 0 : i32
        %add3A_900 = arith.addi %add3A_898, %add3A_899 : i32
        %dma_wait3A_901 = arith.constant 0 : i32
        %dma_wait3A_902 = tpu.memref_slice %arg5[%add3A_900, %dma_wait3A_901] : memref<524288x128xf32, #tpu.memory_space<hbm>> -> memref<64x128xf32, #tpu.memory_space<hbm>>
        %dma_wait3A_903 = arith.constant 0 : i32
        %dma_wait3A_904 = tpu.memref_slice %arg5[%add3A_900, %dma_wait3A_903] : memref<524288x128xf32, #tpu.memory_space<hbm>> -> memref<64x128xf32, #tpu.memory_space<hbm>>
        tpu.wait_dma2 semaphore(%arg25 : memref<!tpu.dma_semaphore, #tpu.memory_space<semaphore_mem>>) src(%arg17 : memref<64x128xf32, #tpu.memory_space<vmem>>) dst(%dma_wait3A_904 : memref<64x128xf32, #tpu.memory_space<hbm>>)
        %get3A_905 = arith.index_cast %add3A_752 : i32 to index
        %get3A_906 = arith.constant 64 : index
        %get3A_907 = tpu.vector_load %arg8[%get3A_905, %get3A_906] {strides = array<i32>} : memref<64x128xi32, #tpu.memory_space<vmem>>, vector<1x16xi32>,
        %get3A_908 = vector.shape_cast %get3A_907 : vector<1x16xi32> to vector<16xi32>
        %get3A_909 = arith.constant 0 : index
        %get3A_910 = tpu.vector_load %arg10[%get3A_909] {strides = array<i32>} : memref<64xi32, #tpu.memory_space<vmem>>, vector<16xi32>,
        %get3A_911 = vector.shape_cast %get3A_910 : vector<16xi32> to vector<16xi32>
        %add3A_912 = arith.addi %get3A_908, %get3A_911 : vector<16xi32>
        %swap3A_913 = arith.constant 0 : index
        %swap3A_914 = tpu.vector_load %arg13[%swap3A_913] {strides = array<i32>} : memref<64xi32, #tpu.memory_space<vmem>>, vector<16xi32>,
        %swap3A_915 = vector.shape_cast %swap3A_914 : vector<16xi32> to vector<16xi32>
        %swap3A_916 = vector.shape_cast %add3A_912 : vector<16xi32> to vector<16xi32>
        tpu.vector_store %arg13[%swap3A_913], %swap3A_916 {strides = array<i32>} : memref<64xi32, #tpu.memory_space<vmem>>, vector<16xi32>,
        %get3A_917 = arith.index_cast %add3A_752 : i32 to index
        %get3A_918 = arith.constant 80 : index
        %get3A_919 = tpu.vector_load %arg8[%get3A_917, %get3A_918] {strides = array<i32>} : memref<64x128xi32, #tpu.memory_space<vmem>>, vector<1x16xi32>,
        %get3A_920 = vector.shape_cast %get3A_919 : vector<1x16xi32> to vector<16xi32>
        %get3A_921 = arith.constant 16 : index
        %get3A_922 = tpu.vector_load %arg10[%get3A_921] {strides = array<i32>} : memref<64xi32, #tpu.memory_space<vmem>>, vector<16xi32>,
        %get3A_923 = vector.shape_cast %get3A_922 : vector<16xi32> to vector<16xi32>
        %add3A_924 = arith.addi %get3A_920, %get3A_923 : vector<16xi32>
        %swap3A_925 = arith.constant 16 : index
        %swap3A_926 = tpu.vector_load %arg13[%swap3A_925] {strides = array<i32>} : memref<64xi32, #tpu.memory_space<vmem>>, vector<16xi32>,
        %swap3A_927 = vector.shape_cast %swap3A_926 : vector<16xi32> to vector<16xi32>
        %swap3A_928 = vector.shape_cast %add3A_924 : vector<16xi32> to vector<16xi32>
        tpu.vector_store %arg13[%swap3A_925], %swap3A_928 {strides = array<i32>} : memref<64xi32, #tpu.memory_space<vmem>>, vector<16xi32>,
        %get3A_929 = arith.index_cast %add3A_752 : i32 to index
        %get3A_930 = arith.constant 96 : index
        %get3A_931 = tpu.vector_load %arg8[%get3A_929, %get3A_930] {strides = array<i32>} : memref<64x128xi32, #tpu.memory_space<vmem>>, vector<1x16xi32>,
        %get3A_932 = vector.shape_cast %get3A_931 : vector<1x16xi32> to vector<16xi32>
        %get3A_933 = arith.constant 32 : index
        %get3A_934 = tpu.vector_load %arg10[%get3A_933] {strides = array<i32>} : memref<64xi32, #tpu.memory_space<vmem>>, vector<16xi32>,
        %get3A_935 = vector.shape_cast %get3A_934 : vector<16xi32> to vector<16xi32>
        %add3A_936 = arith.addi %get3A_932, %get3A_935 : vector<16xi32>
        %swap3A_937 = arith.constant 32 : index
        %swap3A_938 = tpu.vector_load %arg13[%swap3A_937] {strides = array<i32>} : memref<64xi32, #tpu.memory_space<vmem>>, vector<16xi32>,
        %swap3A_939 = vector.shape_cast %swap3A_938 : vector<16xi32> to vector<16xi32>
        %swap3A_940 = vector.shape_cast %add3A_936 : vector<16xi32> to vector<16xi32>
        tpu.vector_store %arg13[%swap3A_937], %swap3A_940 {strides = array<i32>} : memref<64xi32, #tpu.memory_space<vmem>>, vector<16xi32>,
        %get3A_941 = arith.index_cast %add3A_752 : i32 to index
        %get3A_942 = arith.constant 112 : index
        %get3A_943 = tpu.vector_load %arg8[%get3A_941, %get3A_942] {strides = array<i32>} : memref<64x128xi32, #tpu.memory_space<vmem>>, vector<1x16xi32>,
        %get3A_944 = vector.shape_cast %get3A_943 : vector<1x16xi32> to vector<16xi32>
        %get3A_945 = arith.constant 48 : index
        %get3A_946 = tpu.vector_load %arg10[%get3A_945] {strides = array<i32>} : memref<64xi32, #tpu.memory_space<vmem>>, vector<16xi32>,
        %get3A_947 = vector.shape_cast %get3A_946 : vector<16xi32> to vector<16xi32>
        %add3A_948 = arith.addi %get3A_944, %get3A_947 : vector<16xi32>
        %swap3A_949 = arith.constant 48 : index
        %swap3A_950 = tpu.vector_load %arg13[%swap3A_949] {strides = array<i32>} : memref<64xi32, #tpu.memory_space<vmem>>, vector<16xi32>,
        %swap3A_951 = vector.shape_cast %swap3A_950 : vector<16xi32> to vector<16xi32>
        %swap3A_952 = vector.shape_cast %add3A_948 : vector<16xi32> to vector<16xi32>
        tpu.vector_store %arg13[%swap3A_949], %swap3A_952 {strides = array<i32>} : memref<64xi32, #tpu.memory_space<vmem>>, vector<16xi32>,
        %dma_start3A_953 = arith.constant 0 : i32
        %dma_start3A_954 = arith.constant 0 : i32
        %dma_start3A_955 = tpu.memref_slice %arg7[%dma_start3A_953, %dma_start3A_954] : memref<4096x128xf32, #tpu.memory_space<vmem_shared>> -> memref<4096x128xf32, #tpu.memory_space<vmem_shared>>
        tpu.enqueue_indirect_dma source(%dma_start3A_955 : memref<4096x128xf32, #tpu.memory_space<vmem_shared>>) target(%arg17 : memref<64x128xf32, #tpu.memory_space<vmem>>) offsets(%arg13 : memref<64xi32, #tpu.memory_space<vmem>>) semaphore(%arg21 : memref<!tpu.dma_semaphore, #tpu.memory_space<semaphore_mem>>)
      } else {
      }
      %dma_wait3A_755 = arith.constant 0 : i32
      %dma_wait3A_756 = arith.constant 0 : i32
      %dma_wait3A_757 = tpu.memref_slice %arg7[%dma_wait3A_755, %dma_wait3A_756] : memref<4096x128xf32, #tpu.memory_space<vmem_shared>> -> memref<4096x128xf32, #tpu.memory_space<vmem_shared>>
      tpu.wait_indirect_dma semaphore(%arg19 : memref<!tpu.dma_semaphore, #tpu.memory_space<semaphore_mem>>) src(%dma_wait3A_757 : memref<4096x128xf32, #tpu.memory_space<vmem_shared>>) dst(%arg15 : memref<64x128xf32, #tpu.memory_space<vmem>>)
      %mul3A_758 = arith.constant 64 : i32
      %mul3A_759 = arith.muli %arg1, %mul3A_758 : i32
      %add3A_760 = arith.addi %mul3A_759, %add3A_746 : i32
      %mul3A_761 = arith.constant 512 : i32
      %mul3A_762 = arith.muli %add3A_760, %mul3A_761 : i32
      %mul3A_763 = arith.constant 256 : i32
      %mul3A_764 = arith.muli %arg0, %mul3A_763 : i32
      %add3A_765 = arith.addi %mul3A_762, %mul3A_764 : i32
      %add3A_766 = arith.constant 64 : i32
      %add3A_767 = arith.addi %add3A_765, %add3A_766 : i32
      %add3A_768 = arith.constant 0 : i32
      %add3A_769 = arith.addi %add3A_767, %add3A_768 : i32
      %dma_start3A_770 = arith.constant 0 : i32
      %dma_start3A_771 = tpu.memref_slice %arg5[%add3A_769, %dma_start3A_770] : memref<524288x128xf32, #tpu.memory_space<hbm>> -> memref<64x128xf32, #tpu.memory_space<hbm>>
      %dma_start3A_772 = arith.constant 0 : i32
      %dma_start3A_773 = tpu.memref_slice %arg5[%add3A_769, %dma_start3A_772] : memref<524288x128xf32, #tpu.memory_space<hbm>> -> memref<64x128xf32, #tpu.memory_space<hbm>>
      tpu.enqueue_dma source(%arg15 : memref<64x128xf32, #tpu.memory_space<vmem>>) target(%dma_start3A_773 : memref<64x128xf32, #tpu.memory_space<hbm>>) target_semaphore(%arg23 : memref<!tpu.dma_semaphore, #tpu.memory_space<semaphore_mem>>)
      %mul3A_774 = arith.constant 4 : i32
      %mul3A_775 = arith.muli %scan3A_738, %mul3A_774 : i32
      %add3A_776 = arith.constant 1 : i32
      %add3A_777 = arith.addi %mul3A_775, %add3A_776 : i32
      %mul3A_778 = arith.constant 4 : i32
      %mul3A_779 = arith.muli %scan3A_738, %mul3A_778 : i32
      %add3A_780 = arith.constant 1 : i32
      %add3A_781 = arith.addi %mul3A_779, %add3A_780 : i32
      %add3A_782 = arith.constant 2 : i32
      %add3A_783 = arith.addi %add3A_777, %add3A_782 : i32
      %mul3A_784 = arith.constant 4 : i32
      %mul3A_785 = arith.muli %scan3A_738, %mul3A_784 : i32
      %add3A_786 = arith.constant 3 : i32
      %add3A_787 = arith.addi %mul3A_785, %add3A_786 : i32
      %lt3A_788 = arith.constant 64 : i32
      %lt3A_789 = arith.cmpi slt, %add3A_783, %lt3A_788 : i32
      %convert_element_type3A_790 = arith.extui %lt3A_789 : i1 to i32
      %cond3A_791 = arith.constant 0 : i32
      %cond3A_792 = arith.cmpi ne, %convert_element_type3A_790, %cond3A_791 : i32
      scf.if %cond3A_792 {
        %mul3A_888 = arith.constant 64 : i32
        %mul3A_889 = arith.muli %arg1, %mul3A_888 : i32
        %add3A_890 = arith.constant 0 : i32
        %add3A_891 = arith.addi %mul3A_889, %add3A_890 : i32
        %mul3A_892 = arith.constant 512 : i32
        %mul3A_893 = arith.muli %add3A_891, %mul3A_892 : i32
        %mul3A_894 = arith.constant 256 : i32
        %mul3A_895 = arith.muli %arg0, %mul3A_894 : i32
        %add3A_896 = arith.addi %mul3A_893, %mul3A_895 : i32
        %add3A_897 = arith.constant 64 : i32
        %add3A_898 = arith.addi %add3A_896, %add3A_897 : i32
        %add3A_899 = arith.constant 0 : i32
        %add3A_900 = arith.addi %add3A_898, %add3A_899 : i32
        %dma_wait3A_901 = arith.constant 0 : i32
        %dma_wait3A_902 = tpu.memref_slice %arg5[%add3A_900, %dma_wait3A_901] : memref<524288x128xf32, #tpu.memory_space<hbm>> -> memref<64x128xf32, #tpu.memory_space<hbm>>
        %dma_wait3A_903 = arith.constant 0 : i32
        %dma_wait3A_904 = tpu.memref_slice %arg5[%add3A_900, %dma_wait3A_903] : memref<524288x128xf32, #tpu.memory_space<hbm>> -> memref<64x128xf32, #tpu.memory_space<hbm>>
        tpu.wait_dma2 semaphore(%arg26 : memref<!tpu.dma_semaphore, #tpu.memory_space<semaphore_mem>>) src(%arg18 : memref<64x128xf32, #tpu.memory_space<vmem>>) dst(%dma_wait3A_904 : memref<64x128xf32, #tpu.memory_space<hbm>>)
        %get3A_905 = arith.index_cast %add3A_787 : i32 to index
        %get3A_906 = arith.constant 64 : index
        %get3A_907 = tpu.vector_load %arg8[%get3A_905, %get3A_906] {strides = array<i32>} : memref<64x128xi32, #tpu.memory_space<vmem>>, vector<1x16xi32>,
        %get3A_908 = vector.shape_cast %get3A_907 : vector<1x16xi32> to vector<16xi32>
        %get3A_909 = arith.constant 0 : index
        %get3A_910 = tpu.vector_load %arg10[%get3A_909] {strides = array<i32>} : memref<64xi32, #tpu.memory_space<vmem>>, vector<16xi32>,
        %get3A_911 = vector.shape_cast %get3A_910 : vector<16xi32> to vector<16xi32>
        %add3A_912 = arith.addi %get3A_908, %get3A_911 : vector<16xi32>
        %swap3A_913 = arith.constant 0 : index
        %swap3A_914 = tpu.vector_load %arg14[%swap3A_913] {strides = array<i32>} : memref<64xi32, #tpu.memory_space<vmem>>, vector<16xi32>,
        %swap3A_915 = vector.shape_cast %swap3A_914 : vector<16xi32> to vector<16xi32>
        %swap3A_916 = vector.shape_cast %add3A_912 : vector<16xi32> to vector<16xi32>
        tpu.vector_store %arg14[%swap3A_913], %swap3A_916 {strides = array<i32>} : memref<64xi32, #tpu.memory_space<vmem>>, vector<16xi32>,
        %get3A_917 = arith.index_cast %add3A_787 : i32 to index
        %get3A_918 = arith.constant 80 : index
        %get3A_919 = tpu.vector_load %arg8[%get3A_917, %get3A_918] {strides = array<i32>} : memref<64x128xi32, #tpu.memory_space<vmem>>, vector<1x16xi32>,
        %get3A_920 = vector.shape_cast %get3A_919 : vector<1x16xi32> to vector<16xi32>
        %get3A_921 = arith.constant 16 : index
        %get3A_922 = tpu.vector_load %arg10[%get3A_921] {strides = array<i32>} : memref<64xi32, #tpu.memory_space<vmem>>, vector<16xi32>,
        %get3A_923 = vector.shape_cast %get3A_922 : vector<16xi32> to vector<16xi32>
        %add3A_924 = arith.addi %get3A_920, %get3A_923 : vector<16xi32>
        %swap3A_925 = arith.constant 16 : index
        %swap3A_926 = tpu.vector_load %arg14[%swap3A_925] {strides = array<i32>} : memref<64xi32, #tpu.memory_space<vmem>>, vector<16xi32>,
        %swap3A_927 = vector.shape_cast %swap3A_926 : vector<16xi32> to vector<16xi32>
        %swap3A_928 = vector.shape_cast %add3A_924 : vector<16xi32> to vector<16xi32>
        tpu.vector_store %arg14[%swap3A_925], %swap3A_928 {strides = array<i32>} : memref<64xi32, #tpu.memory_space<vmem>>, vector<16xi32>,
        %get3A_929 = arith.index_cast %add3A_787 : i32 to index
        %get3A_930 = arith.constant 96 : index
        %get3A_931 = tpu.vector_load %arg8[%get3A_929, %get3A_930] {strides = array<i32>} : memref<64x128xi32, #tpu.memory_space<vmem>>, vector<1x16xi32>,
        %get3A_932 = vector.shape_cast %get3A_931 : vector<1x16xi32> to vector<16xi32>
        %get3A_933 = arith.constant 32 : index
        %get3A_934 = tpu.vector_load %arg10[%get3A_933] {strides = array<i32>} : memref<64xi32, #tpu.memory_space<vmem>>, vector<16xi32>,
        %get3A_935 = vector.shape_cast %get3A_934 : vector<16xi32> to vector<16xi32>
        %add3A_936 = arith.addi %get3A_932, %get3A_935 : vector<16xi32>
        %swap3A_937 = arith.constant 32 : index
        %swap3A_938 = tpu.vector_load %arg14[%swap3A_937] {strides = array<i32>} : memref<64xi32, #tpu.memory_space<vmem>>, vector<16xi32>,
        %swap3A_939 = vector.shape_cast %swap3A_938 : vector<16xi32> to vector<16xi32>
        %swap3A_940 = vector.shape_cast %add3A_936 : vector<16xi32> to vector<16xi32>
        tpu.vector_store %arg14[%swap3A_937], %swap3A_940 {strides = array<i32>} : memref<64xi32, #tpu.memory_space<vmem>>, vector<16xi32>,
        %get3A_941 = arith.index_cast %add3A_787 : i32 to index
        %get3A_942 = arith.constant 112 : index
        %get3A_943 = tpu.vector_load %arg8[%get3A_941, %get3A_942] {strides = array<i32>} : memref<64x128xi32, #tpu.memory_space<vmem>>, vector<1x16xi32>,
        %get3A_944 = vector.shape_cast %get3A_943 : vector<1x16xi32> to vector<16xi32>
        %get3A_945 = arith.constant 48 : index
        %get3A_946 = tpu.vector_load %arg10[%get3A_945] {strides = array<i32>} : memref<64xi32, #tpu.memory_space<vmem>>, vector<16xi32>,
        %get3A_947 = vector.shape_cast %get3A_946 : vector<16xi32> to vector<16xi32>
        %add3A_948 = arith.addi %get3A_944, %get3A_947 : vector<16xi32>
        %swap3A_949 = arith.constant 48 : index
        %swap3A_950 = tpu.vector_load %arg14[%swap3A_949] {strides = array<i32>} : memref<64xi32, #tpu.memory_space<vmem>>, vector<16xi32>,
        %swap3A_951 = vector.shape_cast %swap3A_950 : vector<16xi32> to vector<16xi32>
        %swap3A_952 = vector.shape_cast %add3A_948 : vector<16xi32> to vector<16xi32>
        tpu.vector_store %arg14[%swap3A_949], %swap3A_952 {strides = array<i32>} : memref<64xi32, #tpu.memory_space<vmem>>, vector<16xi32>,
        %dma_start3A_953 = arith.constant 0 : i32
        %dma_start3A_954 = arith.constant 0 : i32
        %dma_start3A_955 = tpu.memref_slice %arg7[%dma_start3A_953, %dma_start3A_954] : memref<4096x128xf32, #tpu.memory_space<vmem_shared>> -> memref<4096x128xf32, #tpu.memory_space<vmem_shared>>
        tpu.enqueue_indirect_dma source(%dma_start3A_955 : memref<4096x128xf32, #tpu.memory_space<vmem_shared>>) target(%arg18 : memref<64x128xf32, #tpu.memory_space<vmem>>) offsets(%arg14 : memref<64xi32, #tpu.memory_space<vmem>>) semaphore(%arg22 : memref<!tpu.dma_semaphore, #tpu.memory_space<semaphore_mem>>)
      } else {
      }
      %dma_wait3A_793 = arith.constant 0 : i32
      %dma_wait3A_794 = arith.constant 0 : i32
      %dma_wait3A_795 = tpu.memref_slice %arg7[%dma_wait3A_793, %dma_wait3A_794] : memref<4096x128xf32, #tpu.memory_space<vmem_shared>> -> memref<4096x128xf32, #tpu.memory_space<vmem_shared>>
      tpu.wait_indirect_dma semaphore(%arg20 : memref<!tpu.dma_semaphore, #tpu.memory_space<semaphore_mem>>) src(%dma_wait3A_795 : memref<4096x128xf32, #tpu.memory_space<vmem_shared>>) dst(%arg16 : memref<64x128xf32, #tpu.memory_space<vmem>>)
      %mul3A_796 = arith.constant 64 : i32
      %mul3A_797 = arith.muli %arg1, %mul3A_796 : i32
      %add3A_798 = arith.addi %mul3A_797, %add3A_781 : i32
      %mul3A_799 = arith.constant 512 : i32
      %mul3A_800 = arith.muli %add3A_798, %mul3A_799 : i32
      %mul3A_801 = arith.constant 256 : i32
      %mul3A_802 = arith.muli %arg0, %mul3A_801 : i32
      %add3A_803 = arith.addi %mul3A_800, %mul3A_802 : i32
      %add3A_804 = arith.constant 64 : i32
      %add3A_805 = arith.addi %add3A_803, %add3A_804 : i32
      %add3A_806 = arith.constant 0 : i32
      %add3A_807 = arith.addi %add3A_805, %add3A_806 : i32
      %dma_start3A_808 = arith.constant 0 : i32
      %dma_start3A_809 = tpu.memref_slice %arg5[%add3A_807, %dma_start3A_808] : memref<524288x128xf32, #tpu.memory_space<hbm>> -> memref<64x128xf32, #tpu.memory_space<hbm>>
      %dma_start3A_810 = arith.constant 0 : i32
      %dma_start3A_811 = tpu.memref_slice %arg5[%add3A_807, %dma_start3A_810] : memref<524288x128xf32, #tpu.memory_space<hbm>> -> memref<64x128xf32, #tpu.memory_space<hbm>>
      tpu.enqueue_dma source(%arg16 : memref<64x128xf32, #tpu.memory_space<vmem>>) target(%dma_start3A_811 : memref<64x128xf32, #tpu.memory_space<hbm>>) target_semaphore(%arg24 : memref<!tpu.dma_semaphore, #tpu.memory_space<semaphore_mem>>)
      %mul3A_812 = arith.constant 4 : i32
      %mul3A_813 = arith.muli %scan3A_738, %mul3A_812 : i32
      %add3A_814 = arith.constant 2 : i32
      %add3A_815 = arith.addi %mul3A_813, %add3A_814 : i32
      %mul3A_816 = arith.constant 4 : i32
      %mul3A_817 = arith.muli %scan3A_738, %mul3A_816 : i32
      %add3A_818 = arith.constant 2 : i32
      %add3A_819 = arith.addi %mul3A_817, %add3A_818 : i32
      %add3A_820 = arith.constant 2 : i32
      %add3A_821 = arith.addi %add3A_815, %add3A_820 : i32
      %mul3A_822 = arith.constant 4 : i32
      %mul3A_823 = arith.muli %scan3A_738, %mul3A_822 : i32
      %add3A_824 = arith.constant 4 : i32
      %add3A_825 = arith.addi %mul3A_823, %add3A_824 : i32
      %lt3A_826 = arith.constant 64 : i32
      %lt3A_827 = arith.cmpi slt, %add3A_821, %lt3A_826 : i32
      %convert_element_type3A_828 = arith.extui %lt3A_827 : i1 to i32
      %cond3A_829 = arith.constant 0 : i32
      %cond3A_830 = arith.cmpi ne, %convert_element_type3A_828, %cond3A_829 : i32
      scf.if %cond3A_830 {
        %mul3A_888 = arith.constant 64 : i32
        %mul3A_889 = arith.muli %arg1, %mul3A_888 : i32
        %add3A_890 = arith.constant 0 : i32
        %add3A_891 = arith.addi %mul3A_889, %add3A_890 : i32
        %mul3A_892 = arith.constant 512 : i32
        %mul3A_893 = arith.muli %add3A_891, %mul3A_892 : i32
        %mul3A_894 = arith.constant 256 : i32
        %mul3A_895 = arith.muli %arg0, %mul3A_894 : i32
        %add3A_896 = arith.addi %mul3A_893, %mul3A_895 : i32
        %add3A_897 = arith.constant 64 : i32
        %add3A_898 = arith.addi %add3A_896, %add3A_897 : i32
        %add3A_899 = arith.constant 0 : i32
        %add3A_900 = arith.addi %add3A_898, %add3A_899 : i32
        %dma_wait3A_901 = arith.constant 0 : i32
        %dma_wait3A_902 = tpu.memref_slice %arg5[%add3A_900, %dma_wait3A_901] : memref<524288x128xf32, #tpu.memory_space<hbm>> -> memref<64x128xf32, #tpu.memory_space<hbm>>
        %dma_wait3A_903 = arith.constant 0 : i32
        %dma_wait3A_904 = tpu.memref_slice %arg5[%add3A_900, %dma_wait3A_903] : memref<524288x128xf32, #tpu.memory_space<hbm>> -> memref<64x128xf32, #tpu.memory_space<hbm>>
        tpu.wait_dma2 semaphore(%arg23 : memref<!tpu.dma_semaphore, #tpu.memory_space<semaphore_mem>>) src(%arg15 : memref<64x128xf32, #tpu.memory_space<vmem>>) dst(%dma_wait3A_904 : memref<64x128xf32, #tpu.memory_space<hbm>>)
        %get3A_905 = arith.index_cast %add3A_825 : i32 to index
        %get3A_906 = arith.constant 64 : index
        %get3A_907 = tpu.vector_load %arg8[%get3A_905, %get3A_906] {strides = array<i32>} : memref<64x128xi32, #tpu.memory_space<vmem>>, vector<1x16xi32>,
        %get3A_908 = vector.shape_cast %get3A_907 : vector<1x16xi32> to vector<16xi32>
        %get3A_909 = arith.constant 0 : index
        %get3A_910 = tpu.vector_load %arg10[%get3A_909] {strides = array<i32>} : memref<64xi32, #tpu.memory_space<vmem>>, vector<16xi32>,
        %get3A_911 = vector.shape_cast %get3A_910 : vector<16xi32> to vector<16xi32>
        %add3A_912 = arith.addi %get3A_908, %get3A_911 : vector<16xi32>
        %swap3A_913 = arith.constant 0 : index
        %swap3A_914 = tpu.vector_load %arg11[%swap3A_913] {strides = array<i32>} : memref<64xi32, #tpu.memory_space<vmem>>, vector<16xi32>,
        %swap3A_915 = vector.shape_cast %swap3A_914 : vector<16xi32> to vector<16xi32>
        %swap3A_916 = vector.shape_cast %add3A_912 : vector<16xi32> to vector<16xi32>
        tpu.vector_store %arg11[%swap3A_913], %swap3A_916 {strides = array<i32>} : memref<64xi32, #tpu.memory_space<vmem>>, vector<16xi32>,
        %get3A_917 = arith.index_cast %add3A_825 : i32 to index
        %get3A_918 = arith.constant 80 : index
        %get3A_919 = tpu.vector_load %arg8[%get3A_917, %get3A_918] {strides = array<i32>} : memref<64x128xi32, #tpu.memory_space<vmem>>, vector<1x16xi32>,
        %get3A_920 = vector.shape_cast %get3A_919 : vector<1x16xi32> to vector<16xi32>
        %get3A_921 = arith.constant 16 : index
        %get3A_922 = tpu.vector_load %arg10[%get3A_921] {strides = array<i32>} : memref<64xi32, #tpu.memory_space<vmem>>, vector<16xi32>,
        %get3A_923 = vector.shape_cast %get3A_922 : vector<16xi32> to vector<16xi32>
        %add3A_924 = arith.addi %get3A_920, %get3A_923 : vector<16xi32>
        %swap3A_925 = arith.constant 16 : index
        %swap3A_926 = tpu.vector_load %arg11[%swap3A_925] {strides = array<i32>} : memref<64xi32, #tpu.memory_space<vmem>>, vector<16xi32>,
        %swap3A_927 = vector.shape_cast %swap3A_926 : vector<16xi32> to vector<16xi32>
        %swap3A_928 = vector.shape_cast %add3A_924 : vector<16xi32> to vector<16xi32>
        tpu.vector_store %arg11[%swap3A_925], %swap3A_928 {strides = array<i32>} : memref<64xi32, #tpu.memory_space<vmem>>, vector<16xi32>,
        %get3A_929 = arith.index_cast %add3A_825 : i32 to index
        %get3A_930 = arith.constant 96 : index
        %get3A_931 = tpu.vector_load %arg8[%get3A_929, %get3A_930] {strides = array<i32>} : memref<64x128xi32, #tpu.memory_space<vmem>>, vector<1x16xi32>,
        %get3A_932 = vector.shape_cast %get3A_931 : vector<1x16xi32> to vector<16xi32>
        %get3A_933 = arith.constant 32 : index
        %get3A_934 = tpu.vector_load %arg10[%get3A_933] {strides = array<i32>} : memref<64xi32, #tpu.memory_space<vmem>>, vector<16xi32>,
        %get3A_935 = vector.shape_cast %get3A_934 : vector<16xi32> to vector<16xi32>
        %add3A_936 = arith.addi %get3A_932, %get3A_935 : vector<16xi32>
        %swap3A_937 = arith.constant 32 : index
        %swap3A_938 = tpu.vector_load %arg11[%swap3A_937] {strides = array<i32>} : memref<64xi32, #tpu.memory_space<vmem>>, vector<16xi32>,
        %swap3A_939 = vector.shape_cast %swap3A_938 : vector<16xi32> to vector<16xi32>
        %swap3A_940 = vector.shape_cast %add3A_936 : vector<16xi32> to vector<16xi32>
        tpu.vector_store %arg11[%swap3A_937], %swap3A_940 {strides = array<i32>} : memref<64xi32, #tpu.memory_space<vmem>>, vector<16xi32>,
        %get3A_941 = arith.index_cast %add3A_825 : i32 to index
        %get3A_942 = arith.constant 112 : index
        %get3A_943 = tpu.vector_load %arg8[%get3A_941, %get3A_942] {strides = array<i32>} : memref<64x128xi32, #tpu.memory_space<vmem>>, vector<1x16xi32>,
        %get3A_944 = vector.shape_cast %get3A_943 : vector<1x16xi32> to vector<16xi32>
        %get3A_945 = arith.constant 48 : index
        %get3A_946 = tpu.vector_load %arg10[%get3A_945] {strides = array<i32>} : memref<64xi32, #tpu.memory_space<vmem>>, vector<16xi32>,
        %get3A_947 = vector.shape_cast %get3A_946 : vector<16xi32> to vector<16xi32>
        %add3A_948 = arith.addi %get3A_944, %get3A_947 : vector<16xi32>
        %swap3A_949 = arith.constant 48 : index
        %swap3A_950 = tpu.vector_load %arg11[%swap3A_949] {strides = array<i32>} : memref<64xi32, #tpu.memory_space<vmem>>, vector<16xi32>,
        %swap3A_951 = vector.shape_cast %swap3A_950 : vector<16xi32> to vector<16xi32>
        %swap3A_952 = vector.shape_cast %add3A_948 : vector<16xi32> to vector<16xi32>
        tpu.vector_store %arg11[%swap3A_949], %swap3A_952 {strides = array<i32>} : memref<64xi32, #tpu.memory_space<vmem>>, vector<16xi32>,
        %dma_start3A_953 = arith.constant 0 : i32
        %dma_start3A_954 = arith.constant 0 : i32
        %dma_start3A_955 = tpu.memref_slice %arg7[%dma_start3A_953, %dma_start3A_954] : memref<4096x128xf32, #tpu.memory_space<vmem_shared>> -> memref<4096x128xf32, #tpu.memory_space<vmem_shared>>
        tpu.enqueue_indirect_dma source(%dma_start3A_955 : memref<4096x128xf32, #tpu.memory_space<vmem_shared>>) target(%arg15 : memref<64x128xf32, #tpu.memory_space<vmem>>) offsets(%arg11 : memref<64xi32, #tpu.memory_space<vmem>>) semaphore(%arg19 : memref<!tpu.dma_semaphore, #tpu.memory_space<semaphore_mem>>)
      } else {
      }
      %dma_wait3A_831 = arith.constant 0 : i32
      %dma_wait3A_832 = arith.constant 0 : i32
      %dma_wait3A_833 = tpu.memref_slice %arg7[%dma_wait3A_831, %dma_wait3A_832] : memref<4096x128xf32, #tpu.memory_space<vmem_shared>> -> memref<4096x128xf32, #tpu.memory_space<vmem_shared>>
      tpu.wait_indirect_dma semaphore(%arg21 : memref<!tpu.dma_semaphore, #tpu.memory_space<semaphore_mem>>) src(%dma_wait3A_833 : memref<4096x128xf32, #tpu.memory_space<vmem_shared>>) dst(%arg17 : memref<64x128xf32, #tpu.memory_space<vmem>>)
      %mul3A_834 = arith.constant 64 : i32
      %mul3A_835 = arith.muli %arg1, %mul3A_834 : i32
      %add3A_836 = arith.addi %mul3A_835, %add3A_819 : i32
      %mul3A_837 = arith.constant 512 : i32
      %mul3A_838 = arith.muli %add3A_836, %mul3A_837 : i32
      %mul3A_839 = arith.constant 256 : i32
      %mul3A_840 = arith.muli %arg0, %mul3A_839 : i32
      %add3A_841 = arith.addi %mul3A_838, %mul3A_840 : i32
      %add3A_842 = arith.constant 64 : i32
      %add3A_843 = arith.addi %add3A_841, %add3A_842 : i32
      %add3A_844 = arith.constant 0 : i32
      %add3A_845 = arith.addi %add3A_843, %add3A_844 : i32
      %dma_start3A_846 = arith.constant 0 : i32
      %dma_start3A_847 = tpu.memref_slice %arg5[%add3A_845, %dma_start3A_846] : memref<524288x128xf32, #tpu.memory_space<hbm>> -> memref<64x128xf32, #tpu.memory_space<hbm>>
      %dma_start3A_848 = arith.constant 0 : i32
      %dma_start3A_849 = tpu.memref_slice %arg5[%add3A_845, %dma_start3A_848] : memref<524288x128xf32, #tpu.memory_space<hbm>> -> memref<64x128xf32, #tpu.memory_space<hbm>>
      tpu.enqueue_dma source(%arg17 : memref<64x128xf32, #tpu.memory_space<vmem>>) target(%dma_start3A_849 : memref<64x128xf32, #tpu.memory_space<hbm>>) target_semaphore(%arg25 : memref<!tpu.dma_semaphore, #tpu.memory_space<semaphore_mem>>)
      %mul3A_850 = arith.constant 4 : i32
      %mul3A_851 = arith.muli %scan3A_738, %mul3A_850 : i32
      %add3A_852 = arith.constant 3 : i32
      %add3A_853 = arith.addi %mul3A_851, %add3A_852 : i32
      %mul3A_854 = arith.constant 4 : i32
      %mul3A_855 = arith.muli %scan3A_738, %mul3A_854 : i32
      %add3A_856 = arith.constant 3 : i32
      %add3A_857 = arith.addi %mul3A_855, %add3A_856 : i32
      %add3A_858 = arith.constant 2 : i32
      %add3A_859 = arith.addi %add3A_853, %add3A_858 : i32
      %mul3A_860 = arith.constant 4 : i32
      %mul3A_861 = arith.muli %scan3A_738, %mul3A_860 : i32
      %add3A_862 = arith.constant 5 : i32
      %add3A_863 = arith.addi %mul3A_861, %add3A_862 : i32
      %lt3A_864 = arith.constant 64 : i32
      %lt3A_865 = arith.cmpi slt, %add3A_859, %lt3A_864 : i32
      %convert_element_type3A_866 = arith.extui %lt3A_865 : i1 to i32
      %cond3A_867 = arith.constant 0 : i32
      %cond3A_868 = arith.cmpi ne, %convert_element_type3A_866, %cond3A_867 : i32
      scf.if %cond3A_868 {
        %mul3A_888 = arith.constant 64 : i32
        %mul3A_889 = arith.muli %arg1, %mul3A_888 : i32
        %add3A_890 = arith.constant 0 : i32
        %add3A_891 = arith.addi %mul3A_889, %add3A_890 : i32
        %mul3A_892 = arith.constant 512 : i32
        %mul3A_893 = arith.muli %add3A_891, %mul3A_892 : i32
        %mul3A_894 = arith.constant 256 : i32
        %mul3A_895 = arith.muli %arg0, %mul3A_894 : i32
        %add3A_896 = arith.addi %mul3A_893, %mul3A_895 : i32
        %add3A_897 = arith.constant 64 : i32
        %add3A_898 = arith.addi %add3A_896, %add3A_897 : i32
        %add3A_899 = arith.constant 0 : i32
        %add3A_900 = arith.addi %add3A_898, %add3A_899 : i32
        %dma_wait3A_901 = arith.constant 0 : i32
        %dma_wait3A_902 = tpu.memref_slice %arg5[%add3A_900, %dma_wait3A_901] : memref<524288x128xf32, #tpu.memory_space<hbm>> -> memref<64x128xf32, #tpu.memory_space<hbm>>
        %dma_wait3A_903 = arith.constant 0 : i32
        %dma_wait3A_904 = tpu.memref_slice %arg5[%add3A_900, %dma_wait3A_903] : memref<524288x128xf32, #tpu.memory_space<hbm>> -> memref<64x128xf32, #tpu.memory_space<hbm>>
        tpu.wait_dma2 semaphore(%arg24 : memref<!tpu.dma_semaphore, #tpu.memory_space<semaphore_mem>>) src(%arg16 : memref<64x128xf32, #tpu.memory_space<vmem>>) dst(%dma_wait3A_904 : memref<64x128xf32, #tpu.memory_space<hbm>>)
        %get3A_905 = arith.index_cast %add3A_863 : i32 to index
        %get3A_906 = arith.constant 64 : index
        %get3A_907 = tpu.vector_load %arg8[%get3A_905, %get3A_906] {strides = array<i32>} : memref<64x128xi32, #tpu.memory_space<vmem>>, vector<1x16xi32>,
        %get3A_908 = vector.shape_cast %get3A_907 : vector<1x16xi32> to vector<16xi32>
        %get3A_909 = arith.constant 0 : index
        %get3A_910 = tpu.vector_load %arg10[%get3A_909] {strides = array<i32>} : memref<64xi32, #tpu.memory_space<vmem>>, vector<16xi32>,
        %get3A_911 = vector.shape_cast %get3A_910 : vector<16xi32> to vector<16xi32>
        %add3A_912 = arith.addi %get3A_908, %get3A_911 : vector<16xi32>
        %swap3A_913 = arith.constant 0 : index
        %swap3A_914 = tpu.vector_load %arg12[%swap3A_913] {strides = array<i32>} : memref<64xi32, #tpu.memory_space<vmem>>, vector<16xi32>,
        %swap3A_915 = vector.shape_cast %swap3A_914 : vector<16xi32> to vector<16xi32>
        %swap3A_916 = vector.shape_cast %add3A_912 : vector<16xi32> to vector<16xi32>
        tpu.vector_store %arg12[%swap3A_913], %swap3A_916 {strides = array<i32>} : memref<64xi32, #tpu.memory_space<vmem>>, vector<16xi32>,
        %get3A_917 = arith.index_cast %add3A_863 : i32 to index
        %get3A_918 = arith.constant 80 : index
        %get3A_919 = tpu.vector_load %arg8[%get3A_917, %get3A_918] {strides = array<i32>} : memref<64x128xi32, #tpu.memory_space<vmem>>, vector<1x16xi32>,
        %get3A_920 = vector.shape_cast %get3A_919 : vector<1x16xi32> to vector<16xi32>
        %get3A_921 = arith.constant 16 : index
        %get3A_922 = tpu.vector_load %arg10[%get3A_921] {strides = array<i32>} : memref<64xi32, #tpu.memory_space<vmem>>, vector<16xi32>,
        %get3A_923 = vector.shape_cast %get3A_922 : vector<16xi32> to vector<16xi32>
        %add3A_924 = arith.addi %get3A_920, %get3A_923 : vector<16xi32>
        %swap3A_925 = arith.constant 16 : index
        %swap3A_926 = tpu.vector_load %arg12[%swap3A_925] {strides = array<i32>} : memref<64xi32, #tpu.memory_space<vmem>>, vector<16xi32>,
        %swap3A_927 = vector.shape_cast %swap3A_926 : vector<16xi32> to vector<16xi32>
        %swap3A_928 = vector.shape_cast %add3A_924 : vector<16xi32> to vector<16xi32>
        tpu.vector_store %arg12[%swap3A_925], %swap3A_928 {strides = array<i32>} : memref<64xi32, #tpu.memory_space<vmem>>, vector<16xi32>,
        %get3A_929 = arith.index_cast %add3A_863 : i32 to index
        %get3A_930 = arith.constant 96 : index
        %get3A_931 = tpu.vector_load %arg8[%get3A_929, %get3A_930] {strides = array<i32>} : memref<64x128xi32, #tpu.memory_space<vmem>>, vector<1x16xi32>,
        %get3A_932 = vector.shape_cast %get3A_931 : vector<1x16xi32> to vector<16xi32>
        %get3A_933 = arith.constant 32 : index
        %get3A_934 = tpu.vector_load %arg10[%get3A_933] {strides = array<i32>} : memref<64xi32, #tpu.memory_space<vmem>>, vector<16xi32>,
        %get3A_935 = vector.shape_cast %get3A_934 : vector<16xi32> to vector<16xi32>
        %add3A_936 = arith.addi %get3A_932, %get3A_935 : vector<16xi32>
        %swap3A_937 = arith.constant 32 : index
        %swap3A_938 = tpu.vector_load %arg12[%swap3A_937] {strides = array<i32>} : memref<64xi32, #tpu.memory_space<vmem>>, vector<16xi32>,
        %swap3A_939 = vector.shape_cast %swap3A_938 : vector<16xi32> to vector<16xi32>
        %swap3A_940 = vector.shape_cast %add3A_936 : vector<16xi32> to vector<16xi32>
        tpu.vector_store %arg12[%swap3A_937], %swap3A_940 {strides = array<i32>} : memref<64xi32, #tpu.memory_space<vmem>>, vector<16xi32>,
        %get3A_941 = arith.index_cast %add3A_863 : i32 to index
        %get3A_942 = arith.constant 112 : index
        %get3A_943 = tpu.vector_load %arg8[%get3A_941, %get3A_942] {strides = array<i32>} : memref<64x128xi32, #tpu.memory_space<vmem>>, vector<1x16xi32>,
        %get3A_944 = vector.shape_cast %get3A_943 : vector<1x16xi32> to vector<16xi32>
        %get3A_945 = arith.constant 48 : index
        %get3A_946 = tpu.vector_load %arg10[%get3A_945] {strides = array<i32>} : memref<64xi32, #tpu.memory_space<vmem>>, vector<16xi32>,
        %get3A_947 = vector.shape_cast %get3A_946 : vector<16xi32> to vector<16xi32>
        %add3A_948 = arith.addi %get3A_944, %get3A_947 : vector<16xi32>
        %swap3A_949 = arith.constant 48 : index
        %swap3A_950 = tpu.vector_load %arg12[%swap3A_949] {strides = array<i32>} : memref<64xi32, #tpu.memory_space<vmem>>, vector<16xi32>,
        %swap3A_951 = vector.shape_cast %swap3A_950 : vector<16xi32> to vector<16xi32>
        %swap3A_952 = vector.shape_cast %add3A_948 : vector<16xi32> to vector<16xi32>
        tpu.vector_store %arg12[%swap3A_949], %swap3A_952 {strides = array<i32>} : memref<64xi32, #tpu.memory_space<vmem>>, vector<16xi32>,
        %dma_start3A_953 = arith.constant 0 : i32
        %dma_start3A_954 = arith.constant 0 : i32
        %dma_start3A_955 = tpu.memref_slice %arg7[%dma_start3A_953, %dma_start3A_954] : memref<4096x128xf32, #tpu.memory_space<vmem_shared>> -> memref<4096x128xf32, #tpu.memory_space<vmem_shared>>
        tpu.enqueue_indirect_dma source(%dma_start3A_955 : memref<4096x128xf32, #tpu.memory_space<vmem_shared>>) target(%arg16 : memref<64x128xf32, #tpu.memory_space<vmem>>) offsets(%arg12 : memref<64xi32, #tpu.memory_space<vmem>>) semaphore(%arg20 : memref<!tpu.dma_semaphore, #tpu.memory_space<semaphore_mem>>)
      } else {
      }
      %dma_wait3A_869 = arith.constant 0 : i32
      %dma_wait3A_870 = arith.constant 0 : i32
      %dma_wait3A_871 = tpu.memref_slice %arg7[%dma_wait3A_869, %dma_wait3A_870] : memref<4096x128xf32, #tpu.memory_space<vmem_shared>> -> memref<4096x128xf32, #tpu.memory_space<vmem_shared>>
      tpu.wait_indirect_dma semaphore(%arg22 : memref<!tpu.dma_semaphore, #tpu.memory_space<semaphore_mem>>) src(%dma_wait3A_871 : memref<4096x128xf32, #tpu.memory_space<vmem_shared>>) dst(%arg18 : memref<64x128xf32, #tpu.memory_space<vmem>>)
      %mul3A_872 = arith.constant 64 : i32
      %mul3A_873 = arith.muli %arg1, %mul3A_872 : i32
      %add3A_874 = arith.addi %mul3A_873, %add3A_857 : i32
      %mul3A_875 = arith.constant 512 : i32
      %mul3A_876 = arith.muli %add3A_874, %mul3A_875 : i32
      %mul3A_877 = arith.constant 256 : i32
      %mul3A_878 = arith.muli %arg0, %mul3A_877 : i32
      %add3A_879 = arith.addi %mul3A_876, %mul3A_878 : i32
      %add3A_880 = arith.constant 64 : i32
      %add3A_881 = arith.addi %add3A_879, %add3A_880 : i32
      %add3A_882 = arith.constant 0 : i32
      %add3A_883 = arith.addi %add3A_881, %add3A_882 : i32
      %dma_start3A_884 = arith.constant 0 : i32
      %dma_start3A_885 = tpu.memref_slice %arg5[%add3A_883, %dma_start3A_884] : memref<524288x128xf32, #tpu.memory_space<hbm>> -> memref<64x128xf32, #tpu.memory_space<hbm>>
      %dma_start3A_886 = arith.constant 0 : i32
      %dma_start3A_887 = tpu.memref_slice %arg5[%add3A_883, %dma_start3A_886] : memref<524288x128xf32, #tpu.memory_space<hbm>> -> memref<64x128xf32, #tpu.memory_space<hbm>>
      tpu.enqueue_dma source(%arg18 : memref<64x128xf32, #tpu.memory_space<vmem>>) target(%dma_start3A_887 : memref<64x128xf32, #tpu.memory_space<hbm>>) target_semaphore(%arg26 : memref<!tpu.dma_semaphore, #tpu.memory_space<semaphore_mem>>)
    }
    %scan3A_366 = arith.constant 16 : i32
    %mul3A_367 = arith.constant 4 : i32
    %mul3A_368 = arith.muli %arg0, %mul3A_367 : i32
    %add3A_369 = arith.constant 2 : i32
    %add3A_370 = arith.addi %mul3A_368, %add3A_369 : i32
    %mul3A_371 = arith.constant 4096 : i32
    %mul3A_372 = arith.muli %add3A_370, %mul3A_371 : i32
    %mul3A_373 = arith.constant 256 : i32
    %mul3A_374 = arith.muli %arg1, %mul3A_373 : i32
    %add3A_375 = arith.addi %mul3A_372, %mul3A_374 : i32
    %mul3A_376 = arith.constant 256 : i32
    %mul3A_377 = arith.muli %arg1, %mul3A_376 : i32
    %dma_wait3A_378 = arith.constant 0 : i32
    %dma_wait3A_379 = tpu.memref_slice %arg6[%mul3A_377, %dma_wait3A_378] : memref<4096x128xf32, #tpu.memory_space<vmem_shared>> -> memref<256x128xf32, #tpu.memory_space<vmem_shared>>
    %dma_wait3A_380 = arith.constant 0 : i32
    %dma_wait3A_381 = tpu.memref_slice %arg2[%add3A_375, %dma_wait3A_380] : memref<32768x128xf32, #tpu.memory_space<hbm>> -> memref<256x128xf32, #tpu.memory_space<hbm>>
    tpu.wait_dma2 semaphore(%arg27 : memref<!tpu.dma_semaphore, #tpu.memory_space<semaphore_mem>>) src(%dma_wait3A_381 : memref<256x128xf32, #tpu.memory_space<hbm>>) dst(%dma_wait3A_379 : memref<256x128xf32, #tpu.memory_space<vmem_shared>>)
    %barrier3A_382 = arith.constant 0 : index
    tpu.barrier barrier_id(%barrier3A_382)
    %mul3A_383 = arith.constant 4 : i32
    %mul3A_384 = arith.muli %arg0, %mul3A_383 : i32
    %add3A_385 = arith.constant 3 : i32
    %add3A_386 = arith.addi %mul3A_384, %add3A_385 : i32
    %mul3A_387 = arith.constant 4096 : i32
    %mul3A_388 = arith.muli %add3A_386, %mul3A_387 : i32
    %mul3A_389 = arith.constant 256 : i32
    %mul3A_390 = arith.muli %arg1, %mul3A_389 : i32
    %add3A_391 = arith.addi %mul3A_388, %mul3A_390 : i32
    %mul3A_392 = arith.constant 256 : i32
    %mul3A_393 = arith.muli %arg1, %mul3A_392 : i32
    %dma_start3A_394 = arith.constant 0 : i32
    %dma_start3A_395 = tpu.memref_slice %arg7[%mul3A_393, %dma_start3A_394] : memref<4096x128xf32, #tpu.memory_space<vmem_shared>> -> memref<256x128xf32, #tpu.memory_space<vmem_shared>>
    %dma_start3A_396 = arith.constant 0 : i32
    %dma_start3A_397 = tpu.memref_slice %arg2[%add3A_391, %dma_start3A_396] : memref<32768x128xf32, #tpu.memory_space<hbm>> -> memref<256x128xf32, #tpu.memory_space<hbm>>
    tpu.enqueue_dma source(%dma_start3A_397 : memref<256x128xf32, #tpu.memory_space<hbm>>) target(%dma_start3A_395 : memref<256x128xf32, #tpu.memory_space<vmem_shared>>) target_semaphore(%arg28 : memref<!tpu.dma_semaphore, #tpu.memory_space<semaphore_mem>>)
    %mul3A_398 = arith.constant 64 : i32
    %mul3A_399 = arith.muli %arg1, %mul3A_398 : i32
    %add3A_400 = arith.constant 0 : i32
    %add3A_401 = arith.addi %mul3A_399, %add3A_400 : i32
    %mul3A_402 = arith.constant 512 : i32
    %mul3A_403 = arith.muli %add3A_401, %mul3A_402 : i32
    %mul3A_404 = arith.constant 256 : i32
    %mul3A_405 = arith.muli %arg0, %mul3A_404 : i32
    %add3A_406 = arith.addi %mul3A_403, %mul3A_405 : i32
    %add3A_407 = arith.constant 128 : i32
    %add3A_408 = arith.addi %add3A_406, %add3A_407 : i32
    %add3A_409 = arith.constant 0 : i32
    %add3A_410 = arith.addi %add3A_408, %add3A_409 : i32
    %dma_wait3A_411 = arith.constant 0 : i32
    %dma_wait3A_412 = tpu.memref_slice %arg5[%add3A_410, %dma_wait3A_411] : memref<524288x128xf32, #tpu.memory_space<hbm>> -> memref<64x128xf32, #tpu.memory_space<hbm>>
    %dma_wait3A_413 = arith.constant 0 : i32
    %dma_wait3A_414 = tpu.memref_slice %arg5[%add3A_410, %dma_wait3A_413] : memref<524288x128xf32, #tpu.memory_space<hbm>> -> memref<64x128xf32, #tpu.memory_space<hbm>>
    tpu.wait_dma2 semaphore(%arg23 : memref<!tpu.dma_semaphore, #tpu.memory_space<semaphore_mem>>) src(%arg15 : memref<64x128xf32, #tpu.memory_space<vmem>>) dst(%dma_wait3A_414 : memref<64x128xf32, #tpu.memory_space<hbm>>)
    %get3A_415 = arith.constant 0 : i32
    %get3A_416 = arith.index_cast %get3A_415 : i32 to index
    %get3A_417 = arith.constant 0 : index
    %get3A_418 = tpu.vector_load %arg9[%get3A_416, %get3A_417] {strides = array<i32>} : memref<64x128xi32, #tpu.memory_space<vmem>>, vector<1x16xi32>,
    %get3A_419 = vector.shape_cast %get3A_418 : vector<1x16xi32> to vector<16xi32>
    %get3A_420 = arith.constant 0 : index
    %get3A_421 = tpu.vector_load %arg10[%get3A_420] {strides = array<i32>} : memref<64xi32, #tpu.memory_space<vmem>>, vector<16xi32>,
    %get3A_422 = vector.shape_cast %get3A_421 : vector<16xi32> to vector<16xi32>
    %add3A_423 = arith.addi %get3A_419, %get3A_422 : vector<16xi32>
    %swap3A_424 = arith.constant 0 : index
    %swap3A_425 = tpu.vector_load %arg11[%swap3A_424] {strides = array<i32>} : memref<64xi32, #tpu.memory_space<vmem>>, vector<16xi32>,
    %swap3A_426 = vector.shape_cast %swap3A_425 : vector<16xi32> to vector<16xi32>
    %swap3A_427 = vector.shape_cast %add3A_423 : vector<16xi32> to vector<16xi32>
    tpu.vector_store %arg11[%swap3A_424], %swap3A_427 {strides = array<i32>} : memref<64xi32, #tpu.memory_space<vmem>>, vector<16xi32>,
    %get3A_428 = arith.constant 0 : i32
    %get3A_429 = arith.index_cast %get3A_428 : i32 to index
    %get3A_430 = arith.constant 16 : index
    %get3A_431 = tpu.vector_load %arg9[%get3A_429, %get3A_430] {strides = array<i32>} : memref<64x128xi32, #tpu.memory_space<vmem>>, vector<1x16xi32>,
    %get3A_432 = vector.shape_cast %get3A_431 : vector<1x16xi32> to vector<16xi32>
    %get3A_433 = arith.constant 16 : index
    %get3A_434 = tpu.vector_load %arg10[%get3A_433] {strides = array<i32>} : memref<64xi32, #tpu.memory_space<vmem>>, vector<16xi32>,
    %get3A_435 = vector.shape_cast %get3A_434 : vector<16xi32> to vector<16xi32>
    %add3A_436 = arith.addi %get3A_432, %get3A_435 : vector<16xi32>
    %swap3A_437 = arith.constant 16 : index
    %swap3A_438 = tpu.vector_load %arg11[%swap3A_437] {strides = array<i32>} : memref<64xi32, #tpu.memory_space<vmem>>, vector<16xi32>,
    %swap3A_439 = vector.shape_cast %swap3A_438 : vector<16xi32> to vector<16xi32>
    %swap3A_440 = vector.shape_cast %add3A_436 : vector<16xi32> to vector<16xi32>
    tpu.vector_store %arg11[%swap3A_437], %swap3A_440 {strides = array<i32>} : memref<64xi32, #tpu.memory_space<vmem>>, vector<16xi32>,
    %get3A_441 = arith.constant 0 : i32
    %get3A_442 = arith.index_cast %get3A_441 : i32 to index
    %get3A_443 = arith.constant 32 : index
    %get3A_444 = tpu.vector_load %arg9[%get3A_442, %get3A_443] {strides = array<i32>} : memref<64x128xi32, #tpu.memory_space<vmem>>, vector<1x16xi32>,
    %get3A_445 = vector.shape_cast %get3A_444 : vector<1x16xi32> to vector<16xi32>
    %get3A_446 = arith.constant 32 : index
    %get3A_447 = tpu.vector_load %arg10[%get3A_446] {strides = array<i32>} : memref<64xi32, #tpu.memory_space<vmem>>, vector<16xi32>,
    %get3A_448 = vector.shape_cast %get3A_447 : vector<16xi32> to vector<16xi32>
    %add3A_449 = arith.addi %get3A_445, %get3A_448 : vector<16xi32>
    %swap3A_450 = arith.constant 32 : index
    %swap3A_451 = tpu.vector_load %arg11[%swap3A_450] {strides = array<i32>} : memref<64xi32, #tpu.memory_space<vmem>>, vector<16xi32>,
    %swap3A_452 = vector.shape_cast %swap3A_451 : vector<16xi32> to vector<16xi32>
    %swap3A_453 = vector.shape_cast %add3A_449 : vector<16xi32> to vector<16xi32>
    tpu.vector_store %arg11[%swap3A_450], %swap3A_453 {strides = array<i32>} : memref<64xi32, #tpu.memory_space<vmem>>, vector<16xi32>,
    %get3A_454 = arith.constant 0 : i32
    %get3A_455 = arith.index_cast %get3A_454 : i32 to index
    %get3A_456 = arith.constant 48 : index
    %get3A_457 = tpu.vector_load %arg9[%get3A_455, %get3A_456] {strides = array<i32>} : memref<64x128xi32, #tpu.memory_space<vmem>>, vector<1x16xi32>,
    %get3A_458 = vector.shape_cast %get3A_457 : vector<1x16xi32> to vector<16xi32>
    %get3A_459 = arith.constant 48 : index
    %get3A_460 = tpu.vector_load %arg10[%get3A_459] {strides = array<i32>} : memref<64xi32, #tpu.memory_space<vmem>>, vector<16xi32>,
    %get3A_461 = vector.shape_cast %get3A_460 : vector<16xi32> to vector<16xi32>
    %add3A_462 = arith.addi %get3A_458, %get3A_461 : vector<16xi32>
    %swap3A_463 = arith.constant 48 : index
    %swap3A_464 = tpu.vector_load %arg11[%swap3A_463] {strides = array<i32>} : memref<64xi32, #tpu.memory_space<vmem>>, vector<16xi32>,
    %swap3A_465 = vector.shape_cast %swap3A_464 : vector<16xi32> to vector<16xi32>
    %swap3A_466 = vector.shape_cast %add3A_462 : vector<16xi32> to vector<16xi32>
    tpu.vector_store %arg11[%swap3A_463], %swap3A_466 {strides = array<i32>} : memref<64xi32, #tpu.memory_space<vmem>>, vector<16xi32>,
    %dma_start3A_467 = arith.constant 0 : i32
    %dma_start3A_468 = arith.constant 0 : i32
    %dma_start3A_469 = tpu.memref_slice %arg6[%dma_start3A_467, %dma_start3A_468] : memref<4096x128xf32, #tpu.memory_space<vmem_shared>> -> memref<4096x128xf32, #tpu.memory_space<vmem_shared>>
    tpu.enqueue_indirect_dma source(%dma_start3A_469 : memref<4096x128xf32, #tpu.memory_space<vmem_shared>>) target(%arg15 : memref<64x128xf32, #tpu.memory_space<vmem>>) offsets(%arg11 : memref<64xi32, #tpu.memory_space<vmem>>) semaphore(%arg19 : memref<!tpu.dma_semaphore, #tpu.memory_space<semaphore_mem>>)
    %mul3A_470 = arith.constant 64 : i32
    %mul3A_471 = arith.muli %arg1, %mul3A_470 : i32
    %add3A_472 = arith.constant 0 : i32
    %add3A_473 = arith.addi %mul3A_471, %add3A_472 : i32
    %mul3A_474 = arith.constant 512 : i32
    %mul3A_475 = arith.muli %add3A_473, %mul3A_474 : i32
    %mul3A_476 = arith.constant 256 : i32
    %mul3A_477 = arith.muli %arg0, %mul3A_476 : i32
    %add3A_478 = arith.addi %mul3A_475, %mul3A_477 : i32
    %add3A_479 = arith.constant 128 : i32
    %add3A_480 = arith.addi %add3A_478, %add3A_479 : i32
    %add3A_481 = arith.constant 0 : i32
    %add3A_482 = arith.addi %add3A_480, %add3A_481 : i32
    %dma_wait3A_483 = arith.constant 0 : i32
    %dma_wait3A_484 = tpu.memref_slice %arg5[%add3A_482, %dma_wait3A_483] : memref<524288x128xf32, #tpu.memory_space<hbm>> -> memref<64x128xf32, #tpu.memory_space<hbm>>
    %dma_wait3A_485 = arith.constant 0 : i32
    %dma_wait3A_486 = tpu.memref_slice %arg5[%add3A_482, %dma_wait3A_485] : memref<524288x128xf32, #tpu.memory_space<hbm>> -> memref<64x128xf32, #tpu.memory_space<hbm>>
    tpu.wait_dma2 semaphore(%arg24 : memref<!tpu.dma_semaphore, #tpu.memory_space<semaphore_mem>>) src(%arg16 : memref<64x128xf32, #tpu.memory_space<vmem>>) dst(%dma_wait3A_486 : memref<64x128xf32, #tpu.memory_space<hbm>>)
    %get3A_487 = arith.constant 1 : i32
    %get3A_488 = arith.index_cast %get3A_487 : i32 to index
    %get3A_489 = arith.constant 0 : index
    %get3A_490 = tpu.vector_load %arg9[%get3A_488, %get3A_489] {strides = array<i32>} : memref<64x128xi32, #tpu.memory_space<vmem>>, vector<1x16xi32>,
    %get3A_491 = vector.shape_cast %get3A_490 : vector<1x16xi32> to vector<16xi32>
    %get3A_492 = arith.constant 0 : index
    %get3A_493 = tpu.vector_load %arg10[%get3A_492] {strides = array<i32>} : memref<64xi32, #tpu.memory_space<vmem>>, vector<16xi32>,
    %get3A_494 = vector.shape_cast %get3A_493 : vector<16xi32> to vector<16xi32>
    %add3A_495 = arith.addi %get3A_491, %get3A_494 : vector<16xi32>
    %swap3A_496 = arith.constant 0 : index
    %swap3A_497 = tpu.vector_load %arg12[%swap3A_496] {strides = array<i32>} : memref<64xi32, #tpu.memory_space<vmem>>, vector<16xi32>,
    %swap3A_498 = vector.shape_cast %swap3A_497 : vector<16xi32> to vector<16xi32>
    %swap3A_499 = vector.shape_cast %add3A_495 : vector<16xi32> to vector<16xi32>
    tpu.vector_store %arg12[%swap3A_496], %swap3A_499 {strides = array<i32>} : memref<64xi32, #tpu.memory_space<vmem>>, vector<16xi32>,
    %get3A_500 = arith.constant 1 : i32
    %get3A_501 = arith.index_cast %get3A_500 : i32 to index
    %get3A_502 = arith.constant 16 : index
    %get3A_503 = tpu.vector_load %arg9[%get3A_501, %get3A_502] {strides = array<i32>} : memref<64x128xi32, #tpu.memory_space<vmem>>, vector<1x16xi32>,
    %get3A_504 = vector.shape_cast %get3A_503 : vector<1x16xi32> to vector<16xi32>
    %get3A_505 = arith.constant 16 : index
    %get3A_506 = tpu.vector_load %arg10[%get3A_505] {strides = array<i32>} : memref<64xi32, #tpu.memory_space<vmem>>, vector<16xi32>,
    %get3A_507 = vector.shape_cast %get3A_506 : vector<16xi32> to vector<16xi32>
    %add3A_508 = arith.addi %get3A_504, %get3A_507 : vector<16xi32>
    %swap3A_509 = arith.constant 16 : index
    %swap3A_510 = tpu.vector_load %arg12[%swap3A_509] {strides = array<i32>} : memref<64xi32, #tpu.memory_space<vmem>>, vector<16xi32>,
    %swap3A_511 = vector.shape_cast %swap3A_510 : vector<16xi32> to vector<16xi32>
    %swap3A_512 = vector.shape_cast %add3A_508 : vector<16xi32> to vector<16xi32>
    tpu.vector_store %arg12[%swap3A_509], %swap3A_512 {strides = array<i32>} : memref<64xi32, #tpu.memory_space<vmem>>, vector<16xi32>,
    %get3A_513 = arith.constant 1 : i32
    %get3A_514 = arith.index_cast %get3A_513 : i32 to index
    %get3A_515 = arith.constant 32 : index
    %get3A_516 = tpu.vector_load %arg9[%get3A_514, %get3A_515] {strides = array<i32>} : memref<64x128xi32, #tpu.memory_space<vmem>>, vector<1x16xi32>,
    %get3A_517 = vector.shape_cast %get3A_516 : vector<1x16xi32> to vector<16xi32>
    %get3A_518 = arith.constant 32 : index
    %get3A_519 = tpu.vector_load %arg10[%get3A_518] {strides = array<i32>} : memref<64xi32, #tpu.memory_space<vmem>>, vector<16xi32>,
    %get3A_520 = vector.shape_cast %get3A_519 : vector<16xi32> to vector<16xi32>
    %add3A_521 = arith.addi %get3A_517, %get3A_520 : vector<16xi32>
    %swap3A_522 = arith.constant 32 : index
    %swap3A_523 = tpu.vector_load %arg12[%swap3A_522] {strides = array<i32>} : memref<64xi32, #tpu.memory_space<vmem>>, vector<16xi32>,
    %swap3A_524 = vector.shape_cast %swap3A_523 : vector<16xi32> to vector<16xi32>
    %swap3A_525 = vector.shape_cast %add3A_521 : vector<16xi32> to vector<16xi32>
    tpu.vector_store %arg12[%swap3A_522], %swap3A_525 {strides = array<i32>} : memref<64xi32, #tpu.memory_space<vmem>>, vector<16xi32>,
    %get3A_526 = arith.constant 1 : i32
    %get3A_527 = arith.index_cast %get3A_526 : i32 to index
    %get3A_528 = arith.constant 48 : index
    %get3A_529 = tpu.vector_load %arg9[%get3A_527, %get3A_528] {strides = array<i32>} : memref<64x128xi32, #tpu.memory_space<vmem>>, vector<1x16xi32>,
    %get3A_530 = vector.shape_cast %get3A_529 : vector<1x16xi32> to vector<16xi32>
    %get3A_531 = arith.constant 48 : index
    %get3A_532 = tpu.vector_load %arg10[%get3A_531] {strides = array<i32>} : memref<64xi32, #tpu.memory_space<vmem>>, vector<16xi32>,
    %get3A_533 = vector.shape_cast %get3A_532 : vector<16xi32> to vector<16xi32>
    %add3A_534 = arith.addi %get3A_530, %get3A_533 : vector<16xi32>
    %swap3A_535 = arith.constant 48 : index
    %swap3A_536 = tpu.vector_load %arg12[%swap3A_535] {strides = array<i32>} : memref<64xi32, #tpu.memory_space<vmem>>, vector<16xi32>,
    %swap3A_537 = vector.shape_cast %swap3A_536 : vector<16xi32> to vector<16xi32>
    %swap3A_538 = vector.shape_cast %add3A_534 : vector<16xi32> to vector<16xi32>
    tpu.vector_store %arg12[%swap3A_535], %swap3A_538 {strides = array<i32>} : memref<64xi32, #tpu.memory_space<vmem>>, vector<16xi32>,
    %dma_start3A_539 = arith.constant 0 : i32
    %dma_start3A_540 = arith.constant 0 : i32
    %dma_start3A_541 = tpu.memref_slice %arg6[%dma_start3A_539, %dma_start3A_540] : memref<4096x128xf32, #tpu.memory_space<vmem_shared>> -> memref<4096x128xf32, #tpu.memory_space<vmem_shared>>
    tpu.enqueue_indirect_dma source(%dma_start3A_541 : memref<4096x128xf32, #tpu.memory_space<vmem_shared>>) target(%arg16 : memref<64x128xf32, #tpu.memory_space<vmem>>) offsets(%arg12 : memref<64xi32, #tpu.memory_space<vmem>>) semaphore(%arg20 : memref<!tpu.dma_semaphore, #tpu.memory_space<semaphore_mem>>)
    %scan3A_542 = arith.constant 0 : i32
    %scan3A_543 = arith.constant 0 : i32
    %scan3A_544 = arith.constant 16 : i32
    %scan3A_545 = arith.addi %scan3A_543, %scan3A_544 : i32
    %scan3A_546 = arith.constant 1 : i32
    scf.for %scan3A_738 = %scan3A_543 to %scan3A_545 step %scan3A_546  : i32 {
      %mul3A_739 = arith.constant 4 : i32
      %mul3A_740 = arith.muli %scan3A_738, %mul3A_739 : i32
      %add3A_741 = arith.constant 0 : i32
      %add3A_742 = arith.addi %mul3A_740, %add3A_741 : i32
      %mul3A_743 = arith.constant 4 : i32
      %mul3A_744 = arith.muli %scan3A_738, %mul3A_743 : i32
      %add3A_745 = arith.constant 0 : i32
      %add3A_746 = arith.addi %mul3A_744, %add3A_745 : i32
      %add3A_747 = arith.constant 2 : i32
      %add3A_748 = arith.addi %add3A_742, %add3A_747 : i32
      %mul3A_749 = arith.constant 4 : i32
      %mul3A_750 = arith.muli %scan3A_738, %mul3A_749 : i32
      %add3A_751 = arith.constant 2 : i32
      %add3A_752 = arith.addi %mul3A_750, %add3A_751 : i32
      %lt3A = arith.constant 64 : i32
      %lt3A_753 = arith.cmpi slt, %add3A_748, %lt3A : i32
      %convert_element_type3A = arith.extui %lt3A_753 : i1 to i32
      %cond3A = arith.constant 0 : i32
      %cond3A_754 = arith.cmpi ne, %convert_element_type3A, %cond3A : i32
      scf.if %cond3A_754 {
        %mul3A_888 = arith.constant 64 : i32
        %mul3A_889 = arith.muli %arg1, %mul3A_888 : i32
        %add3A_890 = arith.constant 0 : i32
        %add3A_891 = arith.addi %mul3A_889, %add3A_890 : i32
        %mul3A_892 = arith.constant 512 : i32
        %mul3A_893 = arith.muli %add3A_891, %mul3A_892 : i32
        %mul3A_894 = arith.constant 256 : i32
        %mul3A_895 = arith.muli %arg0, %mul3A_894 : i32
        %add3A_896 = arith.addi %mul3A_893, %mul3A_895 : i32
        %add3A_897 = arith.constant 128 : i32
        %add3A_898 = arith.addi %add3A_896, %add3A_897 : i32
        %add3A_899 = arith.constant 0 : i32
        %add3A_900 = arith.addi %add3A_898, %add3A_899 : i32
        %dma_wait3A_901 = arith.constant 0 : i32
        %dma_wait3A_902 = tpu.memref_slice %arg5[%add3A_900, %dma_wait3A_901] : memref<524288x128xf32, #tpu.memory_space<hbm>> -> memref<64x128xf32, #tpu.memory_space<hbm>>
        %dma_wait3A_903 = arith.constant 0 : i32
        %dma_wait3A_904 = tpu.memref_slice %arg5[%add3A_900, %dma_wait3A_903] : memref<524288x128xf32, #tpu.memory_space<hbm>> -> memref<64x128xf32, #tpu.memory_space<hbm>>
        tpu.wait_dma2 semaphore(%arg25 : memref<!tpu.dma_semaphore, #tpu.memory_space<semaphore_mem>>) src(%arg17 : memref<64x128xf32, #tpu.memory_space<vmem>>) dst(%dma_wait3A_904 : memref<64x128xf32, #tpu.memory_space<hbm>>)
        %get3A_905 = arith.index_cast %add3A_752 : i32 to index
        %get3A_906 = arith.constant 0 : index
        %get3A_907 = tpu.vector_load %arg9[%get3A_905, %get3A_906] {strides = array<i32>} : memref<64x128xi32, #tpu.memory_space<vmem>>, vector<1x16xi32>,
        %get3A_908 = vector.shape_cast %get3A_907 : vector<1x16xi32> to vector<16xi32>
        %get3A_909 = arith.constant 0 : index
        %get3A_910 = tpu.vector_load %arg10[%get3A_909] {strides = array<i32>} : memref<64xi32, #tpu.memory_space<vmem>>, vector<16xi32>,
        %get3A_911 = vector.shape_cast %get3A_910 : vector<16xi32> to vector<16xi32>
        %add3A_912 = arith.addi %get3A_908, %get3A_911 : vector<16xi32>
        %swap3A_913 = arith.constant 0 : index
        %swap3A_914 = tpu.vector_load %arg13[%swap3A_913] {strides = array<i32>} : memref<64xi32, #tpu.memory_space<vmem>>, vector<16xi32>,
        %swap3A_915 = vector.shape_cast %swap3A_914 : vector<16xi32> to vector<16xi32>
        %swap3A_916 = vector.shape_cast %add3A_912 : vector<16xi32> to vector<16xi32>
        tpu.vector_store %arg13[%swap3A_913], %swap3A_916 {strides = array<i32>} : memref<64xi32, #tpu.memory_space<vmem>>, vector<16xi32>,
        %get3A_917 = arith.index_cast %add3A_752 : i32 to index
        %get3A_918 = arith.constant 16 : index
        %get3A_919 = tpu.vector_load %arg9[%get3A_917, %get3A_918] {strides = array<i32>} : memref<64x128xi32, #tpu.memory_space<vmem>>, vector<1x16xi32>,
        %get3A_920 = vector.shape_cast %get3A_919 : vector<1x16xi32> to vector<16xi32>
        %get3A_921 = arith.constant 16 : index
        %get3A_922 = tpu.vector_load %arg10[%get3A_921] {strides = array<i32>} : memref<64xi32, #tpu.memory_space<vmem>>, vector<16xi32>,
        %get3A_923 = vector.shape_cast %get3A_922 : vector<16xi32> to vector<16xi32>
        %add3A_924 = arith.addi %get3A_920, %get3A_923 : vector<16xi32>
        %swap3A_925 = arith.constant 16 : index
        %swap3A_926 = tpu.vector_load %arg13[%swap3A_925] {strides = array<i32>} : memref<64xi32, #tpu.memory_space<vmem>>, vector<16xi32>,
        %swap3A_927 = vector.shape_cast %swap3A_926 : vector<16xi32> to vector<16xi32>
        %swap3A_928 = vector.shape_cast %add3A_924 : vector<16xi32> to vector<16xi32>
        tpu.vector_store %arg13[%swap3A_925], %swap3A_928 {strides = array<i32>} : memref<64xi32, #tpu.memory_space<vmem>>, vector<16xi32>,
        %get3A_929 = arith.index_cast %add3A_752 : i32 to index
        %get3A_930 = arith.constant 32 : index
        %get3A_931 = tpu.vector_load %arg9[%get3A_929, %get3A_930] {strides = array<i32>} : memref<64x128xi32, #tpu.memory_space<vmem>>, vector<1x16xi32>,
        %get3A_932 = vector.shape_cast %get3A_931 : vector<1x16xi32> to vector<16xi32>
        %get3A_933 = arith.constant 32 : index
        %get3A_934 = tpu.vector_load %arg10[%get3A_933] {strides = array<i32>} : memref<64xi32, #tpu.memory_space<vmem>>, vector<16xi32>,
        %get3A_935 = vector.shape_cast %get3A_934 : vector<16xi32> to vector<16xi32>
        %add3A_936 = arith.addi %get3A_932, %get3A_935 : vector<16xi32>
        %swap3A_937 = arith.constant 32 : index
        %swap3A_938 = tpu.vector_load %arg13[%swap3A_937] {strides = array<i32>} : memref<64xi32, #tpu.memory_space<vmem>>, vector<16xi32>,
        %swap3A_939 = vector.shape_cast %swap3A_938 : vector<16xi32> to vector<16xi32>
        %swap3A_940 = vector.shape_cast %add3A_936 : vector<16xi32> to vector<16xi32>
        tpu.vector_store %arg13[%swap3A_937], %swap3A_940 {strides = array<i32>} : memref<64xi32, #tpu.memory_space<vmem>>, vector<16xi32>,
        %get3A_941 = arith.index_cast %add3A_752 : i32 to index
        %get3A_942 = arith.constant 48 : index
        %get3A_943 = tpu.vector_load %arg9[%get3A_941, %get3A_942] {strides = array<i32>} : memref<64x128xi32, #tpu.memory_space<vmem>>, vector<1x16xi32>,
        %get3A_944 = vector.shape_cast %get3A_943 : vector<1x16xi32> to vector<16xi32>
        %get3A_945 = arith.constant 48 : index
        %get3A_946 = tpu.vector_load %arg10[%get3A_945] {strides = array<i32>} : memref<64xi32, #tpu.memory_space<vmem>>, vector<16xi32>,
        %get3A_947 = vector.shape_cast %get3A_946 : vector<16xi32> to vector<16xi32>
        %add3A_948 = arith.addi %get3A_944, %get3A_947 : vector<16xi32>
        %swap3A_949 = arith.constant 48 : index
        %swap3A_950 = tpu.vector_load %arg13[%swap3A_949] {strides = array<i32>} : memref<64xi32, #tpu.memory_space<vmem>>, vector<16xi32>,
        %swap3A_951 = vector.shape_cast %swap3A_950 : vector<16xi32> to vector<16xi32>
        %swap3A_952 = vector.shape_cast %add3A_948 : vector<16xi32> to vector<16xi32>
        tpu.vector_store %arg13[%swap3A_949], %swap3A_952 {strides = array<i32>} : memref<64xi32, #tpu.memory_space<vmem>>, vector<16xi32>,
        %dma_start3A_953 = arith.constant 0 : i32
        %dma_start3A_954 = arith.constant 0 : i32
        %dma_start3A_955 = tpu.memref_slice %arg6[%dma_start3A_953, %dma_start3A_954] : memref<4096x128xf32, #tpu.memory_space<vmem_shared>> -> memref<4096x128xf32, #tpu.memory_space<vmem_shared>>
        tpu.enqueue_indirect_dma source(%dma_start3A_955 : memref<4096x128xf32, #tpu.memory_space<vmem_shared>>) target(%arg17 : memref<64x128xf32, #tpu.memory_space<vmem>>) offsets(%arg13 : memref<64xi32, #tpu.memory_space<vmem>>) semaphore(%arg21 : memref<!tpu.dma_semaphore, #tpu.memory_space<semaphore_mem>>)
      } else {
      }
      %dma_wait3A_755 = arith.constant 0 : i32
      %dma_wait3A_756 = arith.constant 0 : i32
      %dma_wait3A_757 = tpu.memref_slice %arg6[%dma_wait3A_755, %dma_wait3A_756] : memref<4096x128xf32, #tpu.memory_space<vmem_shared>> -> memref<4096x128xf32, #tpu.memory_space<vmem_shared>>
      tpu.wait_indirect_dma semaphore(%arg19 : memref<!tpu.dma_semaphore, #tpu.memory_space<semaphore_mem>>) src(%dma_wait3A_757 : memref<4096x128xf32, #tpu.memory_space<vmem_shared>>) dst(%arg15 : memref<64x128xf32, #tpu.memory_space<vmem>>)
      %mul3A_758 = arith.constant 64 : i32
      %mul3A_759 = arith.muli %arg1, %mul3A_758 : i32
      %add3A_760 = arith.addi %mul3A_759, %add3A_746 : i32
      %mul3A_761 = arith.constant 512 : i32
      %mul3A_762 = arith.muli %add3A_760, %mul3A_761 : i32
      %mul3A_763 = arith.constant 256 : i32
      %mul3A_764 = arith.muli %arg0, %mul3A_763 : i32
      %add3A_765 = arith.addi %mul3A_762, %mul3A_764 : i32
      %add3A_766 = arith.constant 128 : i32
      %add3A_767 = arith.addi %add3A_765, %add3A_766 : i32
      %add3A_768 = arith.constant 0 : i32
      %add3A_769 = arith.addi %add3A_767, %add3A_768 : i32
      %dma_start3A_770 = arith.constant 0 : i32
      %dma_start3A_771 = tpu.memref_slice %arg5[%add3A_769, %dma_start3A_770] : memref<524288x128xf32, #tpu.memory_space<hbm>> -> memref<64x128xf32, #tpu.memory_space<hbm>>
      %dma_start3A_772 = arith.constant 0 : i32
      %dma_start3A_773 = tpu.memref_slice %arg5[%add3A_769, %dma_start3A_772] : memref<524288x128xf32, #tpu.memory_space<hbm>> -> memref<64x128xf32, #tpu.memory_space<hbm>>
      tpu.enqueue_dma source(%arg15 : memref<64x128xf32, #tpu.memory_space<vmem>>) target(%dma_start3A_773 : memref<64x128xf32, #tpu.memory_space<hbm>>) target_semaphore(%arg23 : memref<!tpu.dma_semaphore, #tpu.memory_space<semaphore_mem>>)
      %mul3A_774 = arith.constant 4 : i32
      %mul3A_775 = arith.muli %scan3A_738, %mul3A_774 : i32
      %add3A_776 = arith.constant 1 : i32
      %add3A_777 = arith.addi %mul3A_775, %add3A_776 : i32
      %mul3A_778 = arith.constant 4 : i32
      %mul3A_779 = arith.muli %scan3A_738, %mul3A_778 : i32
      %add3A_780 = arith.constant 1 : i32
      %add3A_781 = arith.addi %mul3A_779, %add3A_780 : i32
      %add3A_782 = arith.constant 2 : i32
      %add3A_783 = arith.addi %add3A_777, %add3A_782 : i32
      %mul3A_784 = arith.constant 4 : i32
      %mul3A_785 = arith.muli %scan3A_738, %mul3A_784 : i32
      %add3A_786 = arith.constant 3 : i32
      %add3A_787 = arith.addi %mul3A_785, %add3A_786 : i32
      %lt3A_788 = arith.constant 64 : i32
      %lt3A_789 = arith.cmpi slt, %add3A_783, %lt3A_788 : i32
      %convert_element_type3A_790 = arith.extui %lt3A_789 : i1 to i32
      %cond3A_791 = arith.constant 0 : i32
      %cond3A_792 = arith.cmpi ne, %convert_element_type3A_790, %cond3A_791 : i32
      scf.if %cond3A_792 {
        %mul3A_888 = arith.constant 64 : i32
        %mul3A_889 = arith.muli %arg1, %mul3A_888 : i32
        %add3A_890 = arith.constant 0 : i32
        %add3A_891 = arith.addi %mul3A_889, %add3A_890 : i32
        %mul3A_892 = arith.constant 512 : i32
        %mul3A_893 = arith.muli %add3A_891, %mul3A_892 : i32
        %mul3A_894 = arith.constant 256 : i32
        %mul3A_895 = arith.muli %arg0, %mul3A_894 : i32
        %add3A_896 = arith.addi %mul3A_893, %mul3A_895 : i32
        %add3A_897 = arith.constant 128 : i32
        %add3A_898 = arith.addi %add3A_896, %add3A_897 : i32
        %add3A_899 = arith.constant 0 : i32
        %add3A_900 = arith.addi %add3A_898, %add3A_899 : i32
        %dma_wait3A_901 = arith.constant 0 : i32
        %dma_wait3A_902 = tpu.memref_slice %arg5[%add3A_900, %dma_wait3A_901] : memref<524288x128xf32, #tpu.memory_space<hbm>> -> memref<64x128xf32, #tpu.memory_space<hbm>>
        %dma_wait3A_903 = arith.constant 0 : i32
        %dma_wait3A_904 = tpu.memref_slice %arg5[%add3A_900, %dma_wait3A_903] : memref<524288x128xf32, #tpu.memory_space<hbm>> -> memref<64x128xf32, #tpu.memory_space<hbm>>
        tpu.wait_dma2 semaphore(%arg26 : memref<!tpu.dma_semaphore, #tpu.memory_space<semaphore_mem>>) src(%arg18 : memref<64x128xf32, #tpu.memory_space<vmem>>) dst(%dma_wait3A_904 : memref<64x128xf32, #tpu.memory_space<hbm>>)
        %get3A_905 = arith.index_cast %add3A_787 : i32 to index
        %get3A_906 = arith.constant 0 : index
        %get3A_907 = tpu.vector_load %arg9[%get3A_905, %get3A_906] {strides = array<i32>} : memref<64x128xi32, #tpu.memory_space<vmem>>, vector<1x16xi32>,
        %get3A_908 = vector.shape_cast %get3A_907 : vector<1x16xi32> to vector<16xi32>
        %get3A_909 = arith.constant 0 : index
        %get3A_910 = tpu.vector_load %arg10[%get3A_909] {strides = array<i32>} : memref<64xi32, #tpu.memory_space<vmem>>, vector<16xi32>,
        %get3A_911 = vector.shape_cast %get3A_910 : vector<16xi32> to vector<16xi32>
        %add3A_912 = arith.addi %get3A_908, %get3A_911 : vector<16xi32>
        %swap3A_913 = arith.constant 0 : index
        %swap3A_914 = tpu.vector_load %arg14[%swap3A_913] {strides = array<i32>} : memref<64xi32, #tpu.memory_space<vmem>>, vector<16xi32>,
        %swap3A_915 = vector.shape_cast %swap3A_914 : vector<16xi32> to vector<16xi32>
        %swap3A_916 = vector.shape_cast %add3A_912 : vector<16xi32> to vector<16xi32>
        tpu.vector_store %arg14[%swap3A_913], %swap3A_916 {strides = array<i32>} : memref<64xi32, #tpu.memory_space<vmem>>, vector<16xi32>,
        %get3A_917 = arith.index_cast %add3A_787 : i32 to index
        %get3A_918 = arith.constant 16 : index
        %get3A_919 = tpu.vector_load %arg9[%get3A_917, %get3A_918] {strides = array<i32>} : memref<64x128xi32, #tpu.memory_space<vmem>>, vector<1x16xi32>,
        %get3A_920 = vector.shape_cast %get3A_919 : vector<1x16xi32> to vector<16xi32>
        %get3A_921 = arith.constant 16 : index
        %get3A_922 = tpu.vector_load %arg10[%get3A_921] {strides = array<i32>} : memref<64xi32, #tpu.memory_space<vmem>>, vector<16xi32>,
        %get3A_923 = vector.shape_cast %get3A_922 : vector<16xi32> to vector<16xi32>
        %add3A_924 = arith.addi %get3A_920, %get3A_923 : vector<16xi32>
        %swap3A_925 = arith.constant 16 : index
        %swap3A_926 = tpu.vector_load %arg14[%swap3A_925] {strides = array<i32>} : memref<64xi32, #tpu.memory_space<vmem>>, vector<16xi32>,
        %swap3A_927 = vector.shape_cast %swap3A_926 : vector<16xi32> to vector<16xi32>
        %swap3A_928 = vector.shape_cast %add3A_924 : vector<16xi32> to vector<16xi32>
        tpu.vector_store %arg14[%swap3A_925], %swap3A_928 {strides = array<i32>} : memref<64xi32, #tpu.memory_space<vmem>>, vector<16xi32>,
        %get3A_929 = arith.index_cast %add3A_787 : i32 to index
        %get3A_930 = arith.constant 32 : index
        %get3A_931 = tpu.vector_load %arg9[%get3A_929, %get3A_930] {strides = array<i32>} : memref<64x128xi32, #tpu.memory_space<vmem>>, vector<1x16xi32>,
        %get3A_932 = vector.shape_cast %get3A_931 : vector<1x16xi32> to vector<16xi32>
        %get3A_933 = arith.constant 32 : index
        %get3A_934 = tpu.vector_load %arg10[%get3A_933] {strides = array<i32>} : memref<64xi32, #tpu.memory_space<vmem>>, vector<16xi32>,
        %get3A_935 = vector.shape_cast %get3A_934 : vector<16xi32> to vector<16xi32>
        %add3A_936 = arith.addi %get3A_932, %get3A_935 : vector<16xi32>
        %swap3A_937 = arith.constant 32 : index
        %swap3A_938 = tpu.vector_load %arg14[%swap3A_937] {strides = array<i32>} : memref<64xi32, #tpu.memory_space<vmem>>, vector<16xi32>,
        %swap3A_939 = vector.shape_cast %swap3A_938 : vector<16xi32> to vector<16xi32>
        %swap3A_940 = vector.shape_cast %add3A_936 : vector<16xi32> to vector<16xi32>
        tpu.vector_store %arg14[%swap3A_937], %swap3A_940 {strides = array<i32>} : memref<64xi32, #tpu.memory_space<vmem>>, vector<16xi32>,
        %get3A_941 = arith.index_cast %add3A_787 : i32 to index
        %get3A_942 = arith.constant 48 : index
        %get3A_943 = tpu.vector_load %arg9[%get3A_941, %get3A_942] {strides = array<i32>} : memref<64x128xi32, #tpu.memory_space<vmem>>, vector<1x16xi32>,
        %get3A_944 = vector.shape_cast %get3A_943 : vector<1x16xi32> to vector<16xi32>
        %get3A_945 = arith.constant 48 : index
        %get3A_946 = tpu.vector_load %arg10[%get3A_945] {strides = array<i32>} : memref<64xi32, #tpu.memory_space<vmem>>, vector<16xi32>,
        %get3A_947 = vector.shape_cast %get3A_946 : vector<16xi32> to vector<16xi32>
        %add3A_948 = arith.addi %get3A_944, %get3A_947 : vector<16xi32>
        %swap3A_949 = arith.constant 48 : index
        %swap3A_950 = tpu.vector_load %arg14[%swap3A_949] {strides = array<i32>} : memref<64xi32, #tpu.memory_space<vmem>>, vector<16xi32>,
        %swap3A_951 = vector.shape_cast %swap3A_950 : vector<16xi32> to vector<16xi32>
        %swap3A_952 = vector.shape_cast %add3A_948 : vector<16xi32> to vector<16xi32>
        tpu.vector_store %arg14[%swap3A_949], %swap3A_952 {strides = array<i32>} : memref<64xi32, #tpu.memory_space<vmem>>, vector<16xi32>,
        %dma_start3A_953 = arith.constant 0 : i32
        %dma_start3A_954 = arith.constant 0 : i32
        %dma_start3A_955 = tpu.memref_slice %arg6[%dma_start3A_953, %dma_start3A_954] : memref<4096x128xf32, #tpu.memory_space<vmem_shared>> -> memref<4096x128xf32, #tpu.memory_space<vmem_shared>>
        tpu.enqueue_indirect_dma source(%dma_start3A_955 : memref<4096x128xf32, #tpu.memory_space<vmem_shared>>) target(%arg18 : memref<64x128xf32, #tpu.memory_space<vmem>>) offsets(%arg14 : memref<64xi32, #tpu.memory_space<vmem>>) semaphore(%arg22 : memref<!tpu.dma_semaphore, #tpu.memory_space<semaphore_mem>>)
      } else {
      }
      %dma_wait3A_793 = arith.constant 0 : i32
      %dma_wait3A_794 = arith.constant 0 : i32
      %dma_wait3A_795 = tpu.memref_slice %arg6[%dma_wait3A_793, %dma_wait3A_794] : memref<4096x128xf32, #tpu.memory_space<vmem_shared>> -> memref<4096x128xf32, #tpu.memory_space<vmem_shared>>
      tpu.wait_indirect_dma semaphore(%arg20 : memref<!tpu.dma_semaphore, #tpu.memory_space<semaphore_mem>>) src(%dma_wait3A_795 : memref<4096x128xf32, #tpu.memory_space<vmem_shared>>) dst(%arg16 : memref<64x128xf32, #tpu.memory_space<vmem>>)
      %mul3A_796 = arith.constant 64 : i32
      %mul3A_797 = arith.muli %arg1, %mul3A_796 : i32
      %add3A_798 = arith.addi %mul3A_797, %add3A_781 : i32
      %mul3A_799 = arith.constant 512 : i32
      %mul3A_800 = arith.muli %add3A_798, %mul3A_799 : i32
      %mul3A_801 = arith.constant 256 : i32
      %mul3A_802 = arith.muli %arg0, %mul3A_801 : i32
      %add3A_803 = arith.addi %mul3A_800, %mul3A_802 : i32
      %add3A_804 = arith.constant 128 : i32
      %add3A_805 = arith.addi %add3A_803, %add3A_804 : i32
      %add3A_806 = arith.constant 0 : i32
      %add3A_807 = arith.addi %add3A_805, %add3A_806 : i32
      %dma_start3A_808 = arith.constant 0 : i32
      %dma_start3A_809 = tpu.memref_slice %arg5[%add3A_807, %dma_start3A_808] : memref<524288x128xf32, #tpu.memory_space<hbm>> -> memref<64x128xf32, #tpu.memory_space<hbm>>
      %dma_start3A_810 = arith.constant 0 : i32
      %dma_start3A_811 = tpu.memref_slice %arg5[%add3A_807, %dma_start3A_810] : memref<524288x128xf32, #tpu.memory_space<hbm>> -> memref<64x128xf32, #tpu.memory_space<hbm>>
      tpu.enqueue_dma source(%arg16 : memref<64x128xf32, #tpu.memory_space<vmem>>) target(%dma_start3A_811 : memref<64x128xf32, #tpu.memory_space<hbm>>) target_semaphore(%arg24 : memref<!tpu.dma_semaphore, #tpu.memory_space<semaphore_mem>>)
      %mul3A_812 = arith.constant 4 : i32
      %mul3A_813 = arith.muli %scan3A_738, %mul3A_812 : i32
      %add3A_814 = arith.constant 2 : i32
      %add3A_815 = arith.addi %mul3A_813, %add3A_814 : i32
      %mul3A_816 = arith.constant 4 : i32
      %mul3A_817 = arith.muli %scan3A_738, %mul3A_816 : i32
      %add3A_818 = arith.constant 2 : i32
      %add3A_819 = arith.addi %mul3A_817, %add3A_818 : i32
      %add3A_820 = arith.constant 2 : i32
      %add3A_821 = arith.addi %add3A_815, %add3A_820 : i32
      %mul3A_822 = arith.constant 4 : i32
      %mul3A_823 = arith.muli %scan3A_738, %mul3A_822 : i32
      %add3A_824 = arith.constant 4 : i32
      %add3A_825 = arith.addi %mul3A_823, %add3A_824 : i32
      %lt3A_826 = arith.constant 64 : i32
      %lt3A_827 = arith.cmpi slt, %add3A_821, %lt3A_826 : i32
      %convert_element_type3A_828 = arith.extui %lt3A_827 : i1 to i32
      %cond3A_829 = arith.constant 0 : i32
      %cond3A_830 = arith.cmpi ne, %convert_element_type3A_828, %cond3A_829 : i32
      scf.if %cond3A_830 {
        %mul3A_888 = arith.constant 64 : i32
        %mul3A_889 = arith.muli %arg1, %mul3A_888 : i32
        %add3A_890 = arith.constant 0 : i32
        %add3A_891 = arith.addi %mul3A_889, %add3A_890 : i32
        %mul3A_892 = arith.constant 512 : i32
        %mul3A_893 = arith.muli %add3A_891, %mul3A_892 : i32
        %mul3A_894 = arith.constant 256 : i32
        %mul3A_895 = arith.muli %arg0, %mul3A_894 : i32
        %add3A_896 = arith.addi %mul3A_893, %mul3A_895 : i32
        %add3A_897 = arith.constant 128 : i32
        %add3A_898 = arith.addi %add3A_896, %add3A_897 : i32
        %add3A_899 = arith.constant 0 : i32
        %add3A_900 = arith.addi %add3A_898, %add3A_899 : i32
        %dma_wait3A_901 = arith.constant 0 : i32
        %dma_wait3A_902 = tpu.memref_slice %arg5[%add3A_900, %dma_wait3A_901] : memref<524288x128xf32, #tpu.memory_space<hbm>> -> memref<64x128xf32, #tpu.memory_space<hbm>>
        %dma_wait3A_903 = arith.constant 0 : i32
        %dma_wait3A_904 = tpu.memref_slice %arg5[%add3A_900, %dma_wait3A_903] : memref<524288x128xf32, #tpu.memory_space<hbm>> -> memref<64x128xf32, #tpu.memory_space<hbm>>
        tpu.wait_dma2 semaphore(%arg23 : memref<!tpu.dma_semaphore, #tpu.memory_space<semaphore_mem>>) src(%arg15 : memref<64x128xf32, #tpu.memory_space<vmem>>) dst(%dma_wait3A_904 : memref<64x128xf32, #tpu.memory_space<hbm>>)
        %get3A_905 = arith.index_cast %add3A_825 : i32 to index
        %get3A_906 = arith.constant 0 : index
        %get3A_907 = tpu.vector_load %arg9[%get3A_905, %get3A_906] {strides = array<i32>} : memref<64x128xi32, #tpu.memory_space<vmem>>, vector<1x16xi32>,
        %get3A_908 = vector.shape_cast %get3A_907 : vector<1x16xi32> to vector<16xi32>
        %get3A_909 = arith.constant 0 : index
        %get3A_910 = tpu.vector_load %arg10[%get3A_909] {strides = array<i32>} : memref<64xi32, #tpu.memory_space<vmem>>, vector<16xi32>,
        %get3A_911 = vector.shape_cast %get3A_910 : vector<16xi32> to vector<16xi32>
        %add3A_912 = arith.addi %get3A_908, %get3A_911 : vector<16xi32>
        %swap3A_913 = arith.constant 0 : index
        %swap3A_914 = tpu.vector_load %arg11[%swap3A_913] {strides = array<i32>} : memref<64xi32, #tpu.memory_space<vmem>>, vector<16xi32>,
        %swap3A_915 = vector.shape_cast %swap3A_914 : vector<16xi32> to vector<16xi32>
        %swap3A_916 = vector.shape_cast %add3A_912 : vector<16xi32> to vector<16xi32>
        tpu.vector_store %arg11[%swap3A_913], %swap3A_916 {strides = array<i32>} : memref<64xi32, #tpu.memory_space<vmem>>, vector<16xi32>,
        %get3A_917 = arith.index_cast %add3A_825 : i32 to index
        %get3A_918 = arith.constant 16 : index
        %get3A_919 = tpu.vector_load %arg9[%get3A_917, %get3A_918] {strides = array<i32>} : memref<64x128xi32, #tpu.memory_space<vmem>>, vector<1x16xi32>,
        %get3A_920 = vector.shape_cast %get3A_919 : vector<1x16xi32> to vector<16xi32>
        %get3A_921 = arith.constant 16 : index
        %get3A_922 = tpu.vector_load %arg10[%get3A_921] {strides = array<i32>} : memref<64xi32, #tpu.memory_space<vmem>>, vector<16xi32>,
        %get3A_923 = vector.shape_cast %get3A_922 : vector<16xi32> to vector<16xi32>
        %add3A_924 = arith.addi %get3A_920, %get3A_923 : vector<16xi32>
        %swap3A_925 = arith.constant 16 : index
        %swap3A_926 = tpu.vector_load %arg11[%swap3A_925] {strides = array<i32>} : memref<64xi32, #tpu.memory_space<vmem>>, vector<16xi32>,
        %swap3A_927 = vector.shape_cast %swap3A_926 : vector<16xi32> to vector<16xi32>
        %swap3A_928 = vector.shape_cast %add3A_924 : vector<16xi32> to vector<16xi32>
        tpu.vector_store %arg11[%swap3A_925], %swap3A_928 {strides = array<i32>} : memref<64xi32, #tpu.memory_space<vmem>>, vector<16xi32>,
        %get3A_929 = arith.index_cast %add3A_825 : i32 to index
        %get3A_930 = arith.constant 32 : index
        %get3A_931 = tpu.vector_load %arg9[%get3A_929, %get3A_930] {strides = array<i32>} : memref<64x128xi32, #tpu.memory_space<vmem>>, vector<1x16xi32>,
        %get3A_932 = vector.shape_cast %get3A_931 : vector<1x16xi32> to vector<16xi32>
        %get3A_933 = arith.constant 32 : index
        %get3A_934 = tpu.vector_load %arg10[%get3A_933] {strides = array<i32>} : memref<64xi32, #tpu.memory_space<vmem>>, vector<16xi32>,
        %get3A_935 = vector.shape_cast %get3A_934 : vector<16xi32> to vector<16xi32>
        %add3A_936 = arith.addi %get3A_932, %get3A_935 : vector<16xi32>
        %swap3A_937 = arith.constant 32 : index
        %swap3A_938 = tpu.vector_load %arg11[%swap3A_937] {strides = array<i32>} : memref<64xi32, #tpu.memory_space<vmem>>, vector<16xi32>,
        %swap3A_939 = vector.shape_cast %swap3A_938 : vector<16xi32> to vector<16xi32>
        %swap3A_940 = vector.shape_cast %add3A_936 : vector<16xi32> to vector<16xi32>
        tpu.vector_store %arg11[%swap3A_937], %swap3A_940 {strides = array<i32>} : memref<64xi32, #tpu.memory_space<vmem>>, vector<16xi32>,
        %get3A_941 = arith.index_cast %add3A_825 : i32 to index
        %get3A_942 = arith.constant 48 : index
        %get3A_943 = tpu.vector_load %arg9[%get3A_941, %get3A_942] {strides = array<i32>} : memref<64x128xi32, #tpu.memory_space<vmem>>, vector<1x16xi32>,
        %get3A_944 = vector.shape_cast %get3A_943 : vector<1x16xi32> to vector<16xi32>
        %get3A_945 = arith.constant 48 : index
        %get3A_946 = tpu.vector_load %arg10[%get3A_945] {strides = array<i32>} : memref<64xi32, #tpu.memory_space<vmem>>, vector<16xi32>,
        %get3A_947 = vector.shape_cast %get3A_946 : vector<16xi32> to vector<16xi32>
        %add3A_948 = arith.addi %get3A_944, %get3A_947 : vector<16xi32>
        %swap3A_949 = arith.constant 48 : index
        %swap3A_950 = tpu.vector_load %arg11[%swap3A_949] {strides = array<i32>} : memref<64xi32, #tpu.memory_space<vmem>>, vector<16xi32>,
        %swap3A_951 = vector.shape_cast %swap3A_950 : vector<16xi32> to vector<16xi32>
        %swap3A_952 = vector.shape_cast %add3A_948 : vector<16xi32> to vector<16xi32>
        tpu.vector_store %arg11[%swap3A_949], %swap3A_952 {strides = array<i32>} : memref<64xi32, #tpu.memory_space<vmem>>, vector<16xi32>,
        %dma_start3A_953 = arith.constant 0 : i32
        %dma_start3A_954 = arith.constant 0 : i32
        %dma_start3A_955 = tpu.memref_slice %arg6[%dma_start3A_953, %dma_start3A_954] : memref<4096x128xf32, #tpu.memory_space<vmem_shared>> -> memref<4096x128xf32, #tpu.memory_space<vmem_shared>>
        tpu.enqueue_indirect_dma source(%dma_start3A_955 : memref<4096x128xf32, #tpu.memory_space<vmem_shared>>) target(%arg15 : memref<64x128xf32, #tpu.memory_space<vmem>>) offsets(%arg11 : memref<64xi32, #tpu.memory_space<vmem>>) semaphore(%arg19 : memref<!tpu.dma_semaphore, #tpu.memory_space<semaphore_mem>>)
      } else {
      }
      %dma_wait3A_831 = arith.constant 0 : i32
      %dma_wait3A_832 = arith.constant 0 : i32
      %dma_wait3A_833 = tpu.memref_slice %arg6[%dma_wait3A_831, %dma_wait3A_832] : memref<4096x128xf32, #tpu.memory_space<vmem_shared>> -> memref<4096x128xf32, #tpu.memory_space<vmem_shared>>
      tpu.wait_indirect_dma semaphore(%arg21 : memref<!tpu.dma_semaphore, #tpu.memory_space<semaphore_mem>>) src(%dma_wait3A_833 : memref<4096x128xf32, #tpu.memory_space<vmem_shared>>) dst(%arg17 : memref<64x128xf32, #tpu.memory_space<vmem>>)
      %mul3A_834 = arith.constant 64 : i32
      %mul3A_835 = arith.muli %arg1, %mul3A_834 : i32
      %add3A_836 = arith.addi %mul3A_835, %add3A_819 : i32
      %mul3A_837 = arith.constant 512 : i32
      %mul3A_838 = arith.muli %add3A_836, %mul3A_837 : i32
      %mul3A_839 = arith.constant 256 : i32
      %mul3A_840 = arith.muli %arg0, %mul3A_839 : i32
      %add3A_841 = arith.addi %mul3A_838, %mul3A_840 : i32
      %add3A_842 = arith.constant 128 : i32
      %add3A_843 = arith.addi %add3A_841, %add3A_842 : i32
      %add3A_844 = arith.constant 0 : i32
      %add3A_845 = arith.addi %add3A_843, %add3A_844 : i32
      %dma_start3A_846 = arith.constant 0 : i32
      %dma_start3A_847 = tpu.memref_slice %arg5[%add3A_845, %dma_start3A_846] : memref<524288x128xf32, #tpu.memory_space<hbm>> -> memref<64x128xf32, #tpu.memory_space<hbm>>
      %dma_start3A_848 = arith.constant 0 : i32
      %dma_start3A_849 = tpu.memref_slice %arg5[%add3A_845, %dma_start3A_848] : memref<524288x128xf32, #tpu.memory_space<hbm>> -> memref<64x128xf32, #tpu.memory_space<hbm>>
      tpu.enqueue_dma source(%arg17 : memref<64x128xf32, #tpu.memory_space<vmem>>) target(%dma_start3A_849 : memref<64x128xf32, #tpu.memory_space<hbm>>) target_semaphore(%arg25 : memref<!tpu.dma_semaphore, #tpu.memory_space<semaphore_mem>>)
      %mul3A_850 = arith.constant 4 : i32
      %mul3A_851 = arith.muli %scan3A_738, %mul3A_850 : i32
      %add3A_852 = arith.constant 3 : i32
      %add3A_853 = arith.addi %mul3A_851, %add3A_852 : i32
      %mul3A_854 = arith.constant 4 : i32
      %mul3A_855 = arith.muli %scan3A_738, %mul3A_854 : i32
      %add3A_856 = arith.constant 3 : i32
      %add3A_857 = arith.addi %mul3A_855, %add3A_856 : i32
      %add3A_858 = arith.constant 2 : i32
      %add3A_859 = arith.addi %add3A_853, %add3A_858 : i32
      %mul3A_860 = arith.constant 4 : i32
      %mul3A_861 = arith.muli %scan3A_738, %mul3A_860 : i32
      %add3A_862 = arith.constant 5 : i32
      %add3A_863 = arith.addi %mul3A_861, %add3A_862 : i32
      %lt3A_864 = arith.constant 64 : i32
      %lt3A_865 = arith.cmpi slt, %add3A_859, %lt3A_864 : i32
      %convert_element_type3A_866 = arith.extui %lt3A_865 : i1 to i32
      %cond3A_867 = arith.constant 0 : i32
      %cond3A_868 = arith.cmpi ne, %convert_element_type3A_866, %cond3A_867 : i32
      scf.if %cond3A_868 {
        %mul3A_888 = arith.constant 64 : i32
        %mul3A_889 = arith.muli %arg1, %mul3A_888 : i32
        %add3A_890 = arith.constant 0 : i32
        %add3A_891 = arith.addi %mul3A_889, %add3A_890 : i32
        %mul3A_892 = arith.constant 512 : i32
        %mul3A_893 = arith.muli %add3A_891, %mul3A_892 : i32
        %mul3A_894 = arith.constant 256 : i32
        %mul3A_895 = arith.muli %arg0, %mul3A_894 : i32
        %add3A_896 = arith.addi %mul3A_893, %mul3A_895 : i32
        %add3A_897 = arith.constant 128 : i32
        %add3A_898 = arith.addi %add3A_896, %add3A_897 : i32
        %add3A_899 = arith.constant 0 : i32
        %add3A_900 = arith.addi %add3A_898, %add3A_899 : i32
        %dma_wait3A_901 = arith.constant 0 : i32
        %dma_wait3A_902 = tpu.memref_slice %arg5[%add3A_900, %dma_wait3A_901] : memref<524288x128xf32, #tpu.memory_space<hbm>> -> memref<64x128xf32, #tpu.memory_space<hbm>>
        %dma_wait3A_903 = arith.constant 0 : i32
        %dma_wait3A_904 = tpu.memref_slice %arg5[%add3A_900, %dma_wait3A_903] : memref<524288x128xf32, #tpu.memory_space<hbm>> -> memref<64x128xf32, #tpu.memory_space<hbm>>
        tpu.wait_dma2 semaphore(%arg24 : memref<!tpu.dma_semaphore, #tpu.memory_space<semaphore_mem>>) src(%arg16 : memref<64x128xf32, #tpu.memory_space<vmem>>) dst(%dma_wait3A_904 : memref<64x128xf32, #tpu.memory_space<hbm>>)
        %get3A_905 = arith.index_cast %add3A_863 : i32 to index
        %get3A_906 = arith.constant 0 : index
        %get3A_907 = tpu.vector_load %arg9[%get3A_905, %get3A_906] {strides = array<i32>} : memref<64x128xi32, #tpu.memory_space<vmem>>, vector<1x16xi32>,
        %get3A_908 = vector.shape_cast %get3A_907 : vector<1x16xi32> to vector<16xi32>
        %get3A_909 = arith.constant 0 : index
        %get3A_910 = tpu.vector_load %arg10[%get3A_909] {strides = array<i32>} : memref<64xi32, #tpu.memory_space<vmem>>, vector<16xi32>,
        %get3A_911 = vector.shape_cast %get3A_910 : vector<16xi32> to vector<16xi32>
        %add3A_912 = arith.addi %get3A_908, %get3A_911 : vector<16xi32>
        %swap3A_913 = arith.constant 0 : index
        %swap3A_914 = tpu.vector_load %arg12[%swap3A_913] {strides = array<i32>} : memref<64xi32, #tpu.memory_space<vmem>>, vector<16xi32>,
        %swap3A_915 = vector.shape_cast %swap3A_914 : vector<16xi32> to vector<16xi32>
        %swap3A_916 = vector.shape_cast %add3A_912 : vector<16xi32> to vector<16xi32>
        tpu.vector_store %arg12[%swap3A_913], %swap3A_916 {strides = array<i32>} : memref<64xi32, #tpu.memory_space<vmem>>, vector<16xi32>,
        %get3A_917 = arith.index_cast %add3A_863 : i32 to index
        %get3A_918 = arith.constant 16 : index
        %get3A_919 = tpu.vector_load %arg9[%get3A_917, %get3A_918] {strides = array<i32>} : memref<64x128xi32, #tpu.memory_space<vmem>>, vector<1x16xi32>,
        %get3A_920 = vector.shape_cast %get3A_919 : vector<1x16xi32> to vector<16xi32>
        %get3A_921 = arith.constant 16 : index
        %get3A_922 = tpu.vector_load %arg10[%get3A_921] {strides = array<i32>} : memref<64xi32, #tpu.memory_space<vmem>>, vector<16xi32>,
        %get3A_923 = vector.shape_cast %get3A_922 : vector<16xi32> to vector<16xi32>
        %add3A_924 = arith.addi %get3A_920, %get3A_923 : vector<16xi32>
        %swap3A_925 = arith.constant 16 : index
        %swap3A_926 = tpu.vector_load %arg12[%swap3A_925] {strides = array<i32>} : memref<64xi32, #tpu.memory_space<vmem>>, vector<16xi32>,
        %swap3A_927 = vector.shape_cast %swap3A_926 : vector<16xi32> to vector<16xi32>
        %swap3A_928 = vector.shape_cast %add3A_924 : vector<16xi32> to vector<16xi32>
        tpu.vector_store %arg12[%swap3A_925], %swap3A_928 {strides = array<i32>} : memref<64xi32, #tpu.memory_space<vmem>>, vector<16xi32>,
        %get3A_929 = arith.index_cast %add3A_863 : i32 to index
        %get3A_930 = arith.constant 32 : index
        %get3A_931 = tpu.vector_load %arg9[%get3A_929, %get3A_930] {strides = array<i32>} : memref<64x128xi32, #tpu.memory_space<vmem>>, vector<1x16xi32>,
        %get3A_932 = vector.shape_cast %get3A_931 : vector<1x16xi32> to vector<16xi32>
        %get3A_933 = arith.constant 32 : index
        %get3A_934 = tpu.vector_load %arg10[%get3A_933] {strides = array<i32>} : memref<64xi32, #tpu.memory_space<vmem>>, vector<16xi32>,
        %get3A_935 = vector.shape_cast %get3A_934 : vector<16xi32> to vector<16xi32>
        %add3A_936 = arith.addi %get3A_932, %get3A_935 : vector<16xi32>
        %swap3A_937 = arith.constant 32 : index
        %swap3A_938 = tpu.vector_load %arg12[%swap3A_937] {strides = array<i32>} : memref<64xi32, #tpu.memory_space<vmem>>, vector<16xi32>,
        %swap3A_939 = vector.shape_cast %swap3A_938 : vector<16xi32> to vector<16xi32>
        %swap3A_940 = vector.shape_cast %add3A_936 : vector<16xi32> to vector<16xi32>
        tpu.vector_store %arg12[%swap3A_937], %swap3A_940 {strides = array<i32>} : memref<64xi32, #tpu.memory_space<vmem>>, vector<16xi32>,
        %get3A_941 = arith.index_cast %add3A_863 : i32 to index
        %get3A_942 = arith.constant 48 : index
        %get3A_943 = tpu.vector_load %arg9[%get3A_941, %get3A_942] {strides = array<i32>} : memref<64x128xi32, #tpu.memory_space<vmem>>, vector<1x16xi32>,
        %get3A_944 = vector.shape_cast %get3A_943 : vector<1x16xi32> to vector<16xi32>
        %get3A_945 = arith.constant 48 : index
        %get3A_946 = tpu.vector_load %arg10[%get3A_945] {strides = array<i32>} : memref<64xi32, #tpu.memory_space<vmem>>, vector<16xi32>,
        %get3A_947 = vector.shape_cast %get3A_946 : vector<16xi32> to vector<16xi32>
        %add3A_948 = arith.addi %get3A_944, %get3A_947 : vector<16xi32>
        %swap3A_949 = arith.constant 48 : index
        %swap3A_950 = tpu.vector_load %arg12[%swap3A_949] {strides = array<i32>} : memref<64xi32, #tpu.memory_space<vmem>>, vector<16xi32>,
        %swap3A_951 = vector.shape_cast %swap3A_950 : vector<16xi32> to vector<16xi32>
        %swap3A_952 = vector.shape_cast %add3A_948 : vector<16xi32> to vector<16xi32>
        tpu.vector_store %arg12[%swap3A_949], %swap3A_952 {strides = array<i32>} : memref<64xi32, #tpu.memory_space<vmem>>, vector<16xi32>,
        %dma_start3A_953 = arith.constant 0 : i32
        %dma_start3A_954 = arith.constant 0 : i32
        %dma_start3A_955 = tpu.memref_slice %arg6[%dma_start3A_953, %dma_start3A_954] : memref<4096x128xf32, #tpu.memory_space<vmem_shared>> -> memref<4096x128xf32, #tpu.memory_space<vmem_shared>>
        tpu.enqueue_indirect_dma source(%dma_start3A_955 : memref<4096x128xf32, #tpu.memory_space<vmem_shared>>) target(%arg16 : memref<64x128xf32, #tpu.memory_space<vmem>>) offsets(%arg12 : memref<64xi32, #tpu.memory_space<vmem>>) semaphore(%arg20 : memref<!tpu.dma_semaphore, #tpu.memory_space<semaphore_mem>>)
      } else {
      }
      %dma_wait3A_869 = arith.constant 0 : i32
      %dma_wait3A_870 = arith.constant 0 : i32
      %dma_wait3A_871 = tpu.memref_slice %arg6[%dma_wait3A_869, %dma_wait3A_870] : memref<4096x128xf32, #tpu.memory_space<vmem_shared>> -> memref<4096x128xf32, #tpu.memory_space<vmem_shared>>
      tpu.wait_indirect_dma semaphore(%arg22 : memref<!tpu.dma_semaphore, #tpu.memory_space<semaphore_mem>>) src(%dma_wait3A_871 : memref<4096x128xf32, #tpu.memory_space<vmem_shared>>) dst(%arg18 : memref<64x128xf32, #tpu.memory_space<vmem>>)
      %mul3A_872 = arith.constant 64 : i32
      %mul3A_873 = arith.muli %arg1, %mul3A_872 : i32
      %add3A_874 = arith.addi %mul3A_873, %add3A_857 : i32
      %mul3A_875 = arith.constant 512 : i32
      %mul3A_876 = arith.muli %add3A_874, %mul3A_875 : i32
      %mul3A_877 = arith.constant 256 : i32
      %mul3A_878 = arith.muli %arg0, %mul3A_877 : i32
      %add3A_879 = arith.addi %mul3A_876, %mul3A_878 : i32
      %add3A_880 = arith.constant 128 : i32
      %add3A_881 = arith.addi %add3A_879, %add3A_880 : i32
      %add3A_882 = arith.constant 0 : i32
      %add3A_883 = arith.addi %add3A_881, %add3A_882 : i32
      %dma_start3A_884 = arith.constant 0 : i32
      %dma_start3A_885 = tpu.memref_slice %arg5[%add3A_883, %dma_start3A_884] : memref<524288x128xf32, #tpu.memory_space<hbm>> -> memref<64x128xf32, #tpu.memory_space<hbm>>
      %dma_start3A_886 = arith.constant 0 : i32
      %dma_start3A_887 = tpu.memref_slice %arg5[%add3A_883, %dma_start3A_886] : memref<524288x128xf32, #tpu.memory_space<hbm>> -> memref<64x128xf32, #tpu.memory_space<hbm>>
      tpu.enqueue_dma source(%arg18 : memref<64x128xf32, #tpu.memory_space<vmem>>) target(%dma_start3A_887 : memref<64x128xf32, #tpu.memory_space<hbm>>) target_semaphore(%arg26 : memref<!tpu.dma_semaphore, #tpu.memory_space<semaphore_mem>>)
    }
    %scan3A_547 = arith.constant 16 : i32
    %mul3A_548 = arith.constant 4 : i32
    %mul3A_549 = arith.muli %arg0, %mul3A_548 : i32
    %add3A_550 = arith.constant 3 : i32
    %add3A_551 = arith.addi %mul3A_549, %add3A_550 : i32
    %mul3A_552 = arith.constant 4096 : i32
    %mul3A_553 = arith.muli %add3A_551, %mul3A_552 : i32
    %mul3A_554 = arith.constant 256 : i32
    %mul3A_555 = arith.muli %arg1, %mul3A_554 : i32
    %add3A_556 = arith.addi %mul3A_553, %mul3A_555 : i32
    %mul3A_557 = arith.constant 256 : i32
    %mul3A_558 = arith.muli %arg1, %mul3A_557 : i32
    %dma_wait3A_559 = arith.constant 0 : i32
    %dma_wait3A_560 = tpu.memref_slice %arg7[%mul3A_558, %dma_wait3A_559] : memref<4096x128xf32, #tpu.memory_space<vmem_shared>> -> memref<256x128xf32, #tpu.memory_space<vmem_shared>>
    %dma_wait3A_561 = arith.constant 0 : i32
    %dma_wait3A_562 = tpu.memref_slice %arg2[%add3A_556, %dma_wait3A_561] : memref<32768x128xf32, #tpu.memory_space<hbm>> -> memref<256x128xf32, #tpu.memory_space<hbm>>
    tpu.wait_dma2 semaphore(%arg28 : memref<!tpu.dma_semaphore, #tpu.memory_space<semaphore_mem>>) src(%dma_wait3A_562 : memref<256x128xf32, #tpu.memory_space<hbm>>) dst(%dma_wait3A_560 : memref<256x128xf32, #tpu.memory_space<vmem_shared>>)
    %barrier3A_563 = arith.constant 0 : index
    tpu.barrier barrier_id(%barrier3A_563)
    %mul3A_564 = arith.constant 64 : i32
    %mul3A_565 = arith.muli %arg1, %mul3A_564 : i32
    %add3A_566 = arith.constant 0 : i32
    %add3A_567 = arith.addi %mul3A_565, %add3A_566 : i32
    %mul3A_568 = arith.constant 512 : i32
    %mul3A_569 = arith.muli %add3A_567, %mul3A_568 : i32
    %mul3A_570 = arith.constant 256 : i32
    %mul3A_571 = arith.muli %arg0, %mul3A_570 : i32
    %add3A_572 = arith.addi %mul3A_569, %mul3A_571 : i32
    %add3A_573 = arith.constant 192 : i32
    %add3A_574 = arith.addi %add3A_572, %add3A_573 : i32
    %add3A_575 = arith.constant 0 : i32
    %add3A_576 = arith.addi %add3A_574, %add3A_575 : i32
    %dma_wait3A_577 = arith.constant 0 : i32
    %dma_wait3A_578 = tpu.memref_slice %arg5[%add3A_576, %dma_wait3A_577] : memref<524288x128xf32, #tpu.memory_space<hbm>> -> memref<64x128xf32, #tpu.memory_space<hbm>>
    %dma_wait3A_579 = arith.constant 0 : i32
    %dma_wait3A_580 = tpu.memref_slice %arg5[%add3A_576, %dma_wait3A_579] : memref<524288x128xf32, #tpu.memory_space<hbm>> -> memref<64x128xf32, #tpu.memory_space<hbm>>
    tpu.wait_dma2 semaphore(%arg23 : memref<!tpu.dma_semaphore, #tpu.memory_space<semaphore_mem>>) src(%arg15 : memref<64x128xf32, #tpu.memory_space<vmem>>) dst(%dma_wait3A_580 : memref<64x128xf32, #tpu.memory_space<hbm>>)
    %get3A_581 = arith.constant 0 : i32
    %get3A_582 = arith.index_cast %get3A_581 : i32 to index
    %get3A_583 = arith.constant 64 : index
    %get3A_584 = tpu.vector_load %arg9[%get3A_582, %get3A_583] {strides = array<i32>} : memref<64x128xi32, #tpu.memory_space<vmem>>, vector<1x16xi32>,
    %get3A_585 = vector.shape_cast %get3A_584 : vector<1x16xi32> to vector<16xi32>
    %get3A_586 = arith.constant 0 : index
    %get3A_587 = tpu.vector_load %arg10[%get3A_586] {strides = array<i32>} : memref<64xi32, #tpu.memory_space<vmem>>, vector<16xi32>,
    %get3A_588 = vector.shape_cast %get3A_587 : vector<16xi32> to vector<16xi32>
    %add3A_589 = arith.addi %get3A_585, %get3A_588 : vector<16xi32>
    %swap3A_590 = arith.constant 0 : index
    %swap3A_591 = tpu.vector_load %arg11[%swap3A_590] {strides = array<i32>} : memref<64xi32, #tpu.memory_space<vmem>>, vector<16xi32>,
    %swap3A_592 = vector.shape_cast %swap3A_591 : vector<16xi32> to vector<16xi32>
    %swap3A_593 = vector.shape_cast %add3A_589 : vector<16xi32> to vector<16xi32>
    tpu.vector_store %arg11[%swap3A_590], %swap3A_593 {strides = array<i32>} : memref<64xi32, #tpu.memory_space<vmem>>, vector<16xi32>,
    %get3A_594 = arith.constant 0 : i32
    %get3A_595 = arith.index_cast %get3A_594 : i32 to index
    %get3A_596 = arith.constant 80 : index
    %get3A_597 = tpu.vector_load %arg9[%get3A_595, %get3A_596] {strides = array<i32>} : memref<64x128xi32, #tpu.memory_space<vmem>>, vector<1x16xi32>,
    %get3A_598 = vector.shape_cast %get3A_597 : vector<1x16xi32> to vector<16xi32>
    %get3A_599 = arith.constant 16 : index
    %get3A_600 = tpu.vector_load %arg10[%get3A_599] {strides = array<i32>} : memref<64xi32, #tpu.memory_space<vmem>>, vector<16xi32>,
    %get3A_601 = vector.shape_cast %get3A_600 : vector<16xi32> to vector<16xi32>
    %add3A_602 = arith.addi %get3A_598, %get3A_601 : vector<16xi32>
    %swap3A_603 = arith.constant 16 : index
    %swap3A_604 = tpu.vector_load %arg11[%swap3A_603] {strides = array<i32>} : memref<64xi32, #tpu.memory_space<vmem>>, vector<16xi32>,
    %swap3A_605 = vector.shape_cast %swap3A_604 : vector<16xi32> to vector<16xi32>
    %swap3A_606 = vector.shape_cast %add3A_602 : vector<16xi32> to vector<16xi32>
    tpu.vector_store %arg11[%swap3A_603], %swap3A_606 {strides = array<i32>} : memref<64xi32, #tpu.memory_space<vmem>>, vector<16xi32>,
    %get3A_607 = arith.constant 0 : i32
    %get3A_608 = arith.index_cast %get3A_607 : i32 to index
    %get3A_609 = arith.constant 96 : index
    %get3A_610 = tpu.vector_load %arg9[%get3A_608, %get3A_609] {strides = array<i32>} : memref<64x128xi32, #tpu.memory_space<vmem>>, vector<1x16xi32>,
    %get3A_611 = vector.shape_cast %get3A_610 : vector<1x16xi32> to vector<16xi32>
    %get3A_612 = arith.constant 32 : index
    %get3A_613 = tpu.vector_load %arg10[%get3A_612] {strides = array<i32>} : memref<64xi32, #tpu.memory_space<vmem>>, vector<16xi32>,
    %get3A_614 = vector.shape_cast %get3A_613 : vector<16xi32> to vector<16xi32>
    %add3A_615 = arith.addi %get3A_611, %get3A_614 : vector<16xi32>
    %swap3A_616 = arith.constant 32 : index
    %swap3A_617 = tpu.vector_load %arg11[%swap3A_616] {strides = array<i32>} : memref<64xi32, #tpu.memory_space<vmem>>, vector<16xi32>,
    %swap3A_618 = vector.shape_cast %swap3A_617 : vector<16xi32> to vector<16xi32>
    %swap3A_619 = vector.shape_cast %add3A_615 : vector<16xi32> to vector<16xi32>
    tpu.vector_store %arg11[%swap3A_616], %swap3A_619 {strides = array<i32>} : memref<64xi32, #tpu.memory_space<vmem>>, vector<16xi32>,
    %get3A_620 = arith.constant 0 : i32
    %get3A_621 = arith.index_cast %get3A_620 : i32 to index
    %get3A_622 = arith.constant 112 : index
    %get3A_623 = tpu.vector_load %arg9[%get3A_621, %get3A_622] {strides = array<i32>} : memref<64x128xi32, #tpu.memory_space<vmem>>, vector<1x16xi32>,
    %get3A_624 = vector.shape_cast %get3A_623 : vector<1x16xi32> to vector<16xi32>
    %get3A_625 = arith.constant 48 : index
    %get3A_626 = tpu.vector_load %arg10[%get3A_625] {strides = array<i32>} : memref<64xi32, #tpu.memory_space<vmem>>, vector<16xi32>,
    %get3A_627 = vector.shape_cast %get3A_626 : vector<16xi32> to vector<16xi32>
    %add3A_628 = arith.addi %get3A_624, %get3A_627 : vector<16xi32>
    %swap3A_629 = arith.constant 48 : index
    %swap3A_630 = tpu.vector_load %arg11[%swap3A_629] {strides = array<i32>} : memref<64xi32, #tpu.memory_space<vmem>>, vector<16xi32>,
    %swap3A_631 = vector.shape_cast %swap3A_630 : vector<16xi32> to vector<16xi32>
    %swap3A_632 = vector.shape_cast %add3A_628 : vector<16xi32> to vector<16xi32>
    tpu.vector_store %arg11[%swap3A_629], %swap3A_632 {strides = array<i32>} : memref<64xi32, #tpu.memory_space<vmem>>, vector<16xi32>,
    %dma_start3A_633 = arith.constant 0 : i32
    %dma_start3A_634 = arith.constant 0 : i32
    %dma_start3A_635 = tpu.memref_slice %arg7[%dma_start3A_633, %dma_start3A_634] : memref<4096x128xf32, #tpu.memory_space<vmem_shared>> -> memref<4096x128xf32, #tpu.memory_space<vmem_shared>>
    tpu.enqueue_indirect_dma source(%dma_start3A_635 : memref<4096x128xf32, #tpu.memory_space<vmem_shared>>) target(%arg15 : memref<64x128xf32, #tpu.memory_space<vmem>>) offsets(%arg11 : memref<64xi32, #tpu.memory_space<vmem>>) semaphore(%arg19 : memref<!tpu.dma_semaphore, #tpu.memory_space<semaphore_mem>>)
    %mul3A_636 = arith.constant 64 : i32
    %mul3A_637 = arith.muli %arg1, %mul3A_636 : i32
    %add3A_638 = arith.constant 0 : i32
    %add3A_639 = arith.addi %mul3A_637, %add3A_638 : i32
    %mul3A_640 = arith.constant 512 : i32
    %mul3A_641 = arith.muli %add3A_639, %mul3A_640 : i32
    %mul3A_642 = arith.constant 256 : i32
    %mul3A_643 = arith.muli %arg0, %mul3A_642 : i32
    %add3A_644 = arith.addi %mul3A_641, %mul3A_643 : i32
    %add3A_645 = arith.constant 192 : i32
    %add3A_646 = arith.addi %add3A_644, %add3A_645 : i32
    %add3A_647 = arith.constant 0 : i32
    %add3A_648 = arith.addi %add3A_646, %add3A_647 : i32
    %dma_wait3A_649 = arith.constant 0 : i32
    %dma_wait3A_650 = tpu.memref_slice %arg5[%add3A_648, %dma_wait3A_649] : memref<524288x128xf32, #tpu.memory_space<hbm>> -> memref<64x128xf32, #tpu.memory_space<hbm>>
    %dma_wait3A_651 = arith.constant 0 : i32
    %dma_wait3A_652 = tpu.memref_slice %arg5[%add3A_648, %dma_wait3A_651] : memref<524288x128xf32, #tpu.memory_space<hbm>> -> memref<64x128xf32, #tpu.memory_space<hbm>>
    tpu.wait_dma2 semaphore(%arg24 : memref<!tpu.dma_semaphore, #tpu.memory_space<semaphore_mem>>) src(%arg16 : memref<64x128xf32, #tpu.memory_space<vmem>>) dst(%dma_wait3A_652 : memref<64x128xf32, #tpu.memory_space<hbm>>)
    %get3A_653 = arith.constant 1 : i32
    %get3A_654 = arith.index_cast %get3A_653 : i32 to index
    %get3A_655 = arith.constant 64 : index
    %get3A_656 = tpu.vector_load %arg9[%get3A_654, %get3A_655] {strides = array<i32>} : memref<64x128xi32, #tpu.memory_space<vmem>>, vector<1x16xi32>,
    %get3A_657 = vector.shape_cast %get3A_656 : vector<1x16xi32> to vector<16xi32>
    %get3A_658 = arith.constant 0 : index
    %get3A_659 = tpu.vector_load %arg10[%get3A_658] {strides = array<i32>} : memref<64xi32, #tpu.memory_space<vmem>>, vector<16xi32>,
    %get3A_660 = vector.shape_cast %get3A_659 : vector<16xi32> to vector<16xi32>
    %add3A_661 = arith.addi %get3A_657, %get3A_660 : vector<16xi32>
    %swap3A_662 = arith.constant 0 : index
    %swap3A_663 = tpu.vector_load %arg12[%swap3A_662] {strides = array<i32>} : memref<64xi32, #tpu.memory_space<vmem>>, vector<16xi32>,
    %swap3A_664 = vector.shape_cast %swap3A_663 : vector<16xi32> to vector<16xi32>
    %swap3A_665 = vector.shape_cast %add3A_661 : vector<16xi32> to vector<16xi32>
    tpu.vector_store %arg12[%swap3A_662], %swap3A_665 {strides = array<i32>} : memref<64xi32, #tpu.memory_space<vmem>>, vector<16xi32>,
    %get3A_666 = arith.constant 1 : i32
    %get3A_667 = arith.index_cast %get3A_666 : i32 to index
    %get3A_668 = arith.constant 80 : index
    %get3A_669 = tpu.vector_load %arg9[%get3A_667, %get3A_668] {strides = array<i32>} : memref<64x128xi32, #tpu.memory_space<vmem>>, vector<1x16xi32>,
    %get3A_670 = vector.shape_cast %get3A_669 : vector<1x16xi32> to vector<16xi32>
    %get3A_671 = arith.constant 16 : index
    %get3A_672 = tpu.vector_load %arg10[%get3A_671] {strides = array<i32>} : memref<64xi32, #tpu.memory_space<vmem>>, vector<16xi32>,
    %get3A_673 = vector.shape_cast %get3A_672 : vector<16xi32> to vector<16xi32>
    %add3A_674 = arith.addi %get3A_670, %get3A_673 : vector<16xi32>
    %swap3A_675 = arith.constant 16 : index
    %swap3A_676 = tpu.vector_load %arg12[%swap3A_675] {strides = array<i32>} : memref<64xi32, #tpu.memory_space<vmem>>, vector<16xi32>,
    %swap3A_677 = vector.shape_cast %swap3A_676 : vector<16xi32> to vector<16xi32>
    %swap3A_678 = vector.shape_cast %add3A_674 : vector<16xi32> to vector<16xi32>
    tpu.vector_store %arg12[%swap3A_675], %swap3A_678 {strides = array<i32>} : memref<64xi32, #tpu.memory_space<vmem>>, vector<16xi32>,
    %get3A_679 = arith.constant 1 : i32
    %get3A_680 = arith.index_cast %get3A_679 : i32 to index
    %get3A_681 = arith.constant 96 : index
    %get3A_682 = tpu.vector_load %arg9[%get3A_680, %get3A_681] {strides = array<i32>} : memref<64x128xi32, #tpu.memory_space<vmem>>, vector<1x16xi32>,
    %get3A_683 = vector.shape_cast %get3A_682 : vector<1x16xi32> to vector<16xi32>
    %get3A_684 = arith.constant 32 : index
    %get3A_685 = tpu.vector_load %arg10[%get3A_684] {strides = array<i32>} : memref<64xi32, #tpu.memory_space<vmem>>, vector<16xi32>,
    %get3A_686 = vector.shape_cast %get3A_685 : vector<16xi32> to vector<16xi32>
    %add3A_687 = arith.addi %get3A_683, %get3A_686 : vector<16xi32>
    %swap3A_688 = arith.constant 32 : index
    %swap3A_689 = tpu.vector_load %arg12[%swap3A_688] {strides = array<i32>} : memref<64xi32, #tpu.memory_space<vmem>>, vector<16xi32>,
    %swap3A_690 = vector.shape_cast %swap3A_689 : vector<16xi32> to vector<16xi32>
    %swap3A_691 = vector.shape_cast %add3A_687 : vector<16xi32> to vector<16xi32>
    tpu.vector_store %arg12[%swap3A_688], %swap3A_691 {strides = array<i32>} : memref<64xi32, #tpu.memory_space<vmem>>, vector<16xi32>,
    %get3A_692 = arith.constant 1 : i32
    %get3A_693 = arith.index_cast %get3A_692 : i32 to index
    %get3A_694 = arith.constant 112 : index
    %get3A_695 = tpu.vector_load %arg9[%get3A_693, %get3A_694] {strides = array<i32>} : memref<64x128xi32, #tpu.memory_space<vmem>>, vector<1x16xi32>,
    %get3A_696 = vector.shape_cast %get3A_695 : vector<1x16xi32> to vector<16xi32>
    %get3A_697 = arith.constant 48 : index
    %get3A_698 = tpu.vector_load %arg10[%get3A_697] {strides = array<i32>} : memref<64xi32, #tpu.memory_space<vmem>>, vector<16xi32>,
    %get3A_699 = vector.shape_cast %get3A_698 : vector<16xi32> to vector<16xi32>
    %add3A_700 = arith.addi %get3A_696, %get3A_699 : vector<16xi32>
    %swap3A_701 = arith.constant 48 : index
    %swap3A_702 = tpu.vector_load %arg12[%swap3A_701] {strides = array<i32>} : memref<64xi32, #tpu.memory_space<vmem>>, vector<16xi32>,
    %swap3A_703 = vector.shape_cast %swap3A_702 : vector<16xi32> to vector<16xi32>
    %swap3A_704 = vector.shape_cast %add3A_700 : vector<16xi32> to vector<16xi32>
    tpu.vector_store %arg12[%swap3A_701], %swap3A_704 {strides = array<i32>} : memref<64xi32, #tpu.memory_space<vmem>>, vector<16xi32>,
    %dma_start3A_705 = arith.constant 0 : i32
    %dma_start3A_706 = arith.constant 0 : i32
    %dma_start3A_707 = tpu.memref_slice %arg7[%dma_start3A_705, %dma_start3A_706] : memref<4096x128xf32, #tpu.memory_space<vmem_shared>> -> memref<4096x128xf32, #tpu.memory_space<vmem_shared>>
    tpu.enqueue_indirect_dma source(%dma_start3A_707 : memref<4096x128xf32, #tpu.memory_space<vmem_shared>>) target(%arg16 : memref<64x128xf32, #tpu.memory_space<vmem>>) offsets(%arg12 : memref<64xi32, #tpu.memory_space<vmem>>) semaphore(%arg20 : memref<!tpu.dma_semaphore, #tpu.memory_space<semaphore_mem>>)
    %scan3A_708 = arith.constant 0 : i32
    %scan3A_709 = arith.constant 0 : i32
    %scan3A_710 = arith.constant 16 : i32
    %scan3A_711 = arith.addi %scan3A_709, %scan3A_710 : i32
    %scan3A_712 = arith.constant 1 : i32
    scf.for %scan3A_738 = %scan3A_709 to %scan3A_711 step %scan3A_712  : i32 {
      %mul3A_739 = arith.constant 4 : i32
      %mul3A_740 = arith.muli %scan3A_738, %mul3A_739 : i32
      %add3A_741 = arith.constant 0 : i32
      %add3A_742 = arith.addi %mul3A_740, %add3A_741 : i32
      %mul3A_743 = arith.constant 4 : i32
      %mul3A_744 = arith.muli %scan3A_738, %mul3A_743 : i32
      %add3A_745 = arith.constant 0 : i32
      %add3A_746 = arith.addi %mul3A_744, %add3A_745 : i32
      %add3A_747 = arith.constant 2 : i32
      %add3A_748 = arith.addi %add3A_742, %add3A_747 : i32
      %mul3A_749 = arith.constant 4 : i32
      %mul3A_750 = arith.muli %scan3A_738, %mul3A_749 : i32
      %add3A_751 = arith.constant 2 : i32
      %add3A_752 = arith.addi %mul3A_750, %add3A_751 : i32
      %lt3A = arith.constant 64 : i32
      %lt3A_753 = arith.cmpi slt, %add3A_748, %lt3A : i32
      %convert_element_type3A = arith.extui %lt3A_753 : i1 to i32
      %cond3A = arith.constant 0 : i32
      %cond3A_754 = arith.cmpi ne, %convert_element_type3A, %cond3A : i32
      scf.if %cond3A_754 {
        %mul3A_888 = arith.constant 64 : i32
        %mul3A_889 = arith.muli %arg1, %mul3A_888 : i32
        %add3A_890 = arith.constant 0 : i32
        %add3A_891 = arith.addi %mul3A_889, %add3A_890 : i32
        %mul3A_892 = arith.constant 512 : i32
        %mul3A_893 = arith.muli %add3A_891, %mul3A_892 : i32
        %mul3A_894 = arith.constant 256 : i32
        %mul3A_895 = arith.muli %arg0, %mul3A_894 : i32
        %add3A_896 = arith.addi %mul3A_893, %mul3A_895 : i32
        %add3A_897 = arith.constant 192 : i32
        %add3A_898 = arith.addi %add3A_896, %add3A_897 : i32
        %add3A_899 = arith.constant 0 : i32
        %add3A_900 = arith.addi %add3A_898, %add3A_899 : i32
        %dma_wait3A_901 = arith.constant 0 : i32
        %dma_wait3A_902 = tpu.memref_slice %arg5[%add3A_900, %dma_wait3A_901] : memref<524288x128xf32, #tpu.memory_space<hbm>> -> memref<64x128xf32, #tpu.memory_space<hbm>>
        %dma_wait3A_903 = arith.constant 0 : i32
        %dma_wait3A_904 = tpu.memref_slice %arg5[%add3A_900, %dma_wait3A_903] : memref<524288x128xf32, #tpu.memory_space<hbm>> -> memref<64x128xf32, #tpu.memory_space<hbm>>
        tpu.wait_dma2 semaphore(%arg25 : memref<!tpu.dma_semaphore, #tpu.memory_space<semaphore_mem>>) src(%arg17 : memref<64x128xf32, #tpu.memory_space<vmem>>) dst(%dma_wait3A_904 : memref<64x128xf32, #tpu.memory_space<hbm>>)
        %get3A_905 = arith.index_cast %add3A_752 : i32 to index
        %get3A_906 = arith.constant 64 : index
        %get3A_907 = tpu.vector_load %arg9[%get3A_905, %get3A_906] {strides = array<i32>} : memref<64x128xi32, #tpu.memory_space<vmem>>, vector<1x16xi32>,
        %get3A_908 = vector.shape_cast %get3A_907 : vector<1x16xi32> to vector<16xi32>
        %get3A_909 = arith.constant 0 : index
        %get3A_910 = tpu.vector_load %arg10[%get3A_909] {strides = array<i32>} : memref<64xi32, #tpu.memory_space<vmem>>, vector<16xi32>,
        %get3A_911 = vector.shape_cast %get3A_910 : vector<16xi32> to vector<16xi32>
        %add3A_912 = arith.addi %get3A_908, %get3A_911 : vector<16xi32>
        %swap3A_913 = arith.constant 0 : index
        %swap3A_914 = tpu.vector_load %arg13[%swap3A_913] {strides = array<i32>} : memref<64xi32, #tpu.memory_space<vmem>>, vector<16xi32>,
        %swap3A_915 = vector.shape_cast %swap3A_914 : vector<16xi32> to vector<16xi32>
        %swap3A_916 = vector.shape_cast %add3A_912 : vector<16xi32> to vector<16xi32>
        tpu.vector_store %arg13[%swap3A_913], %swap3A_916 {strides = array<i32>} : memref<64xi32, #tpu.memory_space<vmem>>, vector<16xi32>,
        %get3A_917 = arith.index_cast %add3A_752 : i32 to index
        %get3A_918 = arith.constant 80 : index
        %get3A_919 = tpu.vector_load %arg9[%get3A_917, %get3A_918] {strides = array<i32>} : memref<64x128xi32, #tpu.memory_space<vmem>>, vector<1x16xi32>,
        %get3A_920 = vector.shape_cast %get3A_919 : vector<1x16xi32> to vector<16xi32>
        %get3A_921 = arith.constant 16 : index
        %get3A_922 = tpu.vector_load %arg10[%get3A_921] {strides = array<i32>} : memref<64xi32, #tpu.memory_space<vmem>>, vector<16xi32>,
        %get3A_923 = vector.shape_cast %get3A_922 : vector<16xi32> to vector<16xi32>
        %add3A_924 = arith.addi %get3A_920, %get3A_923 : vector<16xi32>
        %swap3A_925 = arith.constant 16 : index
        %swap3A_926 = tpu.vector_load %arg13[%swap3A_925] {strides = array<i32>} : memref<64xi32, #tpu.memory_space<vmem>>, vector<16xi32>,
        %swap3A_927 = vector.shape_cast %swap3A_926 : vector<16xi32> to vector<16xi32>
        %swap3A_928 = vector.shape_cast %add3A_924 : vector<16xi32> to vector<16xi32>
        tpu.vector_store %arg13[%swap3A_925], %swap3A_928 {strides = array<i32>} : memref<64xi32, #tpu.memory_space<vmem>>, vector<16xi32>,
        %get3A_929 = arith.index_cast %add3A_752 : i32 to index
        %get3A_930 = arith.constant 96 : index
        %get3A_931 = tpu.vector_load %arg9[%get3A_929, %get3A_930] {strides = array<i32>} : memref<64x128xi32, #tpu.memory_space<vmem>>, vector<1x16xi32>,
        %get3A_932 = vector.shape_cast %get3A_931 : vector<1x16xi32> to vector<16xi32>
        %get3A_933 = arith.constant 32 : index
        %get3A_934 = tpu.vector_load %arg10[%get3A_933] {strides = array<i32>} : memref<64xi32, #tpu.memory_space<vmem>>, vector<16xi32>,
        %get3A_935 = vector.shape_cast %get3A_934 : vector<16xi32> to vector<16xi32>
        %add3A_936 = arith.addi %get3A_932, %get3A_935 : vector<16xi32>
        %swap3A_937 = arith.constant 32 : index
        %swap3A_938 = tpu.vector_load %arg13[%swap3A_937] {strides = array<i32>} : memref<64xi32, #tpu.memory_space<vmem>>, vector<16xi32>,
        %swap3A_939 = vector.shape_cast %swap3A_938 : vector<16xi32> to vector<16xi32>
        %swap3A_940 = vector.shape_cast %add3A_936 : vector<16xi32> to vector<16xi32>
        tpu.vector_store %arg13[%swap3A_937], %swap3A_940 {strides = array<i32>} : memref<64xi32, #tpu.memory_space<vmem>>, vector<16xi32>,
        %get3A_941 = arith.index_cast %add3A_752 : i32 to index
        %get3A_942 = arith.constant 112 : index
        %get3A_943 = tpu.vector_load %arg9[%get3A_941, %get3A_942] {strides = array<i32>} : memref<64x128xi32, #tpu.memory_space<vmem>>, vector<1x16xi32>,
        %get3A_944 = vector.shape_cast %get3A_943 : vector<1x16xi32> to vector<16xi32>
        %get3A_945 = arith.constant 48 : index
        %get3A_946 = tpu.vector_load %arg10[%get3A_945] {strides = array<i32>} : memref<64xi32, #tpu.memory_space<vmem>>, vector<16xi32>,
        %get3A_947 = vector.shape_cast %get3A_946 : vector<16xi32> to vector<16xi32>
        %add3A_948 = arith.addi %get3A_944, %get3A_947 : vector<16xi32>
        %swap3A_949 = arith.constant 48 : index
        %swap3A_950 = tpu.vector_load %arg13[%swap3A_949] {strides = array<i32>} : memref<64xi32, #tpu.memory_space<vmem>>, vector<16xi32>,
        %swap3A_951 = vector.shape_cast %swap3A_950 : vector<16xi32> to vector<16xi32>
        %swap3A_952 = vector.shape_cast %add3A_948 : vector<16xi32> to vector<16xi32>
        tpu.vector_store %arg13[%swap3A_949], %swap3A_952 {strides = array<i32>} : memref<64xi32, #tpu.memory_space<vmem>>, vector<16xi32>,
        %dma_start3A_953 = arith.constant 0 : i32
        %dma_start3A_954 = arith.constant 0 : i32
        %dma_start3A_955 = tpu.memref_slice %arg7[%dma_start3A_953, %dma_start3A_954] : memref<4096x128xf32, #tpu.memory_space<vmem_shared>> -> memref<4096x128xf32, #tpu.memory_space<vmem_shared>>
        tpu.enqueue_indirect_dma source(%dma_start3A_955 : memref<4096x128xf32, #tpu.memory_space<vmem_shared>>) target(%arg17 : memref<64x128xf32, #tpu.memory_space<vmem>>) offsets(%arg13 : memref<64xi32, #tpu.memory_space<vmem>>) semaphore(%arg21 : memref<!tpu.dma_semaphore, #tpu.memory_space<semaphore_mem>>)
      } else {
      }
      %dma_wait3A_755 = arith.constant 0 : i32
      %dma_wait3A_756 = arith.constant 0 : i32
      %dma_wait3A_757 = tpu.memref_slice %arg7[%dma_wait3A_755, %dma_wait3A_756] : memref<4096x128xf32, #tpu.memory_space<vmem_shared>> -> memref<4096x128xf32, #tpu.memory_space<vmem_shared>>
      tpu.wait_indirect_dma semaphore(%arg19 : memref<!tpu.dma_semaphore, #tpu.memory_space<semaphore_mem>>) src(%dma_wait3A_757 : memref<4096x128xf32, #tpu.memory_space<vmem_shared>>) dst(%arg15 : memref<64x128xf32, #tpu.memory_space<vmem>>)
      %mul3A_758 = arith.constant 64 : i32
      %mul3A_759 = arith.muli %arg1, %mul3A_758 : i32
      %add3A_760 = arith.addi %mul3A_759, %add3A_746 : i32
      %mul3A_761 = arith.constant 512 : i32
      %mul3A_762 = arith.muli %add3A_760, %mul3A_761 : i32
      %mul3A_763 = arith.constant 256 : i32
      %mul3A_764 = arith.muli %arg0, %mul3A_763 : i32
      %add3A_765 = arith.addi %mul3A_762, %mul3A_764 : i32
      %add3A_766 = arith.constant 192 : i32
      %add3A_767 = arith.addi %add3A_765, %add3A_766 : i32
      %add3A_768 = arith.constant 0 : i32
      %add3A_769 = arith.addi %add3A_767, %add3A_768 : i32
      %dma_start3A_770 = arith.constant 0 : i32
      %dma_start3A_771 = tpu.memref_slice %arg5[%add3A_769, %dma_start3A_770] : memref<524288x128xf32, #tpu.memory_space<hbm>> -> memref<64x128xf32, #tpu.memory_space<hbm>>
      %dma_start3A_772 = arith.constant 0 : i32
      %dma_start3A_773 = tpu.memref_slice %arg5[%add3A_769, %dma_start3A_772] : memref<524288x128xf32, #tpu.memory_space<hbm>> -> memref<64x128xf32, #tpu.memory_space<hbm>>
      tpu.enqueue_dma source(%arg15 : memref<64x128xf32, #tpu.memory_space<vmem>>) target(%dma_start3A_773 : memref<64x128xf32, #tpu.memory_space<hbm>>) target_semaphore(%arg23 : memref<!tpu.dma_semaphore, #tpu.memory_space<semaphore_mem>>)
      %mul3A_774 = arith.constant 4 : i32
      %mul3A_775 = arith.muli %scan3A_738, %mul3A_774 : i32
      %add3A_776 = arith.constant 1 : i32
      %add3A_777 = arith.addi %mul3A_775, %add3A_776 : i32
      %mul3A_778 = arith.constant 4 : i32
      %mul3A_779 = arith.muli %scan3A_738, %mul3A_778 : i32
      %add3A_780 = arith.constant 1 : i32
      %add3A_781 = arith.addi %mul3A_779, %add3A_780 : i32
      %add3A_782 = arith.constant 2 : i32
      %add3A_783 = arith.addi %add3A_777, %add3A_782 : i32
      %mul3A_784 = arith.constant 4 : i32
      %mul3A_785 = arith.muli %scan3A_738, %mul3A_784 : i32
      %add3A_786 = arith.constant 3 : i32
      %add3A_787 = arith.addi %mul3A_785, %add3A_786 : i32
      %lt3A_788 = arith.constant 64 : i32
      %lt3A_789 = arith.cmpi slt, %add3A_783, %lt3A_788 : i32
      %convert_element_type3A_790 = arith.extui %lt3A_789 : i1 to i32
      %cond3A_791 = arith.constant 0 : i32
      %cond3A_792 = arith.cmpi ne, %convert_element_type3A_790, %cond3A_791 : i32
      scf.if %cond3A_792 {
        %mul3A_888 = arith.constant 64 : i32
        %mul3A_889 = arith.muli %arg1, %mul3A_888 : i32
        %add3A_890 = arith.constant 0 : i32
        %add3A_891 = arith.addi %mul3A_889, %add3A_890 : i32
        %mul3A_892 = arith.constant 512 : i32
        %mul3A_893 = arith.muli %add3A_891, %mul3A_892 : i32
        %mul3A_894 = arith.constant 256 : i32
        %mul3A_895 = arith.muli %arg0, %mul3A_894 : i32
        %add3A_896 = arith.addi %mul3A_893, %mul3A_895 : i32
        %add3A_897 = arith.constant 192 : i32
        %add3A_898 = arith.addi %add3A_896, %add3A_897 : i32
        %add3A_899 = arith.constant 0 : i32
        %add3A_900 = arith.addi %add3A_898, %add3A_899 : i32
        %dma_wait3A_901 = arith.constant 0 : i32
        %dma_wait3A_902 = tpu.memref_slice %arg5[%add3A_900, %dma_wait3A_901] : memref<524288x128xf32, #tpu.memory_space<hbm>> -> memref<64x128xf32, #tpu.memory_space<hbm>>
        %dma_wait3A_903 = arith.constant 0 : i32
        %dma_wait3A_904 = tpu.memref_slice %arg5[%add3A_900, %dma_wait3A_903] : memref<524288x128xf32, #tpu.memory_space<hbm>> -> memref<64x128xf32, #tpu.memory_space<hbm>>
        tpu.wait_dma2 semaphore(%arg26 : memref<!tpu.dma_semaphore, #tpu.memory_space<semaphore_mem>>) src(%arg18 : memref<64x128xf32, #tpu.memory_space<vmem>>) dst(%dma_wait3A_904 : memref<64x128xf32, #tpu.memory_space<hbm>>)
        %get3A_905 = arith.index_cast %add3A_787 : i32 to index
        %get3A_906 = arith.constant 64 : index
        %get3A_907 = tpu.vector_load %arg9[%get3A_905, %get3A_906] {strides = array<i32>} : memref<64x128xi32, #tpu.memory_space<vmem>>, vector<1x16xi32>,
        %get3A_908 = vector.shape_cast %get3A_907 : vector<1x16xi32> to vector<16xi32>
        %get3A_909 = arith.constant 0 : index
        %get3A_910 = tpu.vector_load %arg10[%get3A_909] {strides = array<i32>} : memref<64xi32, #tpu.memory_space<vmem>>, vector<16xi32>,
        %get3A_911 = vector.shape_cast %get3A_910 : vector<16xi32> to vector<16xi32>
        %add3A_912 = arith.addi %get3A_908, %get3A_911 : vector<16xi32>
        %swap3A_913 = arith.constant 0 : index
        %swap3A_914 = tpu.vector_load %arg14[%swap3A_913] {strides = array<i32>} : memref<64xi32, #tpu.memory_space<vmem>>, vector<16xi32>,
        %swap3A_915 = vector.shape_cast %swap3A_914 : vector<16xi32> to vector<16xi32>
        %swap3A_916 = vector.shape_cast %add3A_912 : vector<16xi32> to vector<16xi32>
        tpu.vector_store %arg14[%swap3A_913], %swap3A_916 {strides = array<i32>} : memref<64xi32, #tpu.memory_space<vmem>>, vector<16xi32>,
        %get3A_917 = arith.index_cast %add3A_787 : i32 to index
        %get3A_918 = arith.constant 80 : index
        %get3A_919 = tpu.vector_load %arg9[%get3A_917, %get3A_918] {strides = array<i32>} : memref<64x128xi32, #tpu.memory_space<vmem>>, vector<1x16xi32>,
        %get3A_920 = vector.shape_cast %get3A_919 : vector<1x16xi32> to vector<16xi32>
        %get3A_921 = arith.constant 16 : index
        %get3A_922 = tpu.vector_load %arg10[%get3A_921] {strides = array<i32>} : memref<64xi32, #tpu.memory_space<vmem>>, vector<16xi32>,
        %get3A_923 = vector.shape_cast %get3A_922 : vector<16xi32> to vector<16xi32>
        %add3A_924 = arith.addi %get3A_920, %get3A_923 : vector<16xi32>
        %swap3A_925 = arith.constant 16 : index
        %swap3A_926 = tpu.vector_load %arg14[%swap3A_925] {strides = array<i32>} : memref<64xi32, #tpu.memory_space<vmem>>, vector<16xi32>,
        %swap3A_927 = vector.shape_cast %swap3A_926 : vector<16xi32> to vector<16xi32>
        %swap3A_928 = vector.shape_cast %add3A_924 : vector<16xi32> to vector<16xi32>
        tpu.vector_store %arg14[%swap3A_925], %swap3A_928 {strides = array<i32>} : memref<64xi32, #tpu.memory_space<vmem>>, vector<16xi32>,
        %get3A_929 = arith.index_cast %add3A_787 : i32 to index
        %get3A_930 = arith.constant 96 : index
        %get3A_931 = tpu.vector_load %arg9[%get3A_929, %get3A_930] {strides = array<i32>} : memref<64x128xi32, #tpu.memory_space<vmem>>, vector<1x16xi32>,
        %get3A_932 = vector.shape_cast %get3A_931 : vector<1x16xi32> to vector<16xi32>
        %get3A_933 = arith.constant 32 : index
        %get3A_934 = tpu.vector_load %arg10[%get3A_933] {strides = array<i32>} : memref<64xi32, #tpu.memory_space<vmem>>, vector<16xi32>,
        %get3A_935 = vector.shape_cast %get3A_934 : vector<16xi32> to vector<16xi32>
        %add3A_936 = arith.addi %get3A_932, %get3A_935 : vector<16xi32>
        %swap3A_937 = arith.constant 32 : index
        %swap3A_938 = tpu.vector_load %arg14[%swap3A_937] {strides = array<i32>} : memref<64xi32, #tpu.memory_space<vmem>>, vector<16xi32>,
        %swap3A_939 = vector.shape_cast %swap3A_938 : vector<16xi32> to vector<16xi32>
        %swap3A_940 = vector.shape_cast %add3A_936 : vector<16xi32> to vector<16xi32>
        tpu.vector_store %arg14[%swap3A_937], %swap3A_940 {strides = array<i32>} : memref<64xi32, #tpu.memory_space<vmem>>, vector<16xi32>,
        %get3A_941 = arith.index_cast %add3A_787 : i32 to index
        %get3A_942 = arith.constant 112 : index
        %get3A_943 = tpu.vector_load %arg9[%get3A_941, %get3A_942] {strides = array<i32>} : memref<64x128xi32, #tpu.memory_space<vmem>>, vector<1x16xi32>,
        %get3A_944 = vector.shape_cast %get3A_943 : vector<1x16xi32> to vector<16xi32>
        %get3A_945 = arith.constant 48 : index
        %get3A_946 = tpu.vector_load %arg10[%get3A_945] {strides = array<i32>} : memref<64xi32, #tpu.memory_space<vmem>>, vector<16xi32>,
        %get3A_947 = vector.shape_cast %get3A_946 : vector<16xi32> to vector<16xi32>
        %add3A_948 = arith.addi %get3A_944, %get3A_947 : vector<16xi32>
        %swap3A_949 = arith.constant 48 : index
        %swap3A_950 = tpu.vector_load %arg14[%swap3A_949] {strides = array<i32>} : memref<64xi32, #tpu.memory_space<vmem>>, vector<16xi32>,
        %swap3A_951 = vector.shape_cast %swap3A_950 : vector<16xi32> to vector<16xi32>
        %swap3A_952 = vector.shape_cast %add3A_948 : vector<16xi32> to vector<16xi32>
        tpu.vector_store %arg14[%swap3A_949], %swap3A_952 {strides = array<i32>} : memref<64xi32, #tpu.memory_space<vmem>>, vector<16xi32>,
        %dma_start3A_953 = arith.constant 0 : i32
        %dma_start3A_954 = arith.constant 0 : i32
        %dma_start3A_955 = tpu.memref_slice %arg7[%dma_start3A_953, %dma_start3A_954] : memref<4096x128xf32, #tpu.memory_space<vmem_shared>> -> memref<4096x128xf32, #tpu.memory_space<vmem_shared>>
        tpu.enqueue_indirect_dma source(%dma_start3A_955 : memref<4096x128xf32, #tpu.memory_space<vmem_shared>>) target(%arg18 : memref<64x128xf32, #tpu.memory_space<vmem>>) offsets(%arg14 : memref<64xi32, #tpu.memory_space<vmem>>) semaphore(%arg22 : memref<!tpu.dma_semaphore, #tpu.memory_space<semaphore_mem>>)
      } else {
      }
      %dma_wait3A_793 = arith.constant 0 : i32
      %dma_wait3A_794 = arith.constant 0 : i32
      %dma_wait3A_795 = tpu.memref_slice %arg7[%dma_wait3A_793, %dma_wait3A_794] : memref<4096x128xf32, #tpu.memory_space<vmem_shared>> -> memref<4096x128xf32, #tpu.memory_space<vmem_shared>>
      tpu.wait_indirect_dma semaphore(%arg20 : memref<!tpu.dma_semaphore, #tpu.memory_space<semaphore_mem>>) src(%dma_wait3A_795 : memref<4096x128xf32, #tpu.memory_space<vmem_shared>>) dst(%arg16 : memref<64x128xf32, #tpu.memory_space<vmem>>)
      %mul3A_796 = arith.constant 64 : i32
      %mul3A_797 = arith.muli %arg1, %mul3A_796 : i32
      %add3A_798 = arith.addi %mul3A_797, %add3A_781 : i32
      %mul3A_799 = arith.constant 512 : i32
      %mul3A_800 = arith.muli %add3A_798, %mul3A_799 : i32
      %mul3A_801 = arith.constant 256 : i32
      %mul3A_802 = arith.muli %arg0, %mul3A_801 : i32
      %add3A_803 = arith.addi %mul3A_800, %mul3A_802 : i32
      %add3A_804 = arith.constant 192 : i32
      %add3A_805 = arith.addi %add3A_803, %add3A_804 : i32
      %add3A_806 = arith.constant 0 : i32
      %add3A_807 = arith.addi %add3A_805, %add3A_806 : i32
      %dma_start3A_808 = arith.constant 0 : i32
      %dma_start3A_809 = tpu.memref_slice %arg5[%add3A_807, %dma_start3A_808] : memref<524288x128xf32, #tpu.memory_space<hbm>> -> memref<64x128xf32, #tpu.memory_space<hbm>>
      %dma_start3A_810 = arith.constant 0 : i32
      %dma_start3A_811 = tpu.memref_slice %arg5[%add3A_807, %dma_start3A_810] : memref<524288x128xf32, #tpu.memory_space<hbm>> -> memref<64x128xf32, #tpu.memory_space<hbm>>
      tpu.enqueue_dma source(%arg16 : memref<64x128xf32, #tpu.memory_space<vmem>>) target(%dma_start3A_811 : memref<64x128xf32, #tpu.memory_space<hbm>>) target_semaphore(%arg24 : memref<!tpu.dma_semaphore, #tpu.memory_space<semaphore_mem>>)
      %mul3A_812 = arith.constant 4 : i32
      %mul3A_813 = arith.muli %scan3A_738, %mul3A_812 : i32
      %add3A_814 = arith.constant 2 : i32
      %add3A_815 = arith.addi %mul3A_813, %add3A_814 : i32
      %mul3A_816 = arith.constant 4 : i32
      %mul3A_817 = arith.muli %scan3A_738, %mul3A_816 : i32
      %add3A_818 = arith.constant 2 : i32
      %add3A_819 = arith.addi %mul3A_817, %add3A_818 : i32
      %add3A_820 = arith.constant 2 : i32
      %add3A_821 = arith.addi %add3A_815, %add3A_820 : i32
      %mul3A_822 = arith.constant 4 : i32
      %mul3A_823 = arith.muli %scan3A_738, %mul3A_822 : i32
      %add3A_824 = arith.constant 4 : i32
      %add3A_825 = arith.addi %mul3A_823, %add3A_824 : i32
      %lt3A_826 = arith.constant 64 : i32
      %lt3A_827 = arith.cmpi slt, %add3A_821, %lt3A_826 : i32
      %convert_element_type3A_828 = arith.extui %lt3A_827 : i1 to i32
      %cond3A_829 = arith.constant 0 : i32
      %cond3A_830 = arith.cmpi ne, %convert_element_type3A_828, %cond3A_829 : i32
      scf.if %cond3A_830 {
        %mul3A_888 = arith.constant 64 : i32
        %mul3A_889 = arith.muli %arg1, %mul3A_888 : i32
        %add3A_890 = arith.constant 0 : i32
        %add3A_891 = arith.addi %mul3A_889, %add3A_890 : i32
        %mul3A_892 = arith.constant 512 : i32
        %mul3A_893 = arith.muli %add3A_891, %mul3A_892 : i32
        %mul3A_894 = arith.constant 256 : i32
        %mul3A_895 = arith.muli %arg0, %mul3A_894 : i32
        %add3A_896 = arith.addi %mul3A_893, %mul3A_895 : i32
        %add3A_897 = arith.constant 192 : i32
        %add3A_898 = arith.addi %add3A_896, %add3A_897 : i32
        %add3A_899 = arith.constant 0 : i32
        %add3A_900 = arith.addi %add3A_898, %add3A_899 : i32
        %dma_wait3A_901 = arith.constant 0 : i32
        %dma_wait3A_902 = tpu.memref_slice %arg5[%add3A_900, %dma_wait3A_901] : memref<524288x128xf32, #tpu.memory_space<hbm>> -> memref<64x128xf32, #tpu.memory_space<hbm>>
        %dma_wait3A_903 = arith.constant 0 : i32
        %dma_wait3A_904 = tpu.memref_slice %arg5[%add3A_900, %dma_wait3A_903] : memref<524288x128xf32, #tpu.memory_space<hbm>> -> memref<64x128xf32, #tpu.memory_space<hbm>>
        tpu.wait_dma2 semaphore(%arg23 : memref<!tpu.dma_semaphore, #tpu.memory_space<semaphore_mem>>) src(%arg15 : memref<64x128xf32, #tpu.memory_space<vmem>>) dst(%dma_wait3A_904 : memref<64x128xf32, #tpu.memory_space<hbm>>)
        %get3A_905 = arith.index_cast %add3A_825 : i32 to index
        %get3A_906 = arith.constant 64 : index
        %get3A_907 = tpu.vector_load %arg9[%get3A_905, %get3A_906] {strides = array<i32>} : memref<64x128xi32, #tpu.memory_space<vmem>>, vector<1x16xi32>,
        %get3A_908 = vector.shape_cast %get3A_907 : vector<1x16xi32> to vector<16xi32>
        %get3A_909 = arith.constant 0 : index
        %get3A_910 = tpu.vector_load %arg10[%get3A_909] {strides = array<i32>} : memref<64xi32, #tpu.memory_space<vmem>>, vector<16xi32>,
        %get3A_911 = vector.shape_cast %get3A_910 : vector<16xi32> to vector<16xi32>
        %add3A_912 = arith.addi %get3A_908, %get3A_911 : vector<16xi32>
        %swap3A_913 = arith.constant 0 : index
        %swap3A_914 = tpu.vector_load %arg11[%swap3A_913] {strides = array<i32>} : memref<64xi32, #tpu.memory_space<vmem>>, vector<16xi32>,
        %swap3A_915 = vector.shape_cast %swap3A_914 : vector<16xi32> to vector<16xi32>
        %swap3A_916 = vector.shape_cast %add3A_912 : vector<16xi32> to vector<16xi32>
        tpu.vector_store %arg11[%swap3A_913], %swap3A_916 {strides = array<i32>} : memref<64xi32, #tpu.memory_space<vmem>>, vector<16xi32>,
        %get3A_917 = arith.index_cast %add3A_825 : i32 to index
        %get3A_918 = arith.constant 80 : index
        %get3A_919 = tpu.vector_load %arg9[%get3A_917, %get3A_918] {strides = array<i32>} : memref<64x128xi32, #tpu.memory_space<vmem>>, vector<1x16xi32>,
        %get3A_920 = vector.shape_cast %get3A_919 : vector<1x16xi32> to vector<16xi32>
        %get3A_921 = arith.constant 16 : index
        %get3A_922 = tpu.vector_load %arg10[%get3A_921] {strides = array<i32>} : memref<64xi32, #tpu.memory_space<vmem>>, vector<16xi32>,
        %get3A_923 = vector.shape_cast %get3A_922 : vector<16xi32> to vector<16xi32>
        %add3A_924 = arith.addi %get3A_920, %get3A_923 : vector<16xi32>
        %swap3A_925 = arith.constant 16 : index
        %swap3A_926 = tpu.vector_load %arg11[%swap3A_925] {strides = array<i32>} : memref<64xi32, #tpu.memory_space<vmem>>, vector<16xi32>,
        %swap3A_927 = vector.shape_cast %swap3A_926 : vector<16xi32> to vector<16xi32>
        %swap3A_928 = vector.shape_cast %add3A_924 : vector<16xi32> to vector<16xi32>
        tpu.vector_store %arg11[%swap3A_925], %swap3A_928 {strides = array<i32>} : memref<64xi32, #tpu.memory_space<vmem>>, vector<16xi32>,
        %get3A_929 = arith.index_cast %add3A_825 : i32 to index
        %get3A_930 = arith.constant 96 : index
        %get3A_931 = tpu.vector_load %arg9[%get3A_929, %get3A_930] {strides = array<i32>} : memref<64x128xi32, #tpu.memory_space<vmem>>, vector<1x16xi32>,
        %get3A_932 = vector.shape_cast %get3A_931 : vector<1x16xi32> to vector<16xi32>
        %get3A_933 = arith.constant 32 : index
        %get3A_934 = tpu.vector_load %arg10[%get3A_933] {strides = array<i32>} : memref<64xi32, #tpu.memory_space<vmem>>, vector<16xi32>,
        %get3A_935 = vector.shape_cast %get3A_934 : vector<16xi32> to vector<16xi32>
        %add3A_936 = arith.addi %get3A_932, %get3A_935 : vector<16xi32>
        %swap3A_937 = arith.constant 32 : index
        %swap3A_938 = tpu.vector_load %arg11[%swap3A_937] {strides = array<i32>} : memref<64xi32, #tpu.memory_space<vmem>>, vector<16xi32>,
        %swap3A_939 = vector.shape_cast %swap3A_938 : vector<16xi32> to vector<16xi32>
        %swap3A_940 = vector.shape_cast %add3A_936 : vector<16xi32> to vector<16xi32>
        tpu.vector_store %arg11[%swap3A_937], %swap3A_940 {strides = array<i32>} : memref<64xi32, #tpu.memory_space<vmem>>, vector<16xi32>,
        %get3A_941 = arith.index_cast %add3A_825 : i32 to index
        %get3A_942 = arith.constant 112 : index
        %get3A_943 = tpu.vector_load %arg9[%get3A_941, %get3A_942] {strides = array<i32>} : memref<64x128xi32, #tpu.memory_space<vmem>>, vector<1x16xi32>,
        %get3A_944 = vector.shape_cast %get3A_943 : vector<1x16xi32> to vector<16xi32>
        %get3A_945 = arith.constant 48 : index
        %get3A_946 = tpu.vector_load %arg10[%get3A_945] {strides = array<i32>} : memref<64xi32, #tpu.memory_space<vmem>>, vector<16xi32>,
        %get3A_947 = vector.shape_cast %get3A_946 : vector<16xi32> to vector<16xi32>
        %add3A_948 = arith.addi %get3A_944, %get3A_947 : vector<16xi32>
        %swap3A_949 = arith.constant 48 : index
        %swap3A_950 = tpu.vector_load %arg11[%swap3A_949] {strides = array<i32>} : memref<64xi32, #tpu.memory_space<vmem>>, vector<16xi32>,
        %swap3A_951 = vector.shape_cast %swap3A_950 : vector<16xi32> to vector<16xi32>
        %swap3A_952 = vector.shape_cast %add3A_948 : vector<16xi32> to vector<16xi32>
        tpu.vector_store %arg11[%swap3A_949], %swap3A_952 {strides = array<i32>} : memref<64xi32, #tpu.memory_space<vmem>>, vector<16xi32>,
        %dma_start3A_953 = arith.constant 0 : i32
        %dma_start3A_954 = arith.constant 0 : i32
        %dma_start3A_955 = tpu.memref_slice %arg7[%dma_start3A_953, %dma_start3A_954] : memref<4096x128xf32, #tpu.memory_space<vmem_shared>> -> memref<4096x128xf32, #tpu.memory_space<vmem_shared>>
        tpu.enqueue_indirect_dma source(%dma_start3A_955 : memref<4096x128xf32, #tpu.memory_space<vmem_shared>>) target(%arg15 : memref<64x128xf32, #tpu.memory_space<vmem>>) offsets(%arg11 : memref<64xi32, #tpu.memory_space<vmem>>) semaphore(%arg19 : memref<!tpu.dma_semaphore, #tpu.memory_space<semaphore_mem>>)
      } else {
      }
      %dma_wait3A_831 = arith.constant 0 : i32
      %dma_wait3A_832 = arith.constant 0 : i32
      %dma_wait3A_833 = tpu.memref_slice %arg7[%dma_wait3A_831, %dma_wait3A_832] : memref<4096x128xf32, #tpu.memory_space<vmem_shared>> -> memref<4096x128xf32, #tpu.memory_space<vmem_shared>>
      tpu.wait_indirect_dma semaphore(%arg21 : memref<!tpu.dma_semaphore, #tpu.memory_space<semaphore_mem>>) src(%dma_wait3A_833 : memref<4096x128xf32, #tpu.memory_space<vmem_shared>>) dst(%arg17 : memref<64x128xf32, #tpu.memory_space<vmem>>)
      %mul3A_834 = arith.constant 64 : i32
      %mul3A_835 = arith.muli %arg1, %mul3A_834 : i32
      %add3A_836 = arith.addi %mul3A_835, %add3A_819 : i32
      %mul3A_837 = arith.constant 512 : i32
      %mul3A_838 = arith.muli %add3A_836, %mul3A_837 : i32
      %mul3A_839 = arith.constant 256 : i32
      %mul3A_840 = arith.muli %arg0, %mul3A_839 : i32
      %add3A_841 = arith.addi %mul3A_838, %mul3A_840 : i32
      %add3A_842 = arith.constant 192 : i32
      %add3A_843 = arith.addi %add3A_841, %add3A_842 : i32
      %add3A_844 = arith.constant 0 : i32
      %add3A_845 = arith.addi %add3A_843, %add3A_844 : i32
      %dma_start3A_846 = arith.constant 0 : i32
      %dma_start3A_847 = tpu.memref_slice %arg5[%add3A_845, %dma_start3A_846] : memref<524288x128xf32, #tpu.memory_space<hbm>> -> memref<64x128xf32, #tpu.memory_space<hbm>>
      %dma_start3A_848 = arith.constant 0 : i32
      %dma_start3A_849 = tpu.memref_slice %arg5[%add3A_845, %dma_start3A_848] : memref<524288x128xf32, #tpu.memory_space<hbm>> -> memref<64x128xf32, #tpu.memory_space<hbm>>
      tpu.enqueue_dma source(%arg17 : memref<64x128xf32, #tpu.memory_space<vmem>>) target(%dma_start3A_849 : memref<64x128xf32, #tpu.memory_space<hbm>>) target_semaphore(%arg25 : memref<!tpu.dma_semaphore, #tpu.memory_space<semaphore_mem>>)
      %mul3A_850 = arith.constant 4 : i32
      %mul3A_851 = arith.muli %scan3A_738, %mul3A_850 : i32
      %add3A_852 = arith.constant 3 : i32
      %add3A_853 = arith.addi %mul3A_851, %add3A_852 : i32
      %mul3A_854 = arith.constant 4 : i32
      %mul3A_855 = arith.muli %scan3A_738, %mul3A_854 : i32
      %add3A_856 = arith.constant 3 : i32
      %add3A_857 = arith.addi %mul3A_855, %add3A_856 : i32
      %add3A_858 = arith.constant 2 : i32
      %add3A_859 = arith.addi %add3A_853, %add3A_858 : i32
      %mul3A_860 = arith.constant 4 : i32
      %mul3A_861 = arith.muli %scan3A_738, %mul3A_860 : i32
      %add3A_862 = arith.constant 5 : i32
      %add3A_863 = arith.addi %mul3A_861, %add3A_862 : i32
      %lt3A_864 = arith.constant 64 : i32
      %lt3A_865 = arith.cmpi slt, %add3A_859, %lt3A_864 : i32
      %convert_element_type3A_866 = arith.extui %lt3A_865 : i1 to i32
      %cond3A_867 = arith.constant 0 : i32
      %cond3A_868 = arith.cmpi ne, %convert_element_type3A_866, %cond3A_867 : i32
      scf.if %cond3A_868 {
        %mul3A_888 = arith.constant 64 : i32
        %mul3A_889 = arith.muli %arg1, %mul3A_888 : i32
        %add3A_890 = arith.constant 0 : i32
        %add3A_891 = arith.addi %mul3A_889, %add3A_890 : i32
        %mul3A_892 = arith.constant 512 : i32
        %mul3A_893 = arith.muli %add3A_891, %mul3A_892 : i32
        %mul3A_894 = arith.constant 256 : i32
        %mul3A_895 = arith.muli %arg0, %mul3A_894 : i32
        %add3A_896 = arith.addi %mul3A_893, %mul3A_895 : i32
        %add3A_897 = arith.constant 192 : i32
        %add3A_898 = arith.addi %add3A_896, %add3A_897 : i32
        %add3A_899 = arith.constant 0 : i32
        %add3A_900 = arith.addi %add3A_898, %add3A_899 : i32
        %dma_wait3A_901 = arith.constant 0 : i32
        %dma_wait3A_902 = tpu.memref_slice %arg5[%add3A_900, %dma_wait3A_901] : memref<524288x128xf32, #tpu.memory_space<hbm>> -> memref<64x128xf32, #tpu.memory_space<hbm>>
        %dma_wait3A_903 = arith.constant 0 : i32
        %dma_wait3A_904 = tpu.memref_slice %arg5[%add3A_900, %dma_wait3A_903] : memref<524288x128xf32, #tpu.memory_space<hbm>> -> memref<64x128xf32, #tpu.memory_space<hbm>>
        tpu.wait_dma2 semaphore(%arg24 : memref<!tpu.dma_semaphore, #tpu.memory_space<semaphore_mem>>) src(%arg16 : memref<64x128xf32, #tpu.memory_space<vmem>>) dst(%dma_wait3A_904 : memref<64x128xf32, #tpu.memory_space<hbm>>)
        %get3A_905 = arith.index_cast %add3A_863 : i32 to index
        %get3A_906 = arith.constant 64 : index
        %get3A_907 = tpu.vector_load %arg9[%get3A_905, %get3A_906] {strides = array<i32>} : memref<64x128xi32, #tpu.memory_space<vmem>>, vector<1x16xi32>,
        %get3A_908 = vector.shape_cast %get3A_907 : vector<1x16xi32> to vector<16xi32>
        %get3A_909 = arith.constant 0 : index
        %get3A_910 = tpu.vector_load %arg10[%get3A_909] {strides = array<i32>} : memref<64xi32, #tpu.memory_space<vmem>>, vector<16xi32>,
        %get3A_911 = vector.shape_cast %get3A_910 : vector<16xi32> to vector<16xi32>
        %add3A_912 = arith.addi %get3A_908, %get3A_911 : vector<16xi32>
        %swap3A_913 = arith.constant 0 : index
        %swap3A_914 = tpu.vector_load %arg12[%swap3A_913] {strides = array<i32>} : memref<64xi32, #tpu.memory_space<vmem>>, vector<16xi32>,
        %swap3A_915 = vector.shape_cast %swap3A_914 : vector<16xi32> to vector<16xi32>
        %swap3A_916 = vector.shape_cast %add3A_912 : vector<16xi32> to vector<16xi32>
        tpu.vector_store %arg12[%swap3A_913], %swap3A_916 {strides = array<i32>} : memref<64xi32, #tpu.memory_space<vmem>>, vector<16xi32>,
        %get3A_917 = arith.index_cast %add3A_863 : i32 to index
        %get3A_918 = arith.constant 80 : index
        %get3A_919 = tpu.vector_load %arg9[%get3A_917, %get3A_918] {strides = array<i32>} : memref<64x128xi32, #tpu.memory_space<vmem>>, vector<1x16xi32>,
        %get3A_920 = vector.shape_cast %get3A_919 : vector<1x16xi32> to vector<16xi32>
        %get3A_921 = arith.constant 16 : index
        %get3A_922 = tpu.vector_load %arg10[%get3A_921] {strides = array<i32>} : memref<64xi32, #tpu.memory_space<vmem>>, vector<16xi32>,
        %get3A_923 = vector.shape_cast %get3A_922 : vector<16xi32> to vector<16xi32>
        %add3A_924 = arith.addi %get3A_920, %get3A_923 : vector<16xi32>
        %swap3A_925 = arith.constant 16 : index
        %swap3A_926 = tpu.vector_load %arg12[%swap3A_925] {strides = array<i32>} : memref<64xi32, #tpu.memory_space<vmem>>, vector<16xi32>,
        %swap3A_927 = vector.shape_cast %swap3A_926 : vector<16xi32> to vector<16xi32>
        %swap3A_928 = vector.shape_cast %add3A_924 : vector<16xi32> to vector<16xi32>
        tpu.vector_store %arg12[%swap3A_925], %swap3A_928 {strides = array<i32>} : memref<64xi32, #tpu.memory_space<vmem>>, vector<16xi32>,
        %get3A_929 = arith.index_cast %add3A_863 : i32 to index
        %get3A_930 = arith.constant 96 : index
        %get3A_931 = tpu.vector_load %arg9[%get3A_929, %get3A_930] {strides = array<i32>} : memref<64x128xi32, #tpu.memory_space<vmem>>, vector<1x16xi32>,
        %get3A_932 = vector.shape_cast %get3A_931 : vector<1x16xi32> to vector<16xi32>
        %get3A_933 = arith.constant 32 : index
        %get3A_934 = tpu.vector_load %arg10[%get3A_933] {strides = array<i32>} : memref<64xi32, #tpu.memory_space<vmem>>, vector<16xi32>,
        %get3A_935 = vector.shape_cast %get3A_934 : vector<16xi32> to vector<16xi32>
        %add3A_936 = arith.addi %get3A_932, %get3A_935 : vector<16xi32>
        %swap3A_937 = arith.constant 32 : index
        %swap3A_938 = tpu.vector_load %arg12[%swap3A_937] {strides = array<i32>} : memref<64xi32, #tpu.memory_space<vmem>>, vector<16xi32>,
        %swap3A_939 = vector.shape_cast %swap3A_938 : vector<16xi32> to vector<16xi32>
        %swap3A_940 = vector.shape_cast %add3A_936 : vector<16xi32> to vector<16xi32>
        tpu.vector_store %arg12[%swap3A_937], %swap3A_940 {strides = array<i32>} : memref<64xi32, #tpu.memory_space<vmem>>, vector<16xi32>,
        %get3A_941 = arith.index_cast %add3A_863 : i32 to index
        %get3A_942 = arith.constant 112 : index
        %get3A_943 = tpu.vector_load %arg9[%get3A_941, %get3A_942] {strides = array<i32>} : memref<64x128xi32, #tpu.memory_space<vmem>>, vector<1x16xi32>,
        %get3A_944 = vector.shape_cast %get3A_943 : vector<1x16xi32> to vector<16xi32>
        %get3A_945 = arith.constant 48 : index
        %get3A_946 = tpu.vector_load %arg10[%get3A_945] {strides = array<i32>} : memref<64xi32, #tpu.memory_space<vmem>>, vector<16xi32>,
        %get3A_947 = vector.shape_cast %get3A_946 : vector<16xi32> to vector<16xi32>
        %add3A_948 = arith.addi %get3A_944, %get3A_947 : vector<16xi32>
        %swap3A_949 = arith.constant 48 : index
        %swap3A_950 = tpu.vector_load %arg12[%swap3A_949] {strides = array<i32>} : memref<64xi32, #tpu.memory_space<vmem>>, vector<16xi32>,
        %swap3A_951 = vector.shape_cast %swap3A_950 : vector<16xi32> to vector<16xi32>
        %swap3A_952 = vector.shape_cast %add3A_948 : vector<16xi32> to vector<16xi32>
        tpu.vector_store %arg12[%swap3A_949], %swap3A_952 {strides = array<i32>} : memref<64xi32, #tpu.memory_space<vmem>>, vector<16xi32>,
        %dma_start3A_953 = arith.constant 0 : i32
        %dma_start3A_954 = arith.constant 0 : i32
        %dma_start3A_955 = tpu.memref_slice %arg7[%dma_start3A_953, %dma_start3A_954] : memref<4096x128xf32, #tpu.memory_space<vmem_shared>> -> memref<4096x128xf32, #tpu.memory_space<vmem_shared>>
        tpu.enqueue_indirect_dma source(%dma_start3A_955 : memref<4096x128xf32, #tpu.memory_space<vmem_shared>>) target(%arg16 : memref<64x128xf32, #tpu.memory_space<vmem>>) offsets(%arg12 : memref<64xi32, #tpu.memory_space<vmem>>) semaphore(%arg20 : memref<!tpu.dma_semaphore, #tpu.memory_space<semaphore_mem>>)
      } else {
      }
      %dma_wait3A_869 = arith.constant 0 : i32
      %dma_wait3A_870 = arith.constant 0 : i32
      %dma_wait3A_871 = tpu.memref_slice %arg7[%dma_wait3A_869, %dma_wait3A_870] : memref<4096x128xf32, #tpu.memory_space<vmem_shared>> -> memref<4096x128xf32, #tpu.memory_space<vmem_shared>>
      tpu.wait_indirect_dma semaphore(%arg22 : memref<!tpu.dma_semaphore, #tpu.memory_space<semaphore_mem>>) src(%dma_wait3A_871 : memref<4096x128xf32, #tpu.memory_space<vmem_shared>>) dst(%arg18 : memref<64x128xf32, #tpu.memory_space<vmem>>)
      %mul3A_872 = arith.constant 64 : i32
      %mul3A_873 = arith.muli %arg1, %mul3A_872 : i32
      %add3A_874 = arith.addi %mul3A_873, %add3A_857 : i32
      %mul3A_875 = arith.constant 512 : i32
      %mul3A_876 = arith.muli %add3A_874, %mul3A_875 : i32
      %mul3A_877 = arith.constant 256 : i32
      %mul3A_878 = arith.muli %arg0, %mul3A_877 : i32
      %add3A_879 = arith.addi %mul3A_876, %mul3A_878 : i32
      %add3A_880 = arith.constant 192 : i32
      %add3A_881 = arith.addi %add3A_879, %add3A_880 : i32
      %add3A_882 = arith.constant 0 : i32
      %add3A_883 = arith.addi %add3A_881, %add3A_882 : i32
      %dma_start3A_884 = arith.constant 0 : i32
      %dma_start3A_885 = tpu.memref_slice %arg5[%add3A_883, %dma_start3A_884] : memref<524288x128xf32, #tpu.memory_space<hbm>> -> memref<64x128xf32, #tpu.memory_space<hbm>>
      %dma_start3A_886 = arith.constant 0 : i32
      %dma_start3A_887 = tpu.memref_slice %arg5[%add3A_883, %dma_start3A_886] : memref<524288x128xf32, #tpu.memory_space<hbm>> -> memref<64x128xf32, #tpu.memory_space<hbm>>
      tpu.enqueue_dma source(%arg18 : memref<64x128xf32, #tpu.memory_space<vmem>>) target(%dma_start3A_887 : memref<64x128xf32, #tpu.memory_space<hbm>>) target_semaphore(%arg26 : memref<!tpu.dma_semaphore, #tpu.memory_space<semaphore_mem>>)
    }
    %scan3A_713 = arith.constant 16 : i32
    %dma_wait3A_714 = arith.constant 0 : i32
    %dma_wait3A_715 = arith.constant 0 : i32
    %dma_wait3A_716 = tpu.memref_slice %arg5[%dma_wait3A_714, %dma_wait3A_715] : memref<524288x128xf32, #tpu.memory_space<hbm>> -> memref<64x128xf32, #tpu.memory_space<hbm>>
    %dma_wait3A_717 = arith.constant 0 : i32
    %dma_wait3A_718 = arith.constant 0 : i32
    %dma_wait3A_719 = tpu.memref_slice %arg5[%dma_wait3A_717, %dma_wait3A_718] : memref<524288x128xf32, #tpu.memory_space<hbm>> -> memref<64x128xf32, #tpu.memory_space<hbm>>
    tpu.wait_dma2 semaphore(%arg23 : memref<!tpu.dma_semaphore, #tpu.memory_space<semaphore_mem>>) src(%arg15 : memref<64x128xf32, #tpu.memory_space<vmem>>) dst(%dma_wait3A_719 : memref<64x128xf32, #tpu.memory_space<hbm>>)
    %dma_wait3A_720 = arith.constant 64 : i32
    %dma_wait3A_721 = arith.constant 0 : i32
    %dma_wait3A_722 = tpu.memref_slice %arg5[%dma_wait3A_720, %dma_wait3A_721] : memref<524288x128xf32, #tpu.memory_space<hbm>> -> memref<64x128xf32, #tpu.memory_space<hbm>>
    %dma_wait3A_723 = arith.constant 64 : i32
    %dma_wait3A_724 = arith.constant 0 : i32
    %dma_wait3A_725 = tpu.memref_slice %arg5[%dma_wait3A_723, %dma_wait3A_724] : memref<524288x128xf32, #tpu.memory_space<hbm>> -> memref<64x128xf32, #tpu.memory_space<hbm>>
    tpu.wait_dma2 semaphore(%arg24 : memref<!tpu.dma_semaphore, #tpu.memory_space<semaphore_mem>>) src(%arg16 : memref<64x128xf32, #tpu.memory_space<vmem>>) dst(%dma_wait3A_725 : memref<64x128xf32, #tpu.memory_space<hbm>>)
    %dma_wait3A_726 = arith.constant 128 : i32
    %dma_wait3A_727 = arith.constant 0 : i32
    %dma_wait3A_728 = tpu.memref_slice %arg5[%dma_wait3A_726, %dma_wait3A_727] : memref<524288x128xf32, #tpu.memory_space<hbm>> -> memref<64x128xf32, #tpu.memory_space<hbm>>
    %dma_wait3A_729 = arith.constant 128 : i32
    %dma_wait3A_730 = arith.constant 0 : i32
    %dma_wait3A_731 = tpu.memref_slice %arg5[%dma_wait3A_729, %dma_wait3A_730] : memref<524288x128xf32, #tpu.memory_space<hbm>> -> memref<64x128xf32, #tpu.memory_space<hbm>>
    tpu.wait_dma2 semaphore(%arg25 : memref<!tpu.dma_semaphore, #tpu.memory_space<semaphore_mem>>) src(%arg17 : memref<64x128xf32, #tpu.memory_space<vmem>>) dst(%dma_wait3A_731 : memref<64x128xf32, #tpu.memory_space<hbm>>)
    %dma_wait3A_732 = arith.constant 192 : i32
    %dma_wait3A_733 = arith.constant 0 : i32
    %dma_wait3A_734 = tpu.memref_slice %arg5[%dma_wait3A_732, %dma_wait3A_733] : memref<524288x128xf32, #tpu.memory_space<hbm>> -> memref<64x128xf32, #tpu.memory_space<hbm>>
    %dma_wait3A_735 = arith.constant 192 : i32
    %dma_wait3A_736 = arith.constant 0 : i32
    %dma_wait3A_737 = tpu.memref_slice %arg5[%dma_wait3A_735, %dma_wait3A_736] : memref<524288x128xf32, #tpu.memory_space<hbm>> -> memref<64x128xf32, #tpu.memory_space<hbm>>
    tpu.wait_dma2 semaphore(%arg26 : memref<!tpu.dma_semaphore, #tpu.memory_space<semaphore_mem>>) src(%arg18 : memref<64x128xf32, #tpu.memory_space<vmem>>) dst(%dma_wait3A_737 : memref<64x128xf32, #tpu.memory_space<hbm>>)
    return
  }
}

module attributes {stable_mosaic.version = 14 : i64} {
  func.func @_comb_body(%arg0: i32, %arg1: memref<64x768xf32, #tpu.memory_space<vmem>>, %arg2: memref<768x128xf32, #tpu.memory_space<vmem>>, %arg3: memref<128xf32, #tpu.memory_space<vmem>>, %arg4: memref<128x128xf32, #tpu.memory_space<vmem>>, %arg5: memref<128x64x128xf32, #tpu.memory_space<vmem>>, %arg6: memref<64x128xf32, #tpu.memory_space<vmem>>) attributes {dimension_semantics = [#tpu.dimension_semantics<arbitrary>], iteration_bounds = array<i64: 4>, scalar_prefetch = 0 : i64, scratch_operands = 1 : i64, tpu.core_type = #tpu.core_type<tc>, window_params = [{pipeline_mode = #tpu.pipeline_mode<synchronous>, transform_indices = @transform_0, window_bounds = array<i64: 64, 768>}, {pipeline_mode = #tpu.pipeline_mode<synchronous>, transform_indices = @transform_1, window_bounds = array<i64: 768, 128>}, {pipeline_mode = #tpu.pipeline_mode<synchronous>, transform_indices = @transform_2, window_bounds = array<i64: 128>}, {transform_indices = @transform_3, window_bounds = array<i64: 128, 128>}, {transform_indices = @transform_4, window_bounds = array<i64: 128, 64, 128>}]} {
    %eq3A = arith.constant 0 : i32
    %eq3A_0 = arith.cmpi eq, %arg0, %eq3A : i32
    %convert_element_type3A = arith.extui %eq3A_0 : i1 to i32
    %cond3A = arith.constant 0 : i32
    %cond3A_1 = arith.cmpi ne, %convert_element_type3A, %cond3A : i32
    scf.if %cond3A_1 {
      %get3A_13 = arith.constant 0 : index
      %get3A_14 = arith.constant 0 : index
      %get3A_15 = vector.load %arg1[%get3A_13, %get3A_14] : memref<64x768xf32, #tpu.memory_space<vmem>>, vector<64x768xf32>
      %get3A_16 = arith.constant 0 : index
      %get3A_17 = arith.constant 0 : index
      %get3A_18 = vector.load %arg2[%get3A_16, %get3A_17] : memref<768x128xf32, #tpu.memory_space<vmem>>, vector<768x128xf32>
      %dot_general3A = arith.constant dense<0.000000e+00> : vector<64x128xf32>
      %dot_general3A_19 = tpu.matmul %get3A_15, %get3A_18, %dot_general3A {dimension_numbers = #tpu.dot_dimension_numbers<[1], [0], [0], [1], [0, 0, 1, 1], [], []>, precision = #tpu.contract_precision<fp32>, transpose_lhs_hint = false} : vector<64x768xf32>, vector<768x128xf32>, vector<64x128xf32> -> vector<64x128xf32>
      %get3A_20 = arith.constant 0 : index
      %get3A_21 = vector.load %arg3[%get3A_20] : memref<128xf32, #tpu.memory_space<vmem>>, vector<128xf32>
      %broadcast_in_dim3A_22 = vector.shape_cast %get3A_21 : vector<128xf32> to vector<1x128xf32>
      %add3A_23 = vector.broadcast %broadcast_in_dim3A_22 : vector<1x128xf32> to vector<64x128xf32>
      %add3A_24 = arith.addf %dot_general3A_19, %add3A_23 : vector<64x128xf32>
      %swap3A_25 = arith.constant 0 : index
      %swap3A_26 = arith.constant 0 : index
      %swap3A_27 = vector.load %arg6[%swap3A_25, %swap3A_26] : memref<64x128xf32, #tpu.memory_space<vmem>>, vector<64x128xf32>
      tpu.vector_store %arg6[%swap3A_25, %swap3A_26], %add3A_24 {strides = array<i32>} : memref<64x128xf32, #tpu.memory_space<vmem>>, vector<64x128xf32>,
    } else {
    }
    %get3A = arith.constant 0 : index
    %get3A_2 = arith.constant 0 : index
    %get3A_3 = vector.load %arg6[%get3A, %get3A_2] : memref<64x128xf32, #tpu.memory_space<vmem>>, vector<64x128xf32>
    %broadcast_in_dim3A = vector.shape_cast %get3A_3 : vector<64x128xf32> to vector<1x64x128xf32>
    %get3A_4 = arith.constant 0 : index
    %get3A_5 = arith.constant 0 : index
    %get3A_6 = vector.load %arg4[%get3A_4, %get3A_5] : memref<128x128xf32, #tpu.memory_space<vmem>>, vector<128x128xf32>
    %broadcast_in_dim3A_7 = vector.shape_cast %get3A_6 : vector<128x128xf32> to vector<128x1x128xf32>
    %add3A = vector.broadcast %broadcast_in_dim3A : vector<1x64x128xf32> to vector<128x64x128xf32>
    %add3A_8 = vector.broadcast %broadcast_in_dim3A_7 : vector<128x1x128xf32> to vector<128x64x128xf32>
    %add3A_9 = arith.addf %add3A, %add3A_8 : vector<128x64x128xf32>
    %swap3A = arith.constant 0 : index
    %swap3A_10 = arith.constant 0 : index
    %swap3A_11 = arith.constant 0 : index
    %swap3A_12 = vector.load %arg5[%swap3A, %swap3A_10, %swap3A_11] : memref<128x64x128xf32, #tpu.memory_space<vmem>>, vector<128x64x128xf32>
    tpu.vector_store %arg5[%swap3A, %swap3A_10, %swap3A_11], %add3A_9 {strides = array<i32>} : memref<128x64x128xf32, #tpu.memory_space<vmem>>, vector<128x64x128xf32>,
    return
  }
  func.func @transform_0(%arg0: i32) -> (i32, i32) {
    %c0_i32 = arith.constant 0 : i32
    %c0_i32_0 = arith.constant 0 : i32
    %c0_i32_1 = arith.constant 0 : i32
    return %c0_i32, %c0_i32_0 : i32, i32
  }
  func.func @transform_1(%arg0: i32) -> (i32, i32) {
    %c0_i32 = arith.constant 0 : i32
    %c0_i32_0 = arith.constant 0 : i32
    %c0_i32_1 = arith.constant 0 : i32
    return %c0_i32, %c0_i32_0 : i32, i32
  }
  func.func @transform_2(%arg0: i32) -> i32 {
    %c0_i32 = arith.constant 0 : i32
    %c0_i32_0 = arith.constant 0 : i32
    return %c0_i32 : i32
  }
  func.func @transform_3(%arg0: i32) -> (i32, i32) {
    %c0_i32 = arith.constant 0 : i32
    %c0_i32_0 = arith.constant 0 : i32
    return %arg0, %c0_i32 : i32, i32
  }
  func.func @transform_4(%arg0: i32) -> (i32, i32, i32) {
    %c0_i32 = arith.constant 0 : i32
    %c0_i32_0 = arith.constant 0 : i32
    %c0_i32_1 = arith.constant 0 : i32
    return %arg0, %c0_i32, %c0_i32_0 : i32, i32, i32
  }
}

</mosaic_0001>

<sc_bundles>
// kernel: kernel.4.cloned.1.call-start
scs
__scs_entry_jumppad:
0x0: {  	(pc) =	sbr.rel $0x88, $3  }
0x1: {  	(tag) =	ssettag $0x0;
	lr =	simm.s32 $0x1  }
0x2: {  	[smem:$0x3F9D] =	sst lr;
	_ =	strace $0xD0000000  }
0x3: {  	_ = 	snop  }
0x4: {  	_ = 	snop  }
0x5: {  	_ = 	snop  }
0x6: {  	_ = 	snop  }
0x7: {  	_ = 	snop  }
__scs_overlays_trampoline_lowered:
0x8: {  	[smem:$0x3FAC] =	sst s0  }
0x9: {  	[smem:$0x3FAD] =	sst s1  }
0xa: {  	[smem:$0x3FAE] =	sst s2  }
0xb: {  	[smem:$0x3FAF] =	sst s3  }
0xc: {  	[smem:$0x3FB0] =	sst s4  }
0xd: {  	[smem:$0x3FB1] =	sst s5  }
0xe: {  	[smem:$0x3FB2] =	sst s6  }
0xf: {  	[smem:$0x3FB3] =	sst s7  }
0x10: {  	[smem:$0x3FB4] =	sst s8  }
0x11: {  	[smem:$0x3FB5] =	sst s9;
	s0 =	simm.s32 @!p0 $0x0  }
0x12: {  	s1 =	sld [smem:$0x3F9B];
	s0 =	simm.s32 @p0 $0x1  }
0x13: {  	[smem:$0x3FB6] =	sst s0;
	s0 =	simm.s32 @!p1 $0x0  }
0x14: {  	s2 =	sld [smem:$0x3F9A];
	s0 =	simm.s32 @p1 $0x1  }
0x15: {  	[smem:$0x3FB7] =	sst s0;
	s0 =	simm.s32 @!p2 $0x0  }
0x16: {  	s3 =	sld [smem:$0x3FDB];
	s0 =	simm.s32 @p2 $0x1  }
0x17: {  	s4 =	simm.s32 $0x1BF5;
	[smem:$0x3FB9] =	sst s0  }
0x18: {  	s0 =	sld [smem:$0x3F9C];
	_ =	swait.ge [sflag:s4], $0x0  }
0x19: {  	s7 =	sld [smem:$0x3F9D]  }
0x1a: {  	s8 =	sadd.s32 $0xFFFFE003, lr  }
0x1b: {  	s9 =	sadd.s32 $0xFFFFFEF7, lr;
	s5 =	simm.s32 $0xFFFFFFFF;
	p2 =	slt.u32 s8, $0xFFFFF086  }
0x1c: {  	p1 =	slt.u32 s9, $0xF7A;
	s5 =	simm.s32 @!p2 $0x0  }
0x1d: {  	s5 =	simm.s32 @p1 $0x1;
	p0 =	seq.s32 s7, s2  }
0x1e: {  	s7 =	smul.u32 @!p0 $0xF7A, s2;
	p2 =	seq.s32 @!p0 s5, $0x0  }
0x1f: {  	s9 =	smul.u32 $0xF7A, s1;
	s8 =	simm.s32 @!p0 $0x1BF5;
	p2 =	por !p2, p0  }
0x20: {  	[sflag:s8] =	ssyncset.s32 @!p0 $0xFFFFF086;
	s6 =	sadd.s32 @!p0 s3, s7;
	s7 =	simm.s32 @!p0 $0x108  }
0x21: {  	s3 =	sadd.s32 s3, s9;
	s6 =	sadd.s32 @!p0 $0x88, s6;
	s7 =	simm.s32 @p2 $0x1082  }
0x22: {  	[simem:s7], [sflag:s8] =	dma.local @!p0 [hbm:s6], $0xF7A  }
0x23: {  	s9 =	sor.u32 $0xD0000000, s2;
	s6 =	simm.s32 $0x108;
	_ =	swait.ge @!p0 [sflag:s8], $0x0  }
0x24: {  	s3 =	sadd.s32 $0x88, s3;
	s6 =	simm.s32 @!p1 $0x1082;
	[sflag:s4] =	ssyncset.s32 $0xFFFFF086  }
0x25: {  	[simem:s6], [sflag:s4] =	dma.local [hbm:s3], $0xF7A  }
0x26: {  	[smem:$0x3F9D] =	sst s1;
	(tag) =	ssettag s2;
	_ =	strace s9  }
0x27: {  	s1 =	sld [smem:$0x3FAD]  }
0x28: {  	s2 =	sld [smem:$0x3FAE]  }
0x29: {  	s4 =	sld [smem:$0x3FB0]  }
0x2a: {  	p0 =	seq.s32 s5, $0x0;
	s5 =	sld [smem:$0x3FB1]  }
0x2b: {  	s6 =	sld [smem:$0x3FB2]  }
0x2c: {  	s7 =	sld [smem:$0x3FB3]  }
0x2d: {  	s3 =	simm.s32 $0x108;
	s8 =	sld [smem:$0x3FB4]  }
0x2e: {  	s3 =	simm.s32 @!p0 $0x1082;
	s9 =	sld [smem:$0x3FB5]  }
0x2f: {  	lr =	sadd.s32 s0, s3;
	s0 =	sld [smem:$0x3FAC]  }
0x30: {  	s3 =	sld [smem:$0x3FAF]  }
0x31: {  	[smem:$0x3FB8] =	sst s10  }
0x32: {  	s10 =	sld [smem:$0x3FB6];
	_ =	sdelay $0x3  }
0x33: {  	p0 =	seq.s32 s10, $0x1;
	s10 =	sld [smem:$0x3FB8];
	_ =	sdelay $0x3  }
0x34: {  	[smem:$0x3FB8] =	sst s10  }
0x35: {  	s10 =	sld [smem:$0x3FB7];
	_ =	sdelay $0x3  }
0x36: {  	p1 =	seq.s32 s10, $0x1;
	s10 =	sld [smem:$0x3FB8];
	_ =	sdelay $0x3  }
0x37: {  	[smem:$0x3FB8] =	sst s10  }
0x38: {  	s10 =	sld [smem:$0x3FB9]  }
0x39: {  	_ = 	snop;
	(pc) =	sbr.ind lr, $3  }
0x3a: {  	_ = 	snop  }
0x3b: {  	_ = 	snop  }
0x3c: {  	p2 =	seq.s32 s10, $0x1;
	s10 =	sld [smem:$0x3FB8]  }
0x3d: {  	_ =	shalt  }
0x3e: {  	_ =	shalt  }
0x3f: {  	_ =	shalt  }
0x40: {  	_ =	shalt  }
0x41: {  	_ =	shalt  }
0x42: {  	_ =	shalt  }
0x43: {  	_ =	shalt  }
0x44: {  	_ =	shalt  }
0x45: {  	_ =	shalt  }
0x46: {  	_ =	shalt  }
0x47: {  	_ =	shalt  }
0x48: {  	_ =	shalt  }
0x49: {  	_ =	shalt  }
0x4a: {  	_ =	shalt  }
0x4b: {  	_ =	shalt  }
0x4c: {  	_ =	shalt  }
0x4d: {  	_ =	shalt  }
0x4e: {  	_ =	shalt  }
0x4f: {  	_ =	shalt  }
0x50: {  	_ =	shalt  }
0x51: {  	_ =	shalt  }
0x52: {  	_ =	shalt  }
0x53: {  	_ =	shalt  }
0x54: {  	_ =	shalt  }
0x55: {  	_ =	shalt  }
0x56: {  	_ =	shalt  }
0x57: {  	_ =	shalt  }
0x58: {  	_ =	shalt  }
0x59: {  	_ =	shalt  }
0x5a: {  	_ =	shalt  }
0x5b: {  	_ =	shalt  }
0x5c: {  	_ =	shalt  }
0x5d: {  	_ =	shalt  }
0x5e: {  	_ =	shalt  }
0x5f: {  	_ =	shalt  }
0x60: {  	_ =	shalt  }
0x61: {  	_ =	shalt  }
0x62: {  	_ =	shalt  }
0x63: {  	_ =	shalt  }
0x64: {  	_ =	shalt  }
0x65: {  	_ =	shalt  }
0x66: {  	_ =	shalt  }
0x67: {  	_ =	shalt  }
0x68: {  	_ =	shalt  }
0x69: {  	_ =	shalt  }
0x6a: {  	_ =	shalt  }
0x6b: {  	_ =	shalt  }
0x6c: {  	_ =	shalt  }
0x6d: {  	_ =	shalt  }
0x6e: {  	_ =	shalt  }
0x6f: {  	_ =	shalt  }
0x70: {  	_ =	shalt  }
0x71: {  	_ =	shalt  }
0x72: {  	_ =	shalt  }
0x73: {  	_ =	shalt  }
0x74: {  	_ =	shalt  }
0x75: {  	_ =	shalt  }
0x76: {  	_ =	shalt  }
0x77: {  	_ =	shalt  }
0x78: {  	_ =	shalt  }
0x79: {  	_ =	shalt  }
0x7a: {  	_ =	shalt  }
0x7b: {  	_ =	shalt  }
0x7c: {  	_ =	shalt  }
0x7d: {  	_ =	shalt  }
0x7e: {  	_ =	shalt  }
0x7f: {  	_ =	shalt  }
0x80: {  	_ =	shalt  }
0x81: {  	_ =	shalt  }
0x82: {  	_ =	shalt  }
0x83: {  	_ =	shalt  }
0x84: {  	_ =	shalt  }
0x85: {  	_ =	shalt  }
0x86: {  	_ =	shalt  }
0x87: {  	_ =	shalt  }
.Lfunc_end0:
.L_simem_size_0:
called_computation_lowered:
.L_overlay_start_0:
0x88: {  	s2 =	sld [smem:$0x3FD9]  }
0x89: {  	s3 =	sld [smem:$0x3FFE];
	_ =	sdelay $0x1  }
0x8a: {  	s1 =	srdreg.scid  }
0x8b: {  	s0 =	sand.u32 $0x1, s1  }
0x8c: {  	s17 =	sshll.u32 s0, $0xA;
	s2 =	sadd.s32 s3, s2  }
0x8d: {  	s2 =	sadd.s32 s2, s17  }
0x8e: {  	[smem:$0x3FC4] =	sst s2  }
0x8f: {  	_ = 	snop  }
0x90: {  	s2 =	sld [smem:$0x3FC9]  }
0x91: {  	s18 =	sld [smem:$0x3FD0];
	(tm) =	ssettm $0x1  }
0x92: {  	s4 =	sld [smem:$0x3FFB];
	_ =	sdelay $0x3  }
0x93: {  	_ =	strace s4  }
0x94: {  	s4 =	sld [smem:$0x3FFC];
	_ =	sdelay $0x3  }
0x95: {  	_ =	strace s4  }
0x96: {  	s4 =	sld [smem:$0x3FFD];
	_ =	sdelay $0x3  }
0x97: {  	_ =	strace s4  }
0x98: {  	_ =	strace $0x8FFFFFFF  }
0x99: {  	s19 =	sld [smem:$0x3FDB];
	_ =	sdelay $0x1  }
0x9a: {  	s5 =	simm.s32 $_scs_section_size  }
0x9b: {  	s6 =	simm.s32 $_size__tile_overlayer_lowered;
	s7 =	simm.s32 $_tile_overlayer_lowered  }
0x9c: {  	s22 =	simm.s32 $0x1BFF;
	s21 =	sshll.u32 s7, $0x1;
	s4 =	sadd.s32 s5, s19  }
0x9d: {  	s8 =	simm.s32 $0x0;
	s20 =	sshll.u32 s6, $0x1;
	s6 =	sadd.s32 s21, s4  }
0x9e: {  	[timem:s8], [sflag:s22] =	dma.local [hbm:s6], s20  }
0x9f: {  	_ =	swait.ge [sflag:s22], s20  }
0xa0: {  	s5 =	ssub.s32 $0x0, s20;
	[sflag:s22] =	ssyncset.done $0x0  }
0xa1: {  	[sflag:s22] =	ssyncadd.s32 s5;
	_ =	sdelay $0x1  }
0xa2: {  	s23 =	simm.s32 $0x1B8B  }
0xa3: {  	_ =	swait.ge [sflag:s23], $0x1  }
0xa4: {  	[sflag:s23] =	ssyncset.done $0x0  }
0xa5: {  	s25 =	simm.s32 $0x1B8E;
	s24 =	sld [smem:$0x3FFE];
	[sflag:s23] =	ssyncadd.s32 $0xFFFFFFFF  }
0xa6: {  	s26 =	simm.s32 $execute0_lowered;
	[smem:$0x3FD2] =	sst s25  }
0xa7: {  	s6 =	sshll.u32 s26, $0x1;
	_ =	strace $0x80000046;
	[dreg:$0x1] =	wrdreg $0xFFFFFFFF  }
0xa8: {  	s28 =	simm.s32 $_size_execute0_lowered;
	s4 =	sadd.s32 s4, s6;
	[dreg:$0x0] =	wrdreg $0x0  }
0xa9: {  	s6 =	sshll.u32 s28, $0x1;
	[dreg:$0x2] =	wrdreg s4  }
0xaa: {  	[dreg:$0x3] =	wrdreg s6  }
0xab: {  	[dreg:$0x4] =	wrdreg $0xC0  }
0xac: {  	_ =	task [dreg:s8], $0x5FFFF  }
0xad: {  	[dreg:$0x1] =	wrdreg $0xFFFFFFFF  }
0xae: {  	[dreg:$0x0] =	wrdreg $0x60  }
0xaf: {  	[dreg:$0x2] =	wrdreg s24  }
0xb0: {  	[dreg:$0x3] =	wrdreg s2  }
0xb1: {  	[dreg:$0x4] =	wrdreg s18  }
0xb2: {  	[dreg:$0x5] =	wrdreg $0x0  }
0xb3: {  	[dreg:$0x6] =	wrdreg $0x80000  }
0xb4: {  	[dreg:$0x7] =	wrdreg $0x9  }
0xb5: {  	_ =	task.clear_ibuf [dreg:s8], $0x8FFFF;
	_ =	strace $0x90000046  }
0xb6: {  	s29 =	simm.s32 $0x9;
	_ =	strace $0x80000048  }
0xb7: {  	_ =	swait.ge [sflag:s29], $0x1  }
0xb8: {  	[sflag:s29] =	ssyncadd.s32 $0xFFFFFFFF  }
0xb9: {  	_ =	strace $0x90000048  }
0xba: {  	_ =	sfence  }
0xbb: {  	s30 =	sld [smem:$0x0];
	_ =	sdelay $0x2  }
0xbc: {  	s31 =	sshll.u32 s1, $0xD;
	s1 =	sshrl.u32 s1, $0x2  }
0xbd: {  	s3 =	sand.u32 $0x4000, s31;
	s1 =	sadd.s32 s1, s30  }
0xbe: {  	s0 =	sor.u32 s3, s0;
	s1 =	sshll.u32 s1, $0x11  }
0xbf: {  	s0 =	sor.u32 s1, s0  }
0xc0: {  	s0 =	sadd.s32 $0x8F2B, s0  }
0xc1: {  	[sflag:s0] =	ssyncadd.remote.s32 $0x1  }
0xc2: {  	_ =	sfence.sel $0xFFFF  }
0xc3: {  	[dreg:$0x0] =	wrdreg $0xFFFFFFFF;
	(pc) =	sbr.abs _section_cstart, $3  }
0xc4: {  	[dreg:$0x1] =	wrdreg $0xFFFFFFFF  }
0xc5: {  	_ =	task.clear_ibuf [dreg:s8], $0x2FFFF;
	_ =	strace $0x9FFFFFFF  }
0xc6: {  	(tm) =	ssettm $0x7FFFFFFF  }
0xc7: {  	_ =	shalt  }
tec
execute0_lowered:
.L_overlay_start_1:
0x0: {  	(tag) =	ssettag $0x1  }
0x1: {  	s0 =	rddreg [dreg:$0x0]  }
0x2: {  	s4 =	rddreg [dreg:$0x1]  }
0x3: {  	s5 =	rddreg [dreg:$0x2]  }
0x4: {  	s1 =	rddreg [dreg:$0x3]  }
0x5: {  	s2 =	rddreg [dreg:$0x4];
	s3 =	simm.s32 $0x0  }
0x6: {  	s6 =	srdreg.scid;
	s12 =	stileid.u32;
	s28 =	simm.s32 $0x14080  }
0x7: {  	s29 =	simm.s32 $0x14280;
	s31 =	simm.s32 $0x16280;
	[smem:$0x7FF] =	sst s3  }
0x8: {  	s6 =	sand.u32 $0x1, s6;
	s7 =	sadd.s32 $0x1000, s0;
	s0 =	sadd.s32 $0xE00, s0  }
0x9: {  	s26 =	sshll.u32 s12, $0xF;
	s10 =	sshll.u32 s12, $0xC;
	s18 =	sshll.u32 s12, $0x13  }
0xa: {  	_ =	strace $0x80000047;
	s8 =	ssub.s32 $0x2, s6;
	[dreg:$0xa] =	wrdreg s0  }
0xb: {  	s9 =	sshll.u32 s6, $0x15;
	s11 =	sshll.u32 s6, $0xB;
	s13 =	sadd.s32 s26, s1  }
0xc: {  	s14 =	sshll.u32 s6, $0xC;
	s16 =	sshll.u32 s6, $0x12;
	s25 =	sshrl.u32 s8, $0x1  }
0xd: {  	s9 =	sor.u32 s26, s9;
	[dreg:$0xb] =	wrdreg s13;
	s11 =	sor.u32 s11, s26  }
0xe: {  	s17 =	sadd.s32 s5, s14;
	s13 =	simm.s32 $0x0;
	s0 =	ssub.s32 s8, s25  }
0xf: {  	s9 =	sshrl.u32 s9, $0x3;
	s11 =	sshrl.u32 s11, $0x3;
	s6 =	sadd.s32 s18, s17  }
0x10: {  	s8 =	sadd.s32 s26, s2;
	s26 =	sadd.s32 s18, s5;
	s5 =	simm.s32 $0x2  }
0x11: {  	s9 =	sadd.s32 s7, s9;
	s15 =	sadd.s32 s4, s11;
	[dreg:$0x10] =	wrdreg s8  }
0x12: {  	s4 =	sor.u32 s10, s16;
	s20 =	sadd.s32 $0x7C000, s6;
	[dreg:$0xc] =	wrdreg s9  }
0x13: {  	s22 =	sadd.s32 $0x7C400, s6;
	s24 =	sadd.s32 $0x7C800, s6;
	[dreg:$0xe] =	wrdreg s15  }
0x14: {  	s25 =	sadd.s32 $0x7CC00, s6;
	s0 =	smax.u32 s0, $0x1;
	[dreg:$0x6] =	wrdreg s20  }
0x15: {  	s17 =	sadd.s32 s14, s26;
	s26 =	simm.s32 $0x40;
	[dreg:$0x7] =	wrdreg s22  }
0x16: {  	s6 =	simm.s32 $0x4;
	s11 =	simm.s32 $0x7;
	[dreg:$0x8] =	wrdreg s24  }
0x17: {  	s9 =	sshll.u32 s12, $0x6;
	s19 =	sadd.s32 $0x80, s15;
	[dreg:$0x14] =	wrdreg s0  }
0x18: {  	s4 =	sadd.s32 s4, s7;
	[dreg:$0x9] =	wrdreg s25;
	s25 =	simm.s32 $0x9  }
0x19: {  	s0 =	simm.s32 $0x14180;
	s20 =	simm.s32 $0x1;
	[dreg:$0xd] =	wrdreg s9  }
0x1a: {  	s22 =	simm.s32 $0x1A280;
	[dreg:$0xf] =	wrdreg s19;
	s21 =	sadd.s32 $0x10000, s4  }
0x1b: {  	s12 =	simm.s32 $0x8;
	s23 =	sadd.s32 $0x20000, s4;
	[dreg:$0x11] =	wrdreg s21  }
0x1c: {  	s30 =	sor.u32 $0x1C09, s9;
	s4 =	sadd.s32 $0x30000, s4;
	[dreg:$0x12] =	wrdreg s23  }
0x1d: {  	[dreg:$0x13] =	wrdreg s4;
	s4 =	simm.s32 $0x18280;
	s21 =	simm.s32 $0x14200  }
.LBB2_1:
0x1e: {  	s7 =	rddreg [dreg:$0xb]  }
0x1f: {  	s18 =	rddreg [dreg:$0xc];
	s8 =	simm.s32 $0x400;
	s16 =	sshrl.u32 s7, $0x3  }
0x20: {  	[spmem:s16], [sflag:s30] =	dma.local [hbm:s18], $0x1000  }
0x21: {  	s9 =	simm.s32 $0x1000;
	s10 =	simm.s32 $0x10000;
	s7 =	rddreg [dreg:$0xe]  }
0x22: {  	[tilespmem:s10], [sflag:$0xB] =	stream.strided.gather [hbm4b:s7+s8], $0x2000, s9, s8, $0x38;
	[tilespmem:$0x1C280] =	vst v63  }
0x23: {  	s24 =	simm.s32 $0x12000;
	s23 =	rddreg [dreg:$0xf]  }
0x24: {  	[tilespmem:s24], [sflag:$0xB] =	stream.strided.gather [hbm4b:s23+s8], $0x2000, s9, s8, $0x38;
	[tilespmem:$0x1C280] =	vst v63  }
0x25: {  	s14 =	simm.s32 $0xC;
	s10 =	simm.s32 $0x14000;
	s9 =	rddreg [dreg:$0xa]  }
0x26: {  	[tilespmem:s10], [sflag:$0xC] =	stream.linear.gather [hbm4b:s9+s3], $0x80, $0x38;
	[tilespmem:$0x1C280] =	vst v63  }
0x27: {  	_ =	swait.ge [sflag:s14], $0x80  }
0x28: {  	[sflag:s14] =	ssyncset.done $0x0  }
0x29: {  	s15 =	simm.s32 $0xB;
	[sflag:s14] =	ssyncadd.s32 $0xFFFFFF80  }
0x2a: {  	_ =	swait.ge [sflag:s15], $0x2000  }
0x2b: {  	[sflag:s15] =	ssyncset.done $0x0  }
0x2c: {  	[sflag:s15] =	ssyncadd.s32 $0xFFFFE000  }
0x2d: {  	_ =	swait.ge [sflag:s15], $0x2000  }
0x2e: {  	[sflag:s15] =	ssyncset.done $0x0  }
0x2f: {  	[sflag:s15] =	ssyncadd.s32 $0xFFFFE000  }
0x30: {  	_ =	swait.ge [sflag:s25], $0x1000  }
0x31: {  	[sflag:s25] =	ssyncset.done $0x0  }
0x32: {  	[sflag:s25] =	ssyncadd.s32 $0xFFFFF000  }
0x33: {  	[bflag:$0x0] =	sbarrier.arrive $0xFFFF  }
0x34: {  	s18 =	rddreg [dreg:$0xd]  }
0x35: {  	s23 =	rddreg [dreg:$0x10]  }
0x36: {  	s24 =	rddreg [dreg:$0x11];
	s14 =	sor.u32 $0x1C0A, s18;
	s15 =	sshrl.u32 s23, $0x3  }
0x37: {  	[spmem:s15], [sflag:s14] =	dma.local [hbm:s24], $0x1000  }
0x38: {  	v0 =	vld [tilespmem:$0x10000]  }
0x39: {  	v1 =	vld [tilespmem:$0x14000]  }
0x3a: {  	v2 =	vld [tilespmem:$0x10010]  }
0x3b: {  	v3 =	vld [tilespmem:$0x14010]  }
0x3c: {  	v4 =	vld [tilespmem:$0x10020]  }
0x3d: {  	v5 =	vld [tilespmem:$0x14020]  }
0x3e: {  	v6 =	vld [tilespmem:$0x10030]  }
0x3f: {  	v7 =	vld [tilespmem:$0x14030];
	_ =	sdelay $0x1  }
0x40: {  	v0 =	vadd.s32 v0, v1  }
0x41: {  	[tilespmem:$0x14080] =	vst v0;
	v0 =	vadd.s32 v2, v3  }
0x42: {  	[tilespmem:$0x14090] =	vst v0;
	v0 =	vadd.s32 v4, v5  }
0x43: {  	[tilespmem:$0x140A0] =	vst v0;
	v0 =	vadd.s32 v6, v7  }
0x44: {  	[tilespmem:$0x140B0] =	vst v0  }
0x45: {  	[tilespmem:s29], [sflag:$0x1] =	stream.indirect.gather [spmem:s1], $0x80, s28, s26, $0xb8;
	[tilespmem:$0x1C280] =	vst v63  }
0x46: {  	v0 =	vld [tilespmem:$0x10080]  }
0x47: {  	v1 =	vld [tilespmem:$0x14000]  }
0x48: {  	v2 =	vld [tilespmem:$0x10090]  }
0x49: {  	v3 =	vld [tilespmem:$0x14010]  }
0x4a: {  	v60 =	vld [tilespmem:$0x100A0]  }
0x4b: {  	v61 =	vld [tilespmem:$0x14020]  }
0x4c: {  	v62 =	vld [tilespmem:$0x100B0]  }
0x4d: {  	v63 =	vld [tilespmem:$0x14030];
	_ =	sdelay $0x1  }
0x4e: {  	v0 =	vadd.s32 v0, v1  }
0x4f: {  	[tilespmem:$0x14100] =	vst v0;
	v0 =	vadd.s32 v2, v3  }
0x50: {  	[tilespmem:$0x14110] =	vst v0;
	v0 =	vadd.s32 v60, v61  }
0x51: {  	p0 =	por $0x1, $0x1;
	[tilespmem:$0x14120] =	vst v0;
	v0 =	vadd.s32 v62, v63  }
0x52: {  	s9 =	simm.s32 @!p0 $0x7;
	s25 =	simm.s32 $0x14100;
	[tilespmem:$0x14130] =	vst v0  }
0x53: {  	[tilespmem:s31], [sflag:$0x2] =	stream.indirect.gather [spmem:s1], $0x80, s25, s26, $0xb8;
	[tilespmem:$0x1C280] =	vst v63  }
0x54: {  	_ =	swait.ge @!p0 [sflag:s9], $0x2000  }
0x55: {  	[sflag:s9] =	ssyncset.done @!p0 $0x0  }
0x56: {  	s8 =	simm.s32 $0x10180;
	[sflag:s9] =	ssyncadd.s32 @!p0 $0xFFFFE000  }
0x57: {  	v0 =	vld [tilespmem:s8+$0xFFFFFF80]  }
0x58: {  	v1 =	vld [tilespmem:$0x14000];
	_ =	sdelay $0x4  }
0x59: {  	v0 =	vadd.s32 v0, v1  }
0x5a: {  	v1 =	vld [tilespmem:$0x14010];
	[tilespmem:$0x14180] =	vst v0  }
0x5b: {  	v0 =	vld [tilespmem:s8+$0xFFFFFF90];
	_ =	sdelay $0x4  }
0x5c: {  	v0 =	vadd.s32 v0, v1  }
0x5d: {  	v1 =	vld [tilespmem:$0x14020];
	[tilespmem:$0x14190] =	vst v0  }
0x5e: {  	v0 =	vld [tilespmem:s8+$0xFFFFFFA0];
	_ =	sdelay $0x4  }
0x5f: {  	v0 =	vadd.s32 v0, v1  }
0x60: {  	v1 =	vld [tilespmem:$0x14030];
	[tilespmem:$0x141A0] =	vst v0  }
0x61: {  	v0 =	vld [tilespmem:s8+$0xFFFFFFB0];
	_ =	sdelay $0x4  }
0x62: {  	v0 =	vadd.s32 v0, v1  }
0x63: {  	[tilespmem:$0x141B0] =	vst v0  }
0x64: {  	[tilespmem:s4], [sflag:$0x3] =	stream.indirect.gather [spmem:s1], $0x80, s0, s26, $0xb8;
	[tilespmem:$0x1C280] =	vst v63  }
0x65: {  	_ =	swait.ge [sflag:s20], $0x2000  }
0x66: {  	[sflag:s20] =	ssyncset.done $0x0  }
0x67: {  	s10 =	sadd.s32 $0x0, s17;
	s9 =	simm.s32 @!p0 $0x8;
	[sflag:s20] =	ssyncadd.s32 $0xFFFFE000  }
0x68: {  	[hbm4b:s10+s3] =	stream.linear.scatter [tilespmem:s29], [sflag:$0x5], $0x2000, $0x38;
	[tilespmem:$0x1C280] =	vst v63  }
0x69: {  	_ =	swait.ge @!p0 [sflag:s9], $0x2000  }
0x6a: {  	[sflag:s9] =	ssyncset.done @!p0 $0x0  }
0x6b: {  	[sflag:s9] =	ssyncadd.s32 @!p0 $0xFFFFE000  }
0x6c: {  	v0 =	vld [tilespmem:s8+$0x0]  }
0x6d: {  	v1 =	vld [tilespmem:$0x14000];
	_ =	sdelay $0x4  }
0x6e: {  	v0 =	vadd.s32 v0, v1  }
0x6f: {  	[tilespmem:$0x14200] =	vst v0;
	v0 =	vld [tilespmem:$0x14010]  }
0x70: {  	v1 =	vld [tilespmem:s8+$0x10];
	_ =	sdelay $0x4  }
0x71: {  	v0 =	vadd.s32 v1, v0  }
0x72: {  	[tilespmem:$0x14210] =	vst v0;
	v0 =	vld [tilespmem:$0x14020]  }
0x73: {  	v1 =	vld [tilespmem:s8+$0x20];
	_ =	sdelay $0x4  }
0x74: {  	v0 =	vadd.s32 v1, v0  }
0x75: {  	[tilespmem:$0x14220] =	vst v0;
	v0 =	vld [tilespmem:$0x14030]  }
0x76: {  	v1 =	vld [tilespmem:s8+$0x30];
	_ =	sdelay $0x4  }
0x77: {  	v0 =	vadd.s32 v1, v0  }
0x78: {  	[tilespmem:$0x14230] =	vst v0  }
0x79: {  	[tilespmem:s22], [sflag:$0x4] =	stream.indirect.gather [spmem:s1], $0x80, s21, s26, $0xb8;
	[tilespmem:$0x1C280] =	vst v63  }
0x7a: {  	_ =	swait.ge [sflag:s5], $0x2000  }
0x7b: {  	p1 =	por $0x0, $0x0;
	[sflag:s5] =	ssyncset.done $0x0  }
0x7c: {  	s23 =	simm.s32 @p1 $0x3;
	s28 =	sadd.s32 $0x2000, s10;
	[sflag:s5] =	ssyncadd.s32 $0xFFFFE000  }
0x7d: {  	[hbm4b:s28+s3] =	stream.linear.scatter [tilespmem:s31], [sflag:$0x6], $0x2000, $0x38;
	[tilespmem:$0x1C280] =	vst v63  }
0x7e: {  	_ =	swait.ge @p1 [sflag:s23], $0x2000  }
0x7f: {  	s24 =	simm.s32 @p1 $0x18280;
	s28 =	simm.s32 @!p1 $0x5;
	[sflag:s23] =	ssyncset.done @p1 $0x0  }
0x80: {  	s9 =	rddreg [dreg:$0x6];
	[sflag:s23] =	ssyncadd.s32 @p1 $0xFFFFE000;
	s23 =	simm.s32 @p1 $0x0  }
0x81: {  	[hbm4b:s9+s23] =	stream.linear.scatter @p1 [tilespmem:s24], [sflag:$0x7], $0x2000, $0x38;
	[tilespmem:$0x1C280] =	vst v63  }
0x82: {  	_ =	swait.ge @!p1 [sflag:s28], $0x2000  }
0x83: {  	[sflag:s28] =	ssyncset.done @!p1 $0x0  }
0x84: {  	[sflag:s28] =	ssyncadd.s32 @!p1 $0xFFFFE000  }
0x85: {  	v0 =	vld @!p1 [tilespmem:s8+$0x80]  }
0x86: {  	v1 =	vld @!p1 [tilespmem:$0x14000];
	_ =	sdelay $0x4  }
0x87: {  	v0 =	vadd.s32 @!p1 v0, v1  }
0x88: {  	v1 =	vld @!p1 [tilespmem:$0x14010];
	[tilespmem:$0x14080] =	vst @!p1 v0  }
0x89: {  	v0 =	vld @!p1 [tilespmem:s8+$0x90];
	_ =	sdelay $0x4  }
0x8a: {  	v0 =	vadd.s32 @!p1 v0, v1  }
0x8b: {  	v1 =	vld @!p1 [tilespmem:$0x14020];
	[tilespmem:$0x14090] =	vst @!p1 v0  }
0x8c: {  	v0 =	vld @!p1 [tilespmem:s8+$0xA0];
	_ =	sdelay $0x4  }
0x8d: {  	v0 =	vadd.s32 @!p1 v0, v1  }
0x8e: {  	v1 =	vld @!p1 [tilespmem:$0x14030];
	[tilespmem:$0x140A0] =	vst @!p1 v0  }
0x8f: {  	v0 =	vld @!p1 [tilespmem:s8+$0xB0];
	_ =	sdelay $0x4  }
0x90: {  	s9 =	simm.s32 @!p1 $0x3;
	v0 =	vadd.s32 @!p1 v0, v1  }
0x91: {  	s24 =	simm.s32 @!p1 $0x40;
	s23 =	simm.s32 @!p1 $0x14080;
	s28 =	simm.s32 @!p1 $0x14280;
	[tilespmem:$0x140B0] =	vst @!p1 v0  }
0x92: {  	[tilespmem:s28], [sflag:$0x1] =	stream.indirect.gather @!p1 [spmem:s1], $0x80, s23, s24, $0xb8;
	[tilespmem:$0x1C280] =	vst v63  }
0x93: {  	_ =	swait.ge @!p1 [sflag:s9], $0x2000  }
0x94: {  	s23 =	sadd.s32 @!p1 $0x0, s17;
	s28 =	simm.s32 @!p1 $0x18280;
	[sflag:s9] =	ssyncset.done @!p1 $0x0  }
0x95: {  	s23 =	sadd.s32 @!p1 $0x4000, s23;
	[sflag:s9] =	ssyncadd.s32 @!p1 $0xFFFFE000;
	s9 =	simm.s32 @!p1 $0x0  }
0x96: {  	[hbm4b:s23+s9] =	stream.linear.scatter @!p1 [tilespmem:s28], [sflag:$0x7], $0x2000, $0x38;
	[tilespmem:$0x1C280] =	vst v63  }
0x97: {  	s9 =	simm.s32 @!p1 $0x6  }
0x98: {  	_ =	swait.ge @!p1 [sflag:s9], $0x2000  }
0x99: {  	[sflag:s9] =	ssyncset.done @!p1 $0x0  }
0x9a: {  	[sflag:s9] =	ssyncadd.s32 @!p1 $0xFFFFE000  }
0x9b: {  	v0 =	vld @!p1 [tilespmem:s8+$0x100]  }
0x9c: {  	v1 =	vld @!p1 [tilespmem:$0x14000];
	_ =	sdelay $0x4  }
0x9d: {  	v0 =	vadd.s32 @!p1 v0, v1  }
0x9e: {  	v1 =	vld @!p1 [tilespmem:$0x14010];
	[tilespmem:$0x14100] =	vst @!p1 v0  }
0x9f: {  	v0 =	vld @!p1 [tilespmem:s8+$0x110];
	_ =	sdelay $0x4  }
0xa0: {  	v0 =	vadd.s32 @!p1 v0, v1  }
0xa1: {  	v1 =	vld @!p1 [tilespmem:$0x14020];
	[tilespmem:$0x14110] =	vst @!p1 v0  }
0xa2: {  	v0 =	vld @!p1 [tilespmem:s8+$0x120];
	_ =	sdelay $0x4  }
0xa3: {  	v1 =	vadd.s32 @!p1 v0, v1  }
0xa4: {  	s19 =	smov.u32 s30;
	v0 =	vld @!p1 [tilespmem:$0x14030];
	[tilespmem:$0x14120] =	vst @!p1 v1  }
0xa5: {  	s30 =	simm.s32 @!p1 $0x16280;
	s23 =	simm.s32 $0x8000;
	s9 =	simm.s32 @!p1 $0x14100;
	v1 =	vld @!p1 [tilespmem:s8+$0x130]  }
.LBB2_2:
0xa6: {  	_ =	sdelay $0x3  }
0xa7: {  	v0 =	vadd.s32 @!p1 v1, v0  }
0xa8: {  	[tilespmem:$0x14130] =	vst @!p1 v0  }
0xa9: {  	[tilespmem:s30], [sflag:$0x2] =	stream.indirect.gather @!p1 [spmem:s1], $0x80, s9, s24, $0xb8;
	[tilespmem:$0x1C280] =	vst v63  }
0xaa: {  	s28 =	smov.u32 s23;
	_ =	swait.ge [sflag:s6], $0x2000  }
0xab: {  	p2 =	seq.s32 s28, $0x0;
	[sflag:s6] =	ssyncset.done $0x0  }
0xac: {  	s10 =	sadd.s32 $0x6000, s10;
	s9 =	simm.s32 @!p2 $0x7;
	[sflag:s6] =	ssyncadd.s32 $0xFFFFE000  }
0xad: {  	[hbm4b:s10+s3] =	stream.linear.scatter [tilespmem:s22], [sflag:$0x8], $0x2000, $0x38;
	[tilespmem:$0x1C280] =	vst v63  }
0xae: {  	_ =	swait.ge @!p2 [sflag:s9], $0x2000  }
0xaf: {  	[sflag:s9] =	ssyncset.done @!p2 $0x0  }
0xb0: {  	s8 =	sadd.s32 $0x200, s8;
	[sflag:s9] =	ssyncadd.s32 @!p2 $0xFFFFE000  }
0xb1: {  	v0 =	vld [tilespmem:s8+$0xFFFFFF80]  }
0xb2: {  	v1 =	vld [tilespmem:$0x14000];
	_ =	sdelay $0x4  }
0xb3: {  	v0 =	vadd.s32 v0, v1  }
0xb4: {  	v2 =	vld [tilespmem:$0x14010];
	[tilespmem:$0x14180] =	vst v0  }
0xb5: {  	v0 =	vld [tilespmem:s8+$0xFFFFFF90];
	_ =	sdelay $0x4  }
0xb6: {  	v0 =	vadd.s32 v0, v2  }
0xb7: {  	v1 =	vld [tilespmem:$0x14020];
	[tilespmem:$0x14190] =	vst v0  }
0xb8: {  	v0 =	vld [tilespmem:s8+$0xFFFFFFA0];
	_ =	sdelay $0x4  }
0xb9: {  	v0 =	vadd.s32 v0, v1  }
0xba: {  	v2 =	vld [tilespmem:$0x14030];
	[tilespmem:$0x141A0] =	vst v0  }
0xbb: {  	v0 =	vld [tilespmem:s8+$0xFFFFFFB0];
	_ =	sdelay $0x4  }
0xbc: {  	v0 =	vadd.s32 v0, v2  }
0xbd: {  	[tilespmem:$0x141B0] =	vst v0  }
0xbe: {  	[tilespmem:s4], [sflag:$0x3] =	stream.indirect.gather [spmem:s1], $0x80, s0, s26, $0xb8;
	[tilespmem:$0x1C280] =	vst v63  }
0xbf: {  	_ =	swait.ge [sflag:s20], $0x2000  }
0xc0: {  	[sflag:s20] =	ssyncset.done $0x0  }
0xc1: {  	s10 =	sadd.s32 s28, s17;
	s9 =	simm.s32 @!p2 $0x8;
	[sflag:s20] =	ssyncadd.s32 $0xFFFFE000  }
0xc2: {  	[hbm4b:s10+s3] =	stream.linear.scatter [tilespmem:s29], [sflag:$0x5], $0x2000, $0x38;
	[tilespmem:$0x1C280] =	vst v63  }
0xc3: {  	_ =	swait.ge @!p2 [sflag:s9], $0x2000  }
0xc4: {  	[sflag:s9] =	ssyncset.done @!p2 $0x0  }
0xc5: {  	[sflag:s9] =	ssyncadd.s32 @!p2 $0xFFFFE000  }
0xc6: {  	v0 =	vld [tilespmem:s8+$0x0]  }
0xc7: {  	v1 =	vld [tilespmem:$0x14000];
	_ =	sdelay $0x4  }
0xc8: {  	v0 =	vadd.s32 v0, v1  }
0xc9: {  	[tilespmem:$0x14200] =	vst v0;
	v0 =	vld [tilespmem:$0x14010]  }
0xca: {  	v1 =	vld [tilespmem:s8+$0x10];
	_ =	sdelay $0x4  }
0xcb: {  	v0 =	vadd.s32 v1, v0  }
0xcc: {  	[tilespmem:$0x14210] =	vst v0;
	v0 =	vld [tilespmem:$0x14020]  }
0xcd: {  	v1 =	vld [tilespmem:s8+$0x20];
	_ =	sdelay $0x4  }
0xce: {  	v0 =	vadd.s32 v1, v0  }
0xcf: {  	[tilespmem:$0x14220] =	vst v0;
	v0 =	vld [tilespmem:$0x14030]  }
0xd0: {  	v1 =	vld [tilespmem:s8+$0x30];
	_ =	sdelay $0x4  }
0xd1: {  	v0 =	vadd.s32 v1, v0  }
0xd2: {  	[tilespmem:$0x14230] =	vst v0  }
0xd3: {  	[tilespmem:s22], [sflag:$0x4] =	stream.indirect.gather [spmem:s1], $0x80, s21, s26, $0xb8;
	[tilespmem:$0x1C280] =	vst v63  }
0xd4: {  	_ =	swait.ge [sflag:s5], $0x2000  }
0xd5: {  	p1 =	seq.s32 s28, $0x78000;
	[sflag:s5] =	ssyncset.done $0x0  }
0xd6: {  	s25 =	simm.s32 @p1 $0x3;
	s18 =	sadd.s32 $0x2000, s10;
	[sflag:s5] =	ssyncadd.s32 $0xFFFFE000  }
0xd7: {  	[hbm4b:s18+s3] =	stream.linear.scatter [tilespmem:s31], [sflag:$0x6], $0x2000, $0x38;
	[tilespmem:$0x1C280] =	vst v63  }
0xd8: {  	_ =	swait.ge @p1 [sflag:s25], $0x2000  }
0xd9: {  	s7 =	simm.s32 @!p1 $0x5;
	s18 =	simm.s32 @p1 $0x18280;
	[sflag:s25] =	ssyncset.done @p1 $0x0  }
0xda: {  	s24 =	rddreg [dreg:$0x6];
	[sflag:s25] =	ssyncadd.s32 @p1 $0xFFFFE000;
	s25 =	simm.s32 @p1 $0x0  }
0xdb: {  	[hbm4b:s24+s25] =	stream.linear.scatter @p1 [tilespmem:s18], [sflag:$0x7], $0x2000, $0x38;
	[tilespmem:$0x1C280] =	vst v63  }
0xdc: {  	_ =	swait.ge @!p1 [sflag:s7], $0x2000  }
0xdd: {  	[sflag:s7] =	ssyncset.done @!p1 $0x0  }
0xde: {  	[sflag:s7] =	ssyncadd.s32 @!p1 $0xFFFFE000  }
0xdf: {  	v0 =	vld @!p1 [tilespmem:s8+$0x80]  }
0xe0: {  	v1 =	vld @!p1 [tilespmem:$0x14000];
	_ =	sdelay $0x4  }
0xe1: {  	v0 =	vadd.s32 @!p1 v0, v1  }
0xe2: {  	v2 =	vld @!p1 [tilespmem:$0x14010];
	[tilespmem:$0x14080] =	vst @!p1 v0  }
0xe3: {  	v0 =	vld @!p1 [tilespmem:s8+$0x90];
	_ =	sdelay $0x4  }
0xe4: {  	v0 =	vadd.s32 @!p1 v0, v2  }
0xe5: {  	v3 =	vld @!p1 [tilespmem:$0x14020];
	[tilespmem:$0x14090] =	vst @!p1 v0  }
0xe6: {  	v0 =	vld @!p1 [tilespmem:s8+$0xA0];
	_ =	sdelay $0x4  }
0xe7: {  	v0 =	vadd.s32 @!p1 v0, v3  }
0xe8: {  	v4 =	vld @!p1 [tilespmem:$0x14030];
	[tilespmem:$0x140A0] =	vst @!p1 v0  }
0xe9: {  	v0 =	vld @!p1 [tilespmem:s8+$0xB0];
	_ =	sdelay $0x4  }
0xea: {  	s24 =	simm.s32 @!p1 $0x40;
	v0 =	vadd.s32 @!p1 v0, v4  }
0xeb: {  	s18 =	simm.s32 @!p1 $0x14080;
	s25 =	simm.s32 @!p1 $0x14280;
	s7 =	simm.s32 @!p1 $0x3;
	[tilespmem:$0x140B0] =	vst @!p1 v0  }
0xec: {  	[tilespmem:s25], [sflag:$0x1] =	stream.indirect.gather @!p1 [spmem:s1], $0x80, s18, s24, $0xb8;
	[tilespmem:$0x1C280] =	vst v63  }
0xed: {  	s28 =	sadd.s32 @!p1 s28, s17;
	_ =	swait.ge @!p1 [sflag:s7], $0x2000  }
0xee: {  	s28 =	sadd.s32 @!p1 $0x4000, s28;
	s18 =	simm.s32 @!p1 $0x6;
	[sflag:s7] =	ssyncset.done @!p1 $0x0  }
0xef: {  	s25 =	simm.s32 @!p1 $0x18280;
	[sflag:s7] =	ssyncadd.s32 @!p1 $0xFFFFE000;
	s7 =	simm.s32 @!p1 $0x0  }
0xf0: {  	[hbm4b:s28+s7] =	stream.linear.scatter @!p1 [tilespmem:s25], [sflag:$0x7], $0x2000, $0x38;
	[tilespmem:$0x1C280] =	vst v63  }
0xf1: {  	_ =	swait.ge @!p1 [sflag:s18], $0x2000  }
0xf2: {  	[sflag:s18] =	ssyncset.done @!p1 $0x0  }
0xf3: {  	[sflag:s18] =	ssyncadd.s32 @!p1 $0xFFFFE000  }
0xf4: {  	v1 =	vld @!p1 [tilespmem:s8+$0x100]  }
0xf5: {  	v2 =	vld @!p1 [tilespmem:$0x14000];
	_ =	sdelay $0x4  }
0xf6: {  	v1 =	vadd.s32 @!p1 v1, v2  }
0xf7: {  	v3 =	vld @!p1 [tilespmem:$0x14010];
	[tilespmem:$0x14100] =	vst @!p1 v1  }
0xf8: {  	v1 =	vld @!p1 [tilespmem:s8+$0x110];
	_ =	sdelay $0x4  }
0xf9: {  	v1 =	vadd.s32 @!p1 v1, v3  }
0xfa: {  	v4 =	vld @!p1 [tilespmem:$0x14020];
	[tilespmem:$0x14110] =	vst @!p1 v1  }
0xfb: {  	v1 =	vld @!p1 [tilespmem:s8+$0x120]  }
0xfc: {  	s23 =	sadd.s32 $0x8000, s23  }
0xfd: {  	p0 =	sne.s32 s23, $0x80000  }
.Ltmp0:
0xfe: {  	_ = 	snop;
	(pc) =	sbr.rel @p0 .LBB2_2-.Ltmp0, $4  }
0xff: {  	_ = 	snop  }
0x100: {  	v1 =	vadd.s32 @!p1 v1, v4  }
0x101: {  	v0 =	vld @!p1 [tilespmem:$0x14030];
	[tilespmem:$0x14120] =	vst @!p1 v1  }
0x102: {  	s30 =	simm.s32 @!p1 $0x16280;
	s9 =	simm.s32 @!p1 $0x14100;
	v1 =	vld @!p1 [tilespmem:s8+$0x130]  }
0x103: {  	_ =	sdelay $0x3  }
0x104: {  	v0 =	vadd.s32 @!p1 v1, v0  }
0x105: {  	[tilespmem:$0x14130] =	vst @!p1 v0  }
0x106: {  	[tilespmem:s30], [sflag:$0x2] =	stream.indirect.gather @!p1 [spmem:s1], $0x80, s9, s24, $0xb8;
	[tilespmem:$0x1C280] =	vst v63  }
0x107: {  	_ =	swait.ge [sflag:s6], $0x2000  }
0x108: {  	[sflag:s6] =	ssyncset.done $0x0  }
0x109: {  	s7 =	sadd.s32 $0x6000, s10;
	s9 =	simm.s32 $0xA;
	[sflag:s6] =	ssyncadd.s32 $0xFFFFE000  }
0x10a: {  	[hbm4b:s7+s3] =	stream.linear.scatter [tilespmem:s22], [sflag:$0x8], $0x2000, $0x38;
	[tilespmem:$0x1C280] =	vst v63  }
0x10b: {  	_ =	swait.ge [sflag:s9], $0x1000  }
0x10c: {  	[sflag:s9] =	ssyncset.done $0x0  }
0x10d: {  	[sflag:s9] =	ssyncadd.s32 $0xFFFFF000  }
0x10e: {  	[bflag:$0x0] =	sbarrier.arrive $0xFFFF  }
0x10f: {  	s10 =	rddreg [dreg:$0x12]  }
0x110: {  	[spmem:s16], [sflag:s19] =	dma.local [hbm:s10], $0x1000  }
0x111: {  	s30 =	smov.u32 s19;
	s19 =	simm.s32 $0x5  }
0x112: {  	_ =	swait.ge [sflag:s19], $0x2000  }
0x113: {  	[sflag:s19] =	ssyncset.done $0x0  }
0x114: {  	[sflag:s19] =	ssyncadd.s32 $0xFFFFE000  }
0x115: {  	v35 =	vld [tilespmem:$0x10040]  }
0x116: {  	v36 =	vld [tilespmem:$0x14000]  }
0x117: {  	v2 =	vld [tilespmem:$0x10050]  }
0x118: {  	v3 =	vld [tilespmem:$0x14010]  }
0x119: {  	v4 =	vld [tilespmem:$0x10060]  }
0x11a: {  	v5 =	vld [tilespmem:$0x14020]  }
0x11b: {  	v6 =	vld [tilespmem:$0x10070]  }
0x11c: {  	v7 =	vld [tilespmem:$0x14030];
	_ =	sdelay $0x1  }
0x11d: {  	v0 =	vadd.s32 v35, v36  }
0x11e: {  	v37 =	vadd.s32 v2, v3;
	[tilespmem:$0x14080] =	vst v0  }
0x11f: {  	v38 =	vadd.s32 v4, v5;
	[tilespmem:$0x14090] =	vst v37  }
0x120: {  	v39 =	vadd.s32 v6, v7;
	[tilespmem:$0x140A0] =	vst v38  }
0x121: {  	s18 =	simm.s32 $0x14080;
	s23 =	simm.s32 $0x6;
	[tilespmem:$0x140B0] =	vst v39  }
0x122: {  	[tilespmem:s29], [sflag:$0x1] =	stream.indirect.gather [spmem:s2], $0x80, s18, s26, $0xb8;
	[tilespmem:$0x1C280] =	vst v63  }
0x123: {  	_ =	swait.ge [sflag:s23], $0x2000  }
0x124: {  	[sflag:s23] =	ssyncset.done $0x0  }
0x125: {  	[sflag:s23] =	ssyncadd.s32 $0xFFFFE000  }
0x126: {  	v40 =	vld [tilespmem:$0x100C0]  }
0x127: {  	v41 =	vld [tilespmem:$0x14000]  }
0x128: {  	v42 =	vld [tilespmem:$0x100D0]  }
0x129: {  	v43 =	vld [tilespmem:$0x14010]  }
0x12a: {  	v44 =	vld [tilespmem:$0x100E0]  }
0x12b: {  	v45 =	vld [tilespmem:$0x14020]  }
0x12c: {  	v46 =	vld [tilespmem:$0x100F0]  }
0x12d: {  	v47 =	vld [tilespmem:$0x14030];
	_ =	sdelay $0x1  }
0x12e: {  	v0 =	vadd.s32 v40, v41  }
0x12f: {  	v48 =	vadd.s32 v42, v43;
	[tilespmem:$0x14100] =	vst v0  }
0x130: {  	v49 =	vadd.s32 v44, v45;
	[tilespmem:$0x14110] =	vst v48  }
0x131: {  	v50 =	vadd.s32 v46, v47;
	[tilespmem:$0x14120] =	vst v49  }
0x132: {  	s24 =	simm.s32 $0x14100;
	[tilespmem:$0x14130] =	vst v50  }
0x133: {  	[tilespmem:s31], [sflag:$0x2] =	stream.indirect.gather [spmem:s2], $0x80, s24, s26, $0xb8;
	[tilespmem:$0x1C280] =	vst v63  }
0x134: {  	_ =	swait.ge [sflag:s11], $0x2000  }
0x135: {  	[sflag:s11] =	ssyncset.done $0x0  }
0x136: {  	s8 =	simm.s32 $0x101C0;
	[sflag:s11] =	ssyncadd.s32 $0xFFFFE000  }
0x137: {  	v51 =	vld [tilespmem:s8+$0xFFFFFF80]  }
0x138: {  	v52 =	vld [tilespmem:$0x14000];
	_ =	sdelay $0x4  }
0x139: {  	v0 =	vadd.s32 v51, v52  }
0x13a: {  	v53 =	vld [tilespmem:$0x14010];
	[tilespmem:$0x14180] =	vst v0  }
0x13b: {  	v54 =	vld [tilespmem:s8+$0xFFFFFF90];
	_ =	sdelay $0x4  }
0x13c: {  	v0 =	vadd.s32 v54, v53  }
0x13d: {  	v55 =	vld [tilespmem:$0x14020];
	[tilespmem:$0x14190] =	vst v0  }
0x13e: {  	v56 =	vld [tilespmem:s8+$0xFFFFFFA0];
	_ =	sdelay $0x4  }
0x13f: {  	v0 =	vadd.s32 v56, v55  }
0x140: {  	v57 =	vld [tilespmem:$0x14030];
	[tilespmem:$0x141A0] =	vst v0  }
0x141: {  	v58 =	vld [tilespmem:s8+$0xFFFFFFB0];
	_ =	sdelay $0x4  }
0x142: {  	v0 =	vadd.s32 v58, v57  }
0x143: {  	[tilespmem:$0x141B0] =	vst v0  }
0x144: {  	[tilespmem:s4], [sflag:$0x3] =	stream.indirect.gather [spmem:s2], $0x80, s0, s26, $0xb8;
	[tilespmem:$0x1C280] =	vst v63  }
0x145: {  	_ =	swait.ge [sflag:s20], $0x2000  }
0x146: {  	s10 =	sadd.s32 $0x0, s17;
	[sflag:s20] =	ssyncset.done $0x0  }
0x147: {  	s25 =	sadd.s32 $0x400, s10;
	[sflag:s20] =	ssyncadd.s32 $0xFFFFE000  }
0x148: {  	[hbm4b:s25+s3] =	stream.linear.scatter [tilespmem:s29], [sflag:$0x5], $0x2000, $0x38;
	[tilespmem:$0x1C280] =	vst v63  }
0x149: {  	_ =	swait.ge [sflag:s12], $0x2000  }
0x14a: {  	[sflag:s12] =	ssyncset.done $0x0  }
0x14b: {  	[sflag:s12] =	ssyncadd.s32 $0xFFFFE000  }
0x14c: {  	v59 =	vld [tilespmem:s8+$0x0]  }
0x14d: {  	v60 =	vld [tilespmem:$0x14000];
	_ =	sdelay $0x4  }
0x14e: {  	v0 =	vadd.s32 v59, v60  }
0x14f: {  	v61 =	vld [tilespmem:$0x14010];
	[tilespmem:$0x14200] =	vst v0  }
0x150: {  	v0 =	vld [tilespmem:s8+$0x10];
	_ =	sdelay $0x4  }
0x151: {  	v0 =	vadd.s32 v0, v61  }
0x152: {  	v62 =	vld [tilespmem:$0x14020];
	[tilespmem:$0x14210] =	vst v0  }
0x153: {  	v0 =	vld [tilespmem:s8+$0x20];
	_ =	sdelay $0x4  }
0x154: {  	v0 =	vadd.s32 v0, v62  }
0x155: {  	v63 =	vld [tilespmem:$0x14030];
	[tilespmem:$0x14220] =	vst v0  }
0x156: {  	v0 =	vld [tilespmem:s8+$0x30];
	_ =	sdelay $0x4  }
0x157: {  	v0 =	vadd.s32 v0, v63  }
0x158: {  	[tilespmem:$0x14230] =	vst v0  }
0x159: {  	[tilespmem:s22], [sflag:$0x4] =	stream.indirect.gather [spmem:s2], $0x80, s21, s26, $0xb8;
	[tilespmem:$0x1C280] =	vst v63  }
0x15a: {  	_ =	swait.ge [sflag:s5], $0x2000  }
0x15b: {  	p1 =	por $0x0, $0x0;
	[sflag:s5] =	ssyncset.done $0x0  }
0x15c: {  	s9 =	simm.s32 @p1 $0x3;
	s28 =	sadd.s32 $0x2400, s10;
	[sflag:s5] =	ssyncadd.s32 $0xFFFFE000  }
0x15d: {  	[hbm4b:s28+s3] =	stream.linear.scatter [tilespmem:s31], [sflag:$0x6], $0x2000, $0x38;
	[tilespmem:$0x1C280] =	vst v63  }
0x15e: {  	_ =	swait.ge @p1 [sflag:s9], $0x2000  }
0x15f: {  	s16 =	simm.s32 @p1 $0x18280;
	s18 =	simm.s32 @p1 $0x0;
	[sflag:s9] =	ssyncset.done @p1 $0x0  }
0x160: {  	s7 =	rddreg [dreg:$0x7];
	[sflag:s9] =	ssyncadd.s32 @p1 $0xFFFFE000;
	s9 =	simm.s32 @!p1 $0x5  }
0x161: {  	[hbm4b:s7+s18] =	stream.linear.scatter @p1 [tilespmem:s16], [sflag:$0x7], $0x2000, $0x38;
	[tilespmem:$0x1C280] =	vst v63  }
0x162: {  	_ =	swait.ge @!p1 [sflag:s9], $0x2000  }
0x163: {  	[sflag:s9] =	ssyncset.done @!p1 $0x0  }
0x164: {  	[sflag:s9] =	ssyncadd.s32 @!p1 $0xFFFFE000  }
0x165: {  	v0 =	vld @!p1 [tilespmem:s8+$0x80]  }
0x166: {  	v1 =	vld @!p1 [tilespmem:$0x14000];
	_ =	sdelay $0x4  }
0x167: {  	v0 =	vadd.s32 @!p1 v0, v1  }
0x168: {  	v1 =	vld @!p1 [tilespmem:$0x14010];
	[tilespmem:$0x14080] =	vst @!p1 v0  }
0x169: {  	v0 =	vld @!p1 [tilespmem:s8+$0x90];
	_ =	sdelay $0x4  }
0x16a: {  	v0 =	vadd.s32 @!p1 v0, v1  }
0x16b: {  	v1 =	vld @!p1 [tilespmem:$0x14020];
	[tilespmem:$0x14090] =	vst @!p1 v0  }
0x16c: {  	v0 =	vld @!p1 [tilespmem:s8+$0xA0];
	_ =	sdelay $0x4  }
0x16d: {  	v0 =	vadd.s32 @!p1 v0, v1  }
0x16e: {  	v1 =	vld @!p1 [tilespmem:$0x14030];
	[tilespmem:$0x140A0] =	vst @!p1 v0  }
0x16f: {  	v0 =	vld @!p1 [tilespmem:s8+$0xB0];
	_ =	sdelay $0x4  }
0x170: {  	s7 =	simm.s32 @!p1 $0x14080;
	v0 =	vadd.s32 @!p1 v0, v1  }
0x171: {  	s16 =	simm.s32 @!p1 $0x14280;
	s18 =	simm.s32 @!p1 $0x3;
	s9 =	simm.s32 @!p1 $0x40;
	[tilespmem:$0x140B0] =	vst @!p1 v0  }
0x172: {  	[tilespmem:s16], [sflag:$0x1] =	stream.indirect.gather @!p1 [spmem:s2], $0x80, s7, s9, $0xb8;
	[tilespmem:$0x1C280] =	vst v63  }
0x173: {  	_ =	swait.ge @!p1 [sflag:s18], $0x2000  }
0x174: {  	s7 =	sadd.s32 @!p1 $0x0, s17;
	s16 =	simm.s32 @!p1 $0x0;
	[sflag:s18] =	ssyncset.done @!p1 $0x0  }
0x175: {  	s7 =	sadd.s32 @!p1 $0x4400, s7;
	[sflag:s18] =	ssyncadd.s32 @!p1 $0xFFFFE000;
	s18 =	simm.s32 @!p1 $0x18280  }
0x176: {  	[hbm4b:s7+s16] =	stream.linear.scatter @!p1 [tilespmem:s18], [sflag:$0x7], $0x2000, $0x38;
	[tilespmem:$0x1C280] =	vst v63  }
0x177: {  	s7 =	simm.s32 @!p1 $0x6  }
0x178: {  	_ =	swait.ge @!p1 [sflag:s7], $0x2000  }
0x179: {  	[sflag:s7] =	ssyncset.done @!p1 $0x0  }
0x17a: {  	[sflag:s7] =	ssyncadd.s32 @!p1 $0xFFFFE000  }
0x17b: {  	v0 =	vld @!p1 [tilespmem:s8+$0x100]  }
0x17c: {  	v1 =	vld @!p1 [tilespmem:$0x14000];
	_ =	sdelay $0x4  }
0x17d: {  	v0 =	vadd.s32 @!p1 v0, v1  }
0x17e: {  	v1 =	vld @!p1 [tilespmem:$0x14010];
	[tilespmem:$0x14100] =	vst @!p1 v0  }
0x17f: {  	v0 =	vld @!p1 [tilespmem:s8+$0x110];
	_ =	sdelay $0x4  }
0x180: {  	v0 =	vadd.s32 @!p1 v0, v1  }
0x181: {  	v1 =	vld @!p1 [tilespmem:$0x14020];
	[tilespmem:$0x14110] =	vst @!p1 v0  }
0x182: {  	v0 =	vld @!p1 [tilespmem:s8+$0x120];
	_ =	sdelay $0x4  }
0x183: {  	v0 =	vadd.s32 @!p1 v0, v1  }
0x184: {  	v1 =	vld @!p1 [tilespmem:$0x14030];
	[tilespmem:$0x14120] =	vst @!p1 v0  }
0x185: {  	v0 =	vld @!p1 [tilespmem:s8+$0x130];
	_ =	sdelay $0x4  }
0x186: {  	s23 =	simm.s32 @!p1 $0x14100;
	s24 =	simm.s32 @!p1 $0x16280;
	v0 =	vadd.s32 @!p1 v0, v1  }
0x187: {  	s16 =	sadd.s32 $0x6400, s10;
	s10 =	simm.s32 $0x103C0;
	s8 =	simm.s32 $0x8000;
	[tilespmem:$0x14130] =	vst @!p1 v0  }
.LBB2_4:
0x188: {  	[tilespmem:s24], [sflag:$0x2] =	stream.indirect.gather @!p1 [spmem:s2], $0x80, s23, s9, $0xb8;
	[tilespmem:$0x1C280] =	vst v63  }
0x189: {  	_ =	swait.ge [sflag:s6], $0x2000  }
0x18a: {  	[sflag:s6] =	ssyncset.done $0x0  }
0x18b: {  	[sflag:s6] =	ssyncadd.s32 $0xFFFFE000  }
0x18c: {  	[hbm4b:s16+s3] =	stream.linear.scatter [tilespmem:s22], [sflag:$0x8], $0x2000, $0x38;
	[tilespmem:$0x1C280] =	vst v63  }
0x18d: {  	_ =	swait.ge [sflag:s11], $0x2000  }
0x18e: {  	[sflag:s11] =	ssyncset.done $0x0  }
0x18f: {  	[sflag:s11] =	ssyncadd.s32 $0xFFFFE000  }
0x190: {  	v0 =	vld [tilespmem:s10+$0xFFFFFF80]  }
0x191: {  	v1 =	vld [tilespmem:$0x14000];
	_ =	sdelay $0x4  }
0x192: {  	v0 =	vadd.s32 v0, v1  }
0x193: {  	v53 =	vld [tilespmem:$0x14010];
	[tilespmem:$0x14180] =	vst v0  }
0x194: {  	v54 =	vld [tilespmem:s10+$0xFFFFFF90];
	_ =	sdelay $0x4  }
0x195: {  	v0 =	vadd.s32 v54, v53  }
0x196: {  	v55 =	vld [tilespmem:$0x14020];
	[tilespmem:$0x14190] =	vst v0  }
0x197: {  	v56 =	vld [tilespmem:s10+$0xFFFFFFA0];
	_ =	sdelay $0x4  }
0x198: {  	v0 =	vadd.s32 v56, v55  }
0x199: {  	v57 =	vld [tilespmem:$0x14030];
	[tilespmem:$0x141A0] =	vst v0  }
0x19a: {  	v58 =	vld [tilespmem:s10+$0xFFFFFFB0];
	_ =	sdelay $0x4  }
0x19b: {  	v0 =	vadd.s32 v58, v57  }
0x19c: {  	[tilespmem:$0x141B0] =	vst v0  }
0x19d: {  	[tilespmem:s4], [sflag:$0x3] =	stream.indirect.gather [spmem:s2], $0x80, s0, s26, $0xb8;
	[tilespmem:$0x1C280] =	vst v63  }
0x19e: {  	s9 =	smov.u32 s8;
	_ =	swait.ge [sflag:s20], $0x2000  }
0x19f: {  	s16 =	sadd.s32 s9, s17;
	[sflag:s20] =	ssyncset.done $0x0  }
0x1a0: {  	s7 =	sadd.s32 $0x400, s16;
	[sflag:s20] =	ssyncadd.s32 $0xFFFFE000  }
0x1a1: {  	[hbm4b:s7+s3] =	stream.linear.scatter [tilespmem:s29], [sflag:$0x5], $0x2000, $0x38;
	[tilespmem:$0x1C280] =	vst v63  }
0x1a2: {  	_ =	swait.ge [sflag:s12], $0x2000  }
0x1a3: {  	[sflag:s12] =	ssyncset.done $0x0  }
0x1a4: {  	[sflag:s12] =	ssyncadd.s32 $0xFFFFE000  }
0x1a5: {  	v59 =	vld [tilespmem:s10+$0x0]  }
0x1a6: {  	v60 =	vld [tilespmem:$0x14000];
	_ =	sdelay $0x4  }
0x1a7: {  	v0 =	vadd.s32 v59, v60  }
0x1a8: {  	v61 =	vld [tilespmem:$0x14010];
	[tilespmem:$0x14200] =	vst v0  }
0x1a9: {  	v0 =	vld [tilespmem:s10+$0x10];
	_ =	sdelay $0x4  }
0x1aa: {  	v0 =	vadd.s32 v0, v61  }
0x1ab: {  	v62 =	vld [tilespmem:$0x14020];
	[tilespmem:$0x14210] =	vst v0  }
0x1ac: {  	v0 =	vld [tilespmem:s10+$0x20];
	_ =	sdelay $0x4  }
0x1ad: {  	v0 =	vadd.s32 v0, v62  }
0x1ae: {  	v63 =	vld [tilespmem:$0x14030];
	[tilespmem:$0x14220] =	vst v0  }
0x1af: {  	v0 =	vld [tilespmem:s10+$0x30];
	_ =	sdelay $0x4  }
0x1b0: {  	v0 =	vadd.s32 v0, v63  }
0x1b1: {  	[tilespmem:$0x14230] =	vst v0  }
0x1b2: {  	[tilespmem:s22], [sflag:$0x4] =	stream.indirect.gather [spmem:s2], $0x80, s21, s26, $0xb8;
	[tilespmem:$0x1C280] =	vst v63  }
0x1b3: {  	p1 =	seq.s32 s9, $0x78000;
	_ =	swait.ge [sflag:s5], $0x2000  }
0x1b4: {  	s18 =	simm.s32 @p1 $0x3;
	[sflag:s5] =	ssyncset.done $0x0  }
0x1b5: {  	s9 =	sadd.s32 @!p1 s9, s17;
	s28 =	sadd.s32 $0x2400, s16;
	[sflag:s5] =	ssyncadd.s32 $0xFFFFE000  }
0x1b6: {  	[hbm4b:s28+s3] =	stream.linear.scatter [tilespmem:s31], [sflag:$0x6], $0x2000, $0x38;
	[tilespmem:$0x1C280] =	vst v63  }
0x1b7: {  	s23 =	sadd.s32 @!p1 $0x4400, s9;
	_ =	swait.ge @p1 [sflag:s18], $0x2000  }
0x1b8: {  	s9 =	simm.s32 @p1 $0x0;
	s7 =	simm.s32 @p1 $0x18280;
	[sflag:s18] =	ssyncset.done @p1 $0x0  }
0x1b9: {  	s24 =	rddreg [dreg:$0x7];
	[sflag:s18] =	ssyncadd.s32 @p1 $0xFFFFE000;
	s18 =	simm.s32 @!p1 $0x5  }
0x1ba: {  	[hbm4b:s24+s9] =	stream.linear.scatter @p1 [tilespmem:s7], [sflag:$0x7], $0x2000, $0x38;
	[tilespmem:$0x1C280] =	vst v63  }
0x1bb: {  	_ =	swait.ge @!p1 [sflag:s18], $0x2000  }
0x1bc: {  	[sflag:s18] =	ssyncset.done @!p1 $0x0  }
0x1bd: {  	[sflag:s18] =	ssyncadd.s32 @!p1 $0xFFFFE000  }
0x1be: {  	v0 =	vld @!p1 [tilespmem:s10+$0x80]  }
0x1bf: {  	v1 =	vld @!p1 [tilespmem:$0x14000];
	_ =	sdelay $0x4  }
0x1c0: {  	v0 =	vadd.s32 @!p1 v0, v1  }
0x1c1: {  	v2 =	vld @!p1 [tilespmem:$0x14010];
	[tilespmem:$0x14080] =	vst @!p1 v0  }
0x1c2: {  	v0 =	vld @!p1 [tilespmem:s10+$0x90];
	_ =	sdelay $0x4  }
0x1c3: {  	v0 =	vadd.s32 @!p1 v0, v2  }
0x1c4: {  	v1 =	vld @!p1 [tilespmem:$0x14020];
	[tilespmem:$0x14090] =	vst @!p1 v0  }
0x1c5: {  	v0 =	vld @!p1 [tilespmem:s10+$0xA0];
	_ =	sdelay $0x4  }
0x1c6: {  	v0 =	vadd.s32 @!p1 v0, v1  }
0x1c7: {  	v2 =	vld @!p1 [tilespmem:$0x14030];
	[tilespmem:$0x140A0] =	vst @!p1 v0  }
0x1c8: {  	v0 =	vld @!p1 [tilespmem:s10+$0xB0];
	_ =	sdelay $0x4  }
0x1c9: {  	s9 =	simm.s32 @!p1 $0x40;
	v0 =	vadd.s32 @!p1 v0, v2  }
0x1ca: {  	s7 =	simm.s32 @!p1 $0x14080;
	s24 =	simm.s32 @!p1 $0x3;
	s18 =	simm.s32 @!p1 $0x14280;
	[tilespmem:$0x140B0] =	vst @!p1 v0  }
0x1cb: {  	[tilespmem:s18], [sflag:$0x1] =	stream.indirect.gather @!p1 [spmem:s2], $0x80, s7, s9, $0xb8;
	[tilespmem:$0x1C280] =	vst v63  }
0x1cc: {  	_ =	swait.ge @!p1 [sflag:s24], $0x2000  }
0x1cd: {  	s25 =	simm.s32 @!p1 $0x0;
	[sflag:s24] =	ssyncset.done @!p1 $0x0  }
0x1ce: {  	s28 =	simm.s32 @!p1 $0x18280;
	s7 =	simm.s32 @!p1 $0x6;
	[sflag:s24] =	ssyncadd.s32 @!p1 $0xFFFFE000  }
0x1cf: {  	[hbm4b:s23+s25] =	stream.linear.scatter @!p1 [tilespmem:s28], [sflag:$0x7], $0x2000, $0x38;
	[tilespmem:$0x1C280] =	vst v63  }
0x1d0: {  	_ =	swait.ge @!p1 [sflag:s7], $0x2000  }
0x1d1: {  	[sflag:s7] =	ssyncset.done @!p1 $0x0  }
0x1d2: {  	[sflag:s7] =	ssyncadd.s32 @!p1 $0xFFFFE000  }
0x1d3: {  	v0 =	vld @!p1 [tilespmem:s10+$0x100]  }
0x1d4: {  	v1 =	vld @!p1 [tilespmem:$0x14000];
	_ =	sdelay $0x4  }
0x1d5: {  	v0 =	vadd.s32 @!p1 v0, v1  }
0x1d6: {  	v2 =	vld @!p1 [tilespmem:$0x14010];
	[tilespmem:$0x14100] =	vst @!p1 v0  }
0x1d7: {  	v0 =	vld @!p1 [tilespmem:s10+$0x110];
	_ =	sdelay $0x4  }
0x1d8: {  	v0 =	vadd.s32 @!p1 v0, v2  }
0x1d9: {  	v1 =	vld @!p1 [tilespmem:$0x14020];
	[tilespmem:$0x14110] =	vst @!p1 v0  }
0x1da: {  	v0 =	vld @!p1 [tilespmem:s10+$0x120];
	_ =	sdelay $0x4  }
0x1db: {  	v0 =	vadd.s32 @!p1 v0, v1  }
0x1dc: {  	v2 =	vld @!p1 [tilespmem:$0x14030];
	[tilespmem:$0x14120] =	vst @!p1 v0  }
0x1dd: {  	s8 =	sadd.s32 $0x8000, s8;
	v0 =	vld @!p1 [tilespmem:s10+$0x130]  }
0x1de: {  	p0 =	sne.s32 s8, $0x80000  }
.Ltmp1:
0x1df: {  	_ = 	snop;
	(pc) =	sbr.rel @p0 .LBB2_4-.Ltmp1, $3  }
0x1e0: {  	_ =	sdelay $0x1  }
0x1e1: {  	s16 =	sadd.s32 $0x6400, s16;
	v0 =	vadd.s32 @!p1 v0, v2  }
0x1e2: {  	s24 =	simm.s32 @!p1 $0x16280;
	s23 =	simm.s32 @!p1 $0x14100;
	s10 =	sadd.s32 $0x200, s10;
	[tilespmem:$0x14130] =	vst @!p1 v0  }
0x1e3: {  	[tilespmem:s24], [sflag:$0x2] =	stream.indirect.gather @!p1 [spmem:s2], $0x80, s23, s9, $0xb8;
	[tilespmem:$0x1C280] =	vst v63  }
0x1e4: {  	_ =	swait.ge [sflag:s6], $0x2000  }
0x1e5: {  	[sflag:s6] =	ssyncset.done $0x0  }
0x1e6: {  	s25 =	simm.s32 $0x9;
	[sflag:s6] =	ssyncadd.s32 $0xFFFFE000  }
0x1e7: {  	[hbm4b:s16+s3] =	stream.linear.scatter [tilespmem:s22], [sflag:$0x8], $0x2000, $0x38;
	[tilespmem:$0x1C280] =	vst v63  }
0x1e8: {  	_ =	swait.ge [sflag:s25], $0x1000  }
0x1e9: {  	[sflag:s25] =	ssyncset.done $0x0  }
0x1ea: {  	[sflag:s25] =	ssyncadd.s32 $0xFFFFF000  }
0x1eb: {  	[bflag:$0x0] =	sbarrier.arrive $0xFFFF  }
0x1ec: {  	s7 =	rddreg [dreg:$0x13]  }
0x1ed: {  	[spmem:s15], [sflag:s14] =	dma.local [hbm:s7], $0x1000  }
0x1ee: {  	_ =	swait.ge [sflag:s19], $0x2000  }
0x1ef: {  	[sflag:s19] =	ssyncset.done $0x0  }
0x1f0: {  	[sflag:s19] =	ssyncadd.s32 $0xFFFFE000  }
0x1f1: {  	v0 =	vld [tilespmem:$0x12000]  }
0x1f2: {  	v1 =	vld [tilespmem:$0x14000]  }
0x1f3: {  	v2 =	vld [tilespmem:$0x12010]  }
0x1f4: {  	v3 =	vld [tilespmem:$0x14010]  }
0x1f5: {  	v4 =	vld [tilespmem:$0x12020]  }
0x1f6: {  	v5 =	vld [tilespmem:$0x14020]  }
0x1f7: {  	v6 =	vld [tilespmem:$0x12030]  }
0x1f8: {  	v7 =	vld [tilespmem:$0x14030];
	_ =	sdelay $0x1  }
0x1f9: {  	v0 =	vadd.s32 v0, v1  }
0x1fa: {  	v37 =	vadd.s32 v2, v3;
	[tilespmem:$0x14080] =	vst v0  }
0x1fb: {  	v38 =	vadd.s32 v4, v5;
	[tilespmem:$0x14090] =	vst v37  }
0x1fc: {  	v39 =	vadd.s32 v6, v7;
	[tilespmem:$0x140A0] =	vst v38  }
0x1fd: {  	s28 =	simm.s32 $0x14080;
	s16 =	simm.s32 $0x6;
	[tilespmem:$0x140B0] =	vst v39  }
0x1fe: {  	[tilespmem:s29], [sflag:$0x1] =	stream.indirect.gather [spmem:s1], $0x80, s28, s26, $0xb8;
	[tilespmem:$0x1C280] =	vst v63  }
0x1ff: {  	_ =	swait.ge [sflag:s16], $0x2000  }
0x200: {  	[sflag:s16] =	ssyncset.done $0x0  }
0x201: {  	[sflag:s16] =	ssyncadd.s32 $0xFFFFE000  }
0x202: {  	v40 =	vld [tilespmem:$0x12080]  }
0x203: {  	v41 =	vld [tilespmem:$0x14000]  }
0x204: {  	v42 =	vld [tilespmem:$0x12090]  }
0x205: {  	v43 =	vld [tilespmem:$0x14010]  }
0x206: {  	v44 =	vld [tilespmem:$0x120A0]  }
0x207: {  	v45 =	vld [tilespmem:$0x14020]  }
0x208: {  	v46 =	vld [tilespmem:$0x120B0]  }
0x209: {  	v47 =	vld [tilespmem:$0x14030];
	_ =	sdelay $0x1  }
0x20a: {  	v0 =	vadd.s32 v40, v41  }
0x20b: {  	v48 =	vadd.s32 v42, v43;
	[tilespmem:$0x14100] =	vst v0  }
0x20c: {  	v49 =	vadd.s32 v44, v45;
	[tilespmem:$0x14110] =	vst v48  }
0x20d: {  	v50 =	vadd.s32 v46, v47;
	[tilespmem:$0x14120] =	vst v49  }
0x20e: {  	s18 =	simm.s32 $0x14100;
	[tilespmem:$0x14130] =	vst v50  }
0x20f: {  	[tilespmem:s31], [sflag:$0x2] =	stream.indirect.gather [spmem:s1], $0x80, s18, s26, $0xb8;
	[tilespmem:$0x1C280] =	vst v63  }
0x210: {  	_ =	swait.ge [sflag:s11], $0x2000  }
0x211: {  	[sflag:s11] =	ssyncset.done $0x0  }
0x212: {  	s8 =	simm.s32 $0x12180;
	[sflag:s11] =	ssyncadd.s32 $0xFFFFE000  }
0x213: {  	v51 =	vld [tilespmem:s8+$0xFFFFFF80]  }
0x214: {  	v52 =	vld [tilespmem:$0x14000];
	_ =	sdelay $0x4  }
0x215: {  	v0 =	vadd.s32 v51, v52  }
0x216: {  	v53 =	vld [tilespmem:$0x14010];
	[tilespmem:$0x14180] =	vst v0  }
0x217: {  	v54 =	vld [tilespmem:s8+$0xFFFFFF90];
	_ =	sdelay $0x4  }
0x218: {  	v0 =	vadd.s32 v54, v53  }
0x219: {  	v55 =	vld [tilespmem:$0x14020];
	[tilespmem:$0x14190] =	vst v0  }
0x21a: {  	v56 =	vld [tilespmem:s8+$0xFFFFFFA0];
	_ =	sdelay $0x4  }
0x21b: {  	v0 =	vadd.s32 v56, v55  }
0x21c: {  	v57 =	vld [tilespmem:$0x14030];
	[tilespmem:$0x141A0] =	vst v0  }
0x21d: {  	v58 =	vld [tilespmem:s8+$0xFFFFFFB0];
	_ =	sdelay $0x4  }
0x21e: {  	v0 =	vadd.s32 v58, v57  }
0x21f: {  	[tilespmem:$0x141B0] =	vst v0  }
0x220: {  	[tilespmem:s4], [sflag:$0x3] =	stream.indirect.gather [spmem:s1], $0x80, s0, s26, $0xb8;
	[tilespmem:$0x1C280] =	vst v63  }
0x221: {  	_ =	swait.ge [sflag:s20], $0x2000  }
0x222: {  	s10 =	sadd.s32 $0x0, s17;
	[sflag:s20] =	ssyncset.done $0x0  }
0x223: {  	s23 =	sadd.s32 $0x800, s10;
	[sflag:s20] =	ssyncadd.s32 $0xFFFFE000  }
0x224: {  	[hbm4b:s23+s3] =	stream.linear.scatter [tilespmem:s29], [sflag:$0x5], $0x2000, $0x38;
	[tilespmem:$0x1C280] =	vst v63  }
0x225: {  	_ =	swait.ge [sflag:s12], $0x2000  }
0x226: {  	[sflag:s12] =	ssyncset.done $0x0  }
0x227: {  	[sflag:s12] =	ssyncadd.s32 $0xFFFFE000  }
0x228: {  	v59 =	vld [tilespmem:s8+$0x0]  }
0x229: {  	v60 =	vld [tilespmem:$0x14000];
	_ =	sdelay $0x4  }
0x22a: {  	v0 =	vadd.s32 v59, v60  }
0x22b: {  	v61 =	vld [tilespmem:$0x14010];
	[tilespmem:$0x14200] =	vst v0  }
0x22c: {  	v0 =	vld [tilespmem:s8+$0x10];
	_ =	sdelay $0x4  }
0x22d: {  	v0 =	vadd.s32 v0, v61  }
0x22e: {  	v62 =	vld [tilespmem:$0x14020];
	[tilespmem:$0x14210] =	vst v0  }
0x22f: {  	v0 =	vld [tilespmem:s8+$0x20];
	_ =	sdelay $0x4  }
0x230: {  	v0 =	vadd.s32 v0, v62  }
0x231: {  	v63 =	vld [tilespmem:$0x14030];
	[tilespmem:$0x14220] =	vst v0  }
0x232: {  	v0 =	vld [tilespmem:s8+$0x30];
	_ =	sdelay $0x4  }
0x233: {  	v0 =	vadd.s32 v0, v63  }
0x234: {  	[tilespmem:$0x14230] =	vst v0  }
0x235: {  	[tilespmem:s22], [sflag:$0x4] =	stream.indirect.gather [spmem:s1], $0x80, s21, s26, $0xb8;
	[tilespmem:$0x1C280] =	vst v63  }
0x236: {  	_ =	swait.ge [sflag:s5], $0x2000  }
0x237: {  	p1 =	por $0x0, $0x0;
	[sflag:s5] =	ssyncset.done $0x0  }
0x238: {  	s24 =	sadd.s32 $0x2800, s10;
	s9 =	simm.s32 @p1 $0x3;
	[sflag:s5] =	ssyncadd.s32 $0xFFFFE000  }
0x239: {  	[hbm4b:s24+s3] =	stream.linear.scatter [tilespmem:s31], [sflag:$0x6], $0x2000, $0x38;
	[tilespmem:$0x1C280] =	vst v63  }
0x23a: {  	_ =	swait.ge @p1 [sflag:s9], $0x2000  }
0x23b: {  	s14 =	simm.s32 @p1 $0x18280;
	s15 =	simm.s32 @p1 $0x0;
	[sflag:s9] =	ssyncset.done @p1 $0x0  }
0x23c: {  	s7 =	rddreg [dreg:$0x8];
	[sflag:s9] =	ssyncadd.s32 @p1 $0xFFFFE000;
	s9 =	simm.s32 @!p1 $0x5  }
0x23d: {  	[hbm4b:s7+s15] =	stream.linear.scatter @p1 [tilespmem:s14], [sflag:$0x7], $0x2000, $0x38;
	[tilespmem:$0x1C280] =	vst v63  }
0x23e: {  	_ =	swait.ge @!p1 [sflag:s9], $0x2000  }
0x23f: {  	[sflag:s9] =	ssyncset.done @!p1 $0x0  }
0x240: {  	[sflag:s9] =	ssyncadd.s32 @!p1 $0xFFFFE000  }
0x241: {  	v0 =	vld @!p1 [tilespmem:s8+$0x80]  }
0x242: {  	v1 =	vld @!p1 [tilespmem:$0x14000];
	_ =	sdelay $0x4  }
0x243: {  	v0 =	vadd.s32 @!p1 v0, v1  }
0x244: {  	v1 =	vld @!p1 [tilespmem:$0x14010];
	[tilespmem:$0x14080] =	vst @!p1 v0  }
0x245: {  	v0 =	vld @!p1 [tilespmem:s8+$0x90];
	_ =	sdelay $0x4  }
0x246: {  	v0 =	vadd.s32 @!p1 v0, v1  }
0x247: {  	v1 =	vld @!p1 [tilespmem:$0x14020];
	[tilespmem:$0x14090] =	vst @!p1 v0  }
0x248: {  	v0 =	vld @!p1 [tilespmem:s8+$0xA0];
	_ =	sdelay $0x4  }
0x249: {  	v0 =	vadd.s32 @!p1 v0, v1  }
0x24a: {  	v1 =	vld @!p1 [tilespmem:$0x14030];
	[tilespmem:$0x140A0] =	vst @!p1 v0  }
0x24b: {  	v0 =	vld @!p1 [tilespmem:s8+$0xB0];
	_ =	sdelay $0x4  }
0x24c: {  	s7 =	simm.s32 @!p1 $0x14080;
	v0 =	vadd.s32 @!p1 v0, v1  }
0x24d: {  	s14 =	simm.s32 @!p1 $0x14280;
	s15 =	simm.s32 @!p1 $0x3;
	s9 =	simm.s32 @!p1 $0x40;
	[tilespmem:$0x140B0] =	vst @!p1 v0  }
0x24e: {  	[tilespmem:s14], [sflag:$0x1] =	stream.indirect.gather @!p1 [spmem:s1], $0x80, s7, s9, $0xb8;
	[tilespmem:$0x1C280] =	vst v63  }
0x24f: {  	_ =	swait.ge @!p1 [sflag:s15], $0x2000  }
0x250: {  	s7 =	sadd.s32 @!p1 $0x0, s17;
	s14 =	simm.s32 @!p1 $0x0;
	[sflag:s15] =	ssyncset.done @!p1 $0x0  }
0x251: {  	s7 =	sadd.s32 @!p1 $0x4800, s7;
	[sflag:s15] =	ssyncadd.s32 @!p1 $0xFFFFE000;
	s15 =	simm.s32 @!p1 $0x18280  }
0x252: {  	[hbm4b:s7+s14] =	stream.linear.scatter @!p1 [tilespmem:s15], [sflag:$0x7], $0x2000, $0x38;
	[tilespmem:$0x1C280] =	vst v63  }
0x253: {  	s7 =	simm.s32 @!p1 $0x6  }
0x254: {  	_ =	swait.ge @!p1 [sflag:s7], $0x2000  }
0x255: {  	[sflag:s7] =	ssyncset.done @!p1 $0x0  }
0x256: {  	[sflag:s7] =	ssyncadd.s32 @!p1 $0xFFFFE000  }
0x257: {  	v0 =	vld @!p1 [tilespmem:s8+$0x100]  }
0x258: {  	v1 =	vld @!p1 [tilespmem:$0x14000];
	_ =	sdelay $0x4  }
0x259: {  	v0 =	vadd.s32 @!p1 v0, v1  }
0x25a: {  	v1 =	vld @!p1 [tilespmem:$0x14010];
	[tilespmem:$0x14100] =	vst @!p1 v0  }
0x25b: {  	v0 =	vld @!p1 [tilespmem:s8+$0x110];
	_ =	sdelay $0x4  }
0x25c: {  	v0 =	vadd.s32 @!p1 v0, v1  }
0x25d: {  	v1 =	vld @!p1 [tilespmem:$0x14020];
	[tilespmem:$0x14110] =	vst @!p1 v0  }
0x25e: {  	v0 =	vld @!p1 [tilespmem:s8+$0x120];
	_ =	sdelay $0x4  }
0x25f: {  	v0 =	vadd.s32 @!p1 v0, v1  }
0x260: {  	v1 =	vld @!p1 [tilespmem:$0x14030];
	[tilespmem:$0x14120] =	vst @!p1 v0  }
0x261: {  	v0 =	vld @!p1 [tilespmem:s8+$0x130];
	_ =	sdelay $0x4  }
0x262: {  	s16 =	simm.s32 @!p1 $0x16280;
	s15 =	simm.s32 @!p1 $0x14100;
	v0 =	vadd.s32 @!p1 v0, v1  }
0x263: {  	s14 =	sadd.s32 $0x6800, s10;
	s10 =	simm.s32 $0x12380;
	s8 =	simm.s32 $0x8000;
	[tilespmem:$0x14130] =	vst @!p1 v0  }
.LBB2_6:
0x264: {  	[tilespmem:s16], [sflag:$0x2] =	stream.indirect.gather @!p1 [spmem:s1], $0x80, s15, s9, $0xb8;
	[tilespmem:$0x1C280] =	vst v63  }
0x265: {  	_ =	swait.ge [sflag:s6], $0x2000  }
0x266: {  	[sflag:s6] =	ssyncset.done $0x0  }
0x267: {  	[sflag:s6] =	ssyncadd.s32 $0xFFFFE000  }
0x268: {  	[hbm4b:s14+s3] =	stream.linear.scatter [tilespmem:s22], [sflag:$0x8], $0x2000, $0x38;
	[tilespmem:$0x1C280] =	vst v63  }
0x269: {  	_ =	swait.ge [sflag:s11], $0x2000  }
0x26a: {  	[sflag:s11] =	ssyncset.done $0x0  }
0x26b: {  	[sflag:s11] =	ssyncadd.s32 $0xFFFFE000  }
0x26c: {  	v0 =	vld [tilespmem:s10+$0xFFFFFF80]  }
0x26d: {  	v1 =	vld [tilespmem:$0x14000];
	_ =	sdelay $0x4  }
0x26e: {  	v0 =	vadd.s32 v0, v1  }
0x26f: {  	v53 =	vld [tilespmem:$0x14010];
	[tilespmem:$0x14180] =	vst v0  }
0x270: {  	v54 =	vld [tilespmem:s10+$0xFFFFFF90];
	_ =	sdelay $0x4  }
0x271: {  	v0 =	vadd.s32 v54, v53  }
0x272: {  	v55 =	vld [tilespmem:$0x14020];
	[tilespmem:$0x14190] =	vst v0  }
0x273: {  	v56 =	vld [tilespmem:s10+$0xFFFFFFA0];
	_ =	sdelay $0x4  }
0x274: {  	v0 =	vadd.s32 v56, v55  }
0x275: {  	v57 =	vld [tilespmem:$0x14030];
	[tilespmem:$0x141A0] =	vst v0  }
0x276: {  	v58 =	vld [tilespmem:s10+$0xFFFFFFB0];
	_ =	sdelay $0x4  }
0x277: {  	v0 =	vadd.s32 v58, v57  }
0x278: {  	[tilespmem:$0x141B0] =	vst v0  }
0x279: {  	[tilespmem:s4], [sflag:$0x3] =	stream.indirect.gather [spmem:s1], $0x80, s0, s26, $0xb8;
	[tilespmem:$0x1C280] =	vst v63  }
0x27a: {  	s9 =	smov.u32 s8;
	_ =	swait.ge [sflag:s20], $0x2000  }
0x27b: {  	s14 =	sadd.s32 s9, s17;
	[sflag:s20] =	ssyncset.done $0x0  }
0x27c: {  	s7 =	sadd.s32 $0x800, s14;
	[sflag:s20] =	ssyncadd.s32 $0xFFFFE000  }
0x27d: {  	[hbm4b:s7+s3] =	stream.linear.scatter [tilespmem:s29], [sflag:$0x5], $0x2000, $0x38;
	[tilespmem:$0x1C280] =	vst v63  }
0x27e: {  	_ =	swait.ge [sflag:s12], $0x2000  }
0x27f: {  	[sflag:s12] =	ssyncset.done $0x0  }
0x280: {  	[sflag:s12] =	ssyncadd.s32 $0xFFFFE000  }
0x281: {  	v59 =	vld [tilespmem:s10+$0x0]  }
0x282: {  	v60 =	vld [tilespmem:$0x14000];
	_ =	sdelay $0x4  }
0x283: {  	v0 =	vadd.s32 v59, v60  }
0x284: {  	v61 =	vld [tilespmem:$0x14010];
	[tilespmem:$0x14200] =	vst v0  }
0x285: {  	v0 =	vld [tilespmem:s10+$0x10];
	_ =	sdelay $0x4  }
0x286: {  	v0 =	vadd.s32 v0, v61  }
0x287: {  	v62 =	vld [tilespmem:$0x14020];
	[tilespmem:$0x14210] =	vst v0  }
0x288: {  	v0 =	vld [tilespmem:s10+$0x20];
	_ =	sdelay $0x4  }
0x289: {  	v0 =	vadd.s32 v0, v62  }
0x28a: {  	v63 =	vld [tilespmem:$0x14030];
	[tilespmem:$0x14220] =	vst v0  }
0x28b: {  	v0 =	vld [tilespmem:s10+$0x30];
	_ =	sdelay $0x4  }
0x28c: {  	v0 =	vadd.s32 v0, v63  }
0x28d: {  	[tilespmem:$0x14230] =	vst v0  }
0x28e: {  	[tilespmem:s22], [sflag:$0x4] =	stream.indirect.gather [spmem:s1], $0x80, s21, s26, $0xb8;
	[tilespmem:$0x1C280] =	vst v63  }
0x28f: {  	p1 =	seq.s32 s9, $0x78000;
	_ =	swait.ge [sflag:s5], $0x2000  }
0x290: {  	s16 =	simm.s32 @p1 $0x3;
	[sflag:s5] =	ssyncset.done $0x0  }
0x291: {  	s9 =	sadd.s32 @!p1 s9, s17;
	s24 =	sadd.s32 $0x2800, s14;
	[sflag:s5] =	ssyncadd.s32 $0xFFFFE000  }
0x292: {  	[hbm4b:s24+s3] =	stream.linear.scatter [tilespmem:s31], [sflag:$0x6], $0x2000, $0x38;
	[tilespmem:$0x1C280] =	vst v63  }
0x293: {  	s15 =	sadd.s32 @!p1 $0x4800, s9;
	_ =	swait.ge @p1 [sflag:s16], $0x2000  }
0x294: {  	s9 =	simm.s32 @p1 $0x0;
	s7 =	simm.s32 @p1 $0x18280;
	[sflag:s16] =	ssyncset.done @p1 $0x0  }
0x295: {  	s18 =	rddreg [dreg:$0x8];
	[sflag:s16] =	ssyncadd.s32 @p1 $0xFFFFE000;
	s16 =	simm.s32 @!p1 $0x5  }
0x296: {  	[hbm4b:s18+s9] =	stream.linear.scatter @p1 [tilespmem:s7], [sflag:$0x7], $0x2000, $0x38;
	[tilespmem:$0x1C280] =	vst v63  }
0x297: {  	_ =	swait.ge @!p1 [sflag:s16], $0x2000  }
0x298: {  	[sflag:s16] =	ssyncset.done @!p1 $0x0  }
0x299: {  	[sflag:s16] =	ssyncadd.s32 @!p1 $0xFFFFE000  }
0x29a: {  	v0 =	vld @!p1 [tilespmem:s10+$0x80]  }
0x29b: {  	v1 =	vld @!p1 [tilespmem:$0x14000];
	_ =	sdelay $0x4  }
0x29c: {  	v0 =	vadd.s32 @!p1 v0, v1  }
0x29d: {  	v2 =	vld @!p1 [tilespmem:$0x14010];
	[tilespmem:$0x14080] =	vst @!p1 v0  }
0x29e: {  	v0 =	vld @!p1 [tilespmem:s10+$0x90];
	_ =	sdelay $0x4  }
0x29f: {  	v0 =	vadd.s32 @!p1 v0, v2  }
0x2a0: {  	v1 =	vld @!p1 [tilespmem:$0x14020];
	[tilespmem:$0x14090] =	vst @!p1 v0  }
0x2a1: {  	v0 =	vld @!p1 [tilespmem:s10+$0xA0];
	_ =	sdelay $0x4  }
0x2a2: {  	v0 =	vadd.s32 @!p1 v0, v1  }
0x2a3: {  	v2 =	vld @!p1 [tilespmem:$0x14030];
	[tilespmem:$0x140A0] =	vst @!p1 v0  }
0x2a4: {  	v0 =	vld @!p1 [tilespmem:s10+$0xB0];
	_ =	sdelay $0x4  }
0x2a5: {  	s9 =	simm.s32 @!p1 $0x40;
	v0 =	vadd.s32 @!p1 v0, v2  }
0x2a6: {  	s7 =	simm.s32 @!p1 $0x14080;
	s18 =	simm.s32 @!p1 $0x3;
	s16 =	simm.s32 @!p1 $0x14280;
	[tilespmem:$0x140B0] =	vst @!p1 v0  }
0x2a7: {  	[tilespmem:s16], [sflag:$0x1] =	stream.indirect.gather @!p1 [spmem:s1], $0x80, s7, s9, $0xb8;
	[tilespmem:$0x1C280] =	vst v63  }
0x2a8: {  	_ =	swait.ge @!p1 [sflag:s18], $0x2000  }
0x2a9: {  	s23 =	simm.s32 @!p1 $0x0;
	[sflag:s18] =	ssyncset.done @!p1 $0x0  }
0x2aa: {  	s24 =	simm.s32 @!p1 $0x18280;
	s7 =	simm.s32 @!p1 $0x6;
	[sflag:s18] =	ssyncadd.s32 @!p1 $0xFFFFE000  }
0x2ab: {  	[hbm4b:s15+s23] =	stream.linear.scatter @!p1 [tilespmem:s24], [sflag:$0x7], $0x2000, $0x38;
	[tilespmem:$0x1C280] =	vst v63  }
0x2ac: {  	_ =	swait.ge @!p1 [sflag:s7], $0x2000  }
0x2ad: {  	[sflag:s7] =	ssyncset.done @!p1 $0x0  }
0x2ae: {  	[sflag:s7] =	ssyncadd.s32 @!p1 $0xFFFFE000  }
0x2af: {  	v0 =	vld @!p1 [tilespmem:s10+$0x100]  }
0x2b0: {  	v1 =	vld @!p1 [tilespmem:$0x14000];
	_ =	sdelay $0x4  }
0x2b1: {  	v0 =	vadd.s32 @!p1 v0, v1  }
0x2b2: {  	v2 =	vld @!p1 [tilespmem:$0x14010];
	[tilespmem:$0x14100] =	vst @!p1 v0  }
0x2b3: {  	v0 =	vld @!p1 [tilespmem:s10+$0x110];
	_ =	sdelay $0x4  }
0x2b4: {  	v0 =	vadd.s32 @!p1 v0, v2  }
0x2b5: {  	v1 =	vld @!p1 [tilespmem:$0x14020];
	[tilespmem:$0x14110] =	vst @!p1 v0  }
0x2b6: {  	v0 =	vld @!p1 [tilespmem:s10+$0x120];
	_ =	sdelay $0x4  }
0x2b7: {  	v0 =	vadd.s32 @!p1 v0, v1  }
0x2b8: {  	v2 =	vld @!p1 [tilespmem:$0x14030];
	[tilespmem:$0x14120] =	vst @!p1 v0  }
0x2b9: {  	s8 =	sadd.s32 $0x8000, s8;
	v0 =	vld @!p1 [tilespmem:s10+$0x130]  }
0x2ba: {  	p0 =	sne.s32 s8, $0x80000  }
.Ltmp2:
0x2bb: {  	_ = 	snop;
	(pc) =	sbr.rel @p0 .LBB2_6-.Ltmp2, $3  }
0x2bc: {  	_ =	sdelay $0x1  }
0x2bd: {  	s14 =	sadd.s32 $0x6800, s14;
	v0 =	vadd.s32 @!p1 v0, v2  }
0x2be: {  	s16 =	simm.s32 @!p1 $0x16280;
	s15 =	simm.s32 @!p1 $0x14100;
	s10 =	sadd.s32 $0x200, s10;
	[tilespmem:$0x14130] =	vst @!p1 v0  }
0x2bf: {  	[tilespmem:s16], [sflag:$0x2] =	stream.indirect.gather @!p1 [spmem:s1], $0x80, s15, s9, $0xb8;
	[tilespmem:$0x1C280] =	vst v63  }
0x2c0: {  	_ =	swait.ge [sflag:s6], $0x2000  }
0x2c1: {  	[sflag:s6] =	ssyncset.done $0x0  }
0x2c2: {  	s7 =	simm.s32 $0xA;
	[sflag:s6] =	ssyncadd.s32 $0xFFFFE000  }
0x2c3: {  	[hbm4b:s14+s3] =	stream.linear.scatter [tilespmem:s22], [sflag:$0x8], $0x2000, $0x38;
	[tilespmem:$0x1C280] =	vst v63  }
0x2c4: {  	_ =	swait.ge [sflag:s7], $0x1000  }
0x2c5: {  	[sflag:s7] =	ssyncset.done $0x0  }
0x2c6: {  	[sflag:s7] =	ssyncadd.s32 $0xFFFFF000  }
0x2c7: {  	[bflag:$0x0] =	sbarrier.arrive $0xFFFF  }
0x2c8: {  	_ =	swait.ge [sflag:s19], $0x2000  }
0x2c9: {  	[sflag:s19] =	ssyncset.done $0x0  }
0x2ca: {  	[sflag:s19] =	ssyncadd.s32 $0xFFFFE000  }
0x2cb: {  	v0 =	vld [tilespmem:$0x12040]  }
0x2cc: {  	v1 =	vld [tilespmem:$0x14000]  }
0x2cd: {  	v2 =	vld [tilespmem:$0x12050]  }
0x2ce: {  	v3 =	vld [tilespmem:$0x14010]  }
0x2cf: {  	v4 =	vld [tilespmem:$0x12060]  }
0x2d0: {  	v5 =	vld [tilespmem:$0x14020]  }
0x2d1: {  	v6 =	vld [tilespmem:$0x12070]  }
0x2d2: {  	v7 =	vld [tilespmem:$0x14030];
	_ =	sdelay $0x1  }
0x2d3: {  	v0 =	vadd.s32 v0, v1  }
0x2d4: {  	v37 =	vadd.s32 v2, v3;
	[tilespmem:$0x14080] =	vst v0  }
0x2d5: {  	v38 =	vadd.s32 v4, v5;
	[tilespmem:$0x14090] =	vst v37  }
0x2d6: {  	v39 =	vadd.s32 v6, v7;
	[tilespmem:$0x140A0] =	vst v38  }
0x2d7: {  	s16 =	simm.s32 $0x6;
	[tilespmem:$0x140B0] =	vst v39  }
0x2d8: {  	[tilespmem:s29], [sflag:$0x1] =	stream.indirect.gather [spmem:s2], $0x80, s28, s26, $0xb8;
	[tilespmem:$0x1C280] =	vst v63  }
0x2d9: {  	_ =	swait.ge [sflag:s16], $0x2000  }
0x2da: {  	[sflag:s16] =	ssyncset.done $0x0  }
0x2db: {  	[sflag:s16] =	ssyncadd.s32 $0xFFFFE000  }
0x2dc: {  	v40 =	vld [tilespmem:$0x120C0]  }
0x2dd: {  	v41 =	vld [tilespmem:$0x14000]  }
0x2de: {  	v42 =	vld [tilespmem:$0x120D0]  }
0x2df: {  	v43 =	vld [tilespmem:$0x14010]  }
0x2e0: {  	v44 =	vld [tilespmem:$0x120E0]  }
0x2e1: {  	v45 =	vld [tilespmem:$0x14020]  }
0x2e2: {  	v46 =	vld [tilespmem:$0x120F0]  }
0x2e3: {  	v47 =	vld [tilespmem:$0x14030];
	_ =	sdelay $0x1  }
0x2e4: {  	v0 =	vadd.s32 v40, v41  }
0x2e5: {  	v48 =	vadd.s32 v42, v43;
	[tilespmem:$0x14100] =	vst v0  }
0x2e6: {  	v49 =	vadd.s32 v44, v45;
	[tilespmem:$0x14110] =	vst v48  }
0x2e7: {  	v50 =	vadd.s32 v46, v47;
	[tilespmem:$0x14120] =	vst v49  }
0x2e8: {  	s18 =	simm.s32 $0x14100;
	[tilespmem:$0x14130] =	vst v50  }
0x2e9: {  	[tilespmem:s31], [sflag:$0x2] =	stream.indirect.gather [spmem:s2], $0x80, s18, s26, $0xb8;
	[tilespmem:$0x1C280] =	vst v63  }
0x2ea: {  	_ =	swait.ge [sflag:s11], $0x2000  }
0x2eb: {  	[sflag:s11] =	ssyncset.done $0x0  }
0x2ec: {  	s8 =	simm.s32 $0x121C0;
	[sflag:s11] =	ssyncadd.s32 $0xFFFFE000  }
0x2ed: {  	v51 =	vld [tilespmem:s8+$0xFFFFFF80]  }
0x2ee: {  	v52 =	vld [tilespmem:$0x14000];
	_ =	sdelay $0x4  }
0x2ef: {  	v0 =	vadd.s32 v51, v52  }
0x2f0: {  	v53 =	vld [tilespmem:$0x14010];
	[tilespmem:$0x14180] =	vst v0  }
0x2f1: {  	v54 =	vld [tilespmem:s8+$0xFFFFFF90];
	_ =	sdelay $0x4  }
0x2f2: {  	v0 =	vadd.s32 v54, v53  }
0x2f3: {  	v55 =	vld [tilespmem:$0x14020];
	[tilespmem:$0x14190] =	vst v0  }
0x2f4: {  	v56 =	vld [tilespmem:s8+$0xFFFFFFA0];
	_ =	sdelay $0x4  }
0x2f5: {  	v0 =	vadd.s32 v56, v55  }
0x2f6: {  	v57 =	vld [tilespmem:$0x14030];
	[tilespmem:$0x141A0] =	vst v0  }
0x2f7: {  	v58 =	vld [tilespmem:s8+$0xFFFFFFB0];
	_ =	sdelay $0x4  }
0x2f8: {  	v0 =	vadd.s32 v58, v57  }
0x2f9: {  	[tilespmem:$0x141B0] =	vst v0  }
0x2fa: {  	[tilespmem:s4], [sflag:$0x3] =	stream.indirect.gather [spmem:s2], $0x80, s0, s26, $0xb8;
	[tilespmem:$0x1C280] =	vst v63  }
0x2fb: {  	_ =	swait.ge [sflag:s20], $0x2000  }
0x2fc: {  	s10 =	sadd.s32 $0x0, s17;
	[sflag:s20] =	ssyncset.done $0x0  }
0x2fd: {  	s23 =	sadd.s32 $0xC00, s10;
	[sflag:s20] =	ssyncadd.s32 $0xFFFFE000  }
0x2fe: {  	[hbm4b:s23+s3] =	stream.linear.scatter [tilespmem:s29], [sflag:$0x5], $0x2000, $0x38;
	[tilespmem:$0x1C280] =	vst v63  }
0x2ff: {  	_ =	swait.ge [sflag:s12], $0x2000  }
0x300: {  	[sflag:s12] =	ssyncset.done $0x0  }
0x301: {  	[sflag:s12] =	ssyncadd.s32 $0xFFFFE000  }
0x302: {  	v59 =	vld [tilespmem:s8+$0x0]  }
0x303: {  	v60 =	vld [tilespmem:$0x14000];
	_ =	sdelay $0x4  }
0x304: {  	v0 =	vadd.s32 v59, v60  }
0x305: {  	v61 =	vld [tilespmem:$0x14010];
	[tilespmem:$0x14200] =	vst v0  }
0x306: {  	v0 =	vld [tilespmem:s8+$0x10];
	_ =	sdelay $0x4  }
0x307: {  	v0 =	vadd.s32 v0, v61  }
0x308: {  	v62 =	vld [tilespmem:$0x14020];
	[tilespmem:$0x14210] =	vst v0  }
0x309: {  	v0 =	vld [tilespmem:s8+$0x20];
	_ =	sdelay $0x4  }
0x30a: {  	v0 =	vadd.s32 v0, v62  }
0x30b: {  	v63 =	vld [tilespmem:$0x14030];
	[tilespmem:$0x14220] =	vst v0  }
0x30c: {  	v0 =	vld [tilespmem:s8+$0x30];
	_ =	sdelay $0x4  }
0x30d: {  	v0 =	vadd.s32 v0, v63  }
0x30e: {  	[tilespmem:$0x14230] =	vst v0  }
0x30f: {  	[tilespmem:s22], [sflag:$0x4] =	stream.indirect.gather [spmem:s2], $0x80, s21, s26, $0xb8;
	[tilespmem:$0x1C280] =	vst v63  }
0x310: {  	_ =	swait.ge [sflag:s5], $0x2000  }
0x311: {  	p1 =	por $0x0, $0x0;
	[sflag:s5] =	ssyncset.done $0x0  }
0x312: {  	s24 =	sadd.s32 $0x2C00, s10;
	s9 =	simm.s32 @p1 $0x3;
	[sflag:s5] =	ssyncadd.s32 $0xFFFFE000  }
0x313: {  	[hbm4b:s24+s3] =	stream.linear.scatter [tilespmem:s31], [sflag:$0x6], $0x2000, $0x38;
	[tilespmem:$0x1C280] =	vst v63  }
0x314: {  	_ =	swait.ge @p1 [sflag:s9], $0x2000  }
0x315: {  	s15 =	simm.s32 @p1 $0x0;
	s14 =	simm.s32 @p1 $0x18280;
	[sflag:s9] =	ssyncset.done @p1 $0x0  }
0x316: {  	s7 =	rddreg [dreg:$0x9];
	[sflag:s9] =	ssyncadd.s32 @p1 $0xFFFFE000;
	s9 =	simm.s32 @!p1 $0x5  }
0x317: {  	[hbm4b:s7+s15] =	stream.linear.scatter @p1 [tilespmem:s14], [sflag:$0x7], $0x2000, $0x38;
	[tilespmem:$0x1C280] =	vst v63  }
0x318: {  	_ =	swait.ge @!p1 [sflag:s9], $0x2000  }
0x319: {  	[sflag:s9] =	ssyncset.done @!p1 $0x0  }
0x31a: {  	[sflag:s9] =	ssyncadd.s32 @!p1 $0xFFFFE000  }
0x31b: {  	v0 =	vld @!p1 [tilespmem:s8+$0x80]  }
0x31c: {  	v1 =	vld @!p1 [tilespmem:$0x14000];
	_ =	sdelay $0x4  }
0x31d: {  	v0 =	vadd.s32 @!p1 v0, v1  }
0x31e: {  	v1 =	vld @!p1 [tilespmem:$0x14010];
	[tilespmem:$0x14080] =	vst @!p1 v0  }
0x31f: {  	v0 =	vld @!p1 [tilespmem:s8+$0x90];
	_ =	sdelay $0x4  }
0x320: {  	v0 =	vadd.s32 @!p1 v0, v1  }
0x321: {  	v1 =	vld @!p1 [tilespmem:$0x14020];
	[tilespmem:$0x14090] =	vst @!p1 v0  }
0x322: {  	v0 =	vld @!p1 [tilespmem:s8+$0xA0];
	_ =	sdelay $0x4  }
0x323: {  	v0 =	vadd.s32 @!p1 v0, v1  }
0x324: {  	v1 =	vld @!p1 [tilespmem:$0x14030];
	[tilespmem:$0x140A0] =	vst @!p1 v0  }
0x325: {  	v0 =	vld @!p1 [tilespmem:s8+$0xB0];
	_ =	sdelay $0x4  }
0x326: {  	s7 =	simm.s32 @!p1 $0x14080;
	v0 =	vadd.s32 @!p1 v0, v1  }
0x327: {  	s14 =	simm.s32 @!p1 $0x14280;
	s15 =	simm.s32 @!p1 $0x3;
	s9 =	simm.s32 @!p1 $0x40;
	[tilespmem:$0x140B0] =	vst @!p1 v0  }
0x328: {  	[tilespmem:s14], [sflag:$0x1] =	stream.indirect.gather @!p1 [spmem:s2], $0x80, s7, s9, $0xb8;
	[tilespmem:$0x1C280] =	vst v63  }
0x329: {  	_ =	swait.ge @!p1 [sflag:s15], $0x2000  }
0x32a: {  	s7 =	sadd.s32 @!p1 $0x0, s17;
	s14 =	simm.s32 @!p1 $0x0;
	[sflag:s15] =	ssyncset.done @!p1 $0x0  }
0x32b: {  	s7 =	sadd.s32 @!p1 $0x4C00, s7;
	[sflag:s15] =	ssyncadd.s32 @!p1 $0xFFFFE000;
	s15 =	simm.s32 @!p1 $0x18280  }
0x32c: {  	[hbm4b:s7+s14] =	stream.linear.scatter @!p1 [tilespmem:s15], [sflag:$0x7], $0x2000, $0x38;
	[tilespmem:$0x1C280] =	vst v63  }
0x32d: {  	s7 =	simm.s32 @!p1 $0x6  }
0x32e: {  	_ =	swait.ge @!p1 [sflag:s7], $0x2000  }
0x32f: {  	[sflag:s7] =	ssyncset.done @!p1 $0x0  }
0x330: {  	[sflag:s7] =	ssyncadd.s32 @!p1 $0xFFFFE000  }
0x331: {  	v0 =	vld @!p1 [tilespmem:s8+$0x100]  }
0x332: {  	v1 =	vld @!p1 [tilespmem:$0x14000];
	_ =	sdelay $0x4  }
0x333: {  	v0 =	vadd.s32 @!p1 v0, v1  }
0x334: {  	v1 =	vld @!p1 [tilespmem:$0x14010];
	[tilespmem:$0x14100] =	vst @!p1 v0  }
0x335: {  	v0 =	vld @!p1 [tilespmem:s8+$0x110];
	_ =	sdelay $0x4  }
0x336: {  	v0 =	vadd.s32 @!p1 v0, v1  }
0x337: {  	v1 =	vld @!p1 [tilespmem:$0x14020];
	[tilespmem:$0x14110] =	vst @!p1 v0  }
0x338: {  	v0 =	vld @!p1 [tilespmem:s8+$0x120];
	_ =	sdelay $0x4  }
0x339: {  	v0 =	vadd.s32 @!p1 v0, v1  }
0x33a: {  	v1 =	vld @!p1 [tilespmem:$0x14030];
	[tilespmem:$0x14120] =	vst @!p1 v0  }
0x33b: {  	v0 =	vld @!p1 [tilespmem:s8+$0x130];
	_ =	sdelay $0x4  }
0x33c: {  	s16 =	simm.s32 @!p1 $0x16280;
	s15 =	simm.s32 @!p1 $0x14100;
	v0 =	vadd.s32 @!p1 v0, v1  }
0x33d: {  	s14 =	sadd.s32 $0x6C00, s10;
	s10 =	simm.s32 $0x123C0;
	s8 =	simm.s32 $0x8000;
	[tilespmem:$0x14130] =	vst @!p1 v0  }
.LBB2_8:
0x33e: {  	[tilespmem:s16], [sflag:$0x2] =	stream.indirect.gather @!p1 [spmem:s2], $0x80, s15, s9, $0xb8;
	[tilespmem:$0x1C280] =	vst v63  }
0x33f: {  	_ =	swait.ge [sflag:s6], $0x2000  }
0x340: {  	[sflag:s6] =	ssyncset.done $0x0  }
0x341: {  	[sflag:s6] =	ssyncadd.s32 $0xFFFFE000  }
0x342: {  	[hbm4b:s14+s3] =	stream.linear.scatter [tilespmem:s22], [sflag:$0x8], $0x2000, $0x38;
	[tilespmem:$0x1C280] =	vst v63  }
0x343: {  	_ =	swait.ge [sflag:s11], $0x2000  }
0x344: {  	[sflag:s11] =	ssyncset.done $0x0  }
0x345: {  	[sflag:s11] =	ssyncadd.s32 $0xFFFFE000  }
0x346: {  	v0 =	vld [tilespmem:s10+$0xFFFFFF80]  }
0x347: {  	v1 =	vld [tilespmem:$0x14000];
	_ =	sdelay $0x4  }
0x348: {  	v0 =	vadd.s32 v0, v1  }
0x349: {  	v53 =	vld [tilespmem:$0x14010];
	[tilespmem:$0x14180] =	vst v0  }
0x34a: {  	v54 =	vld [tilespmem:s10+$0xFFFFFF90];
	_ =	sdelay $0x4  }
0x34b: {  	v0 =	vadd.s32 v54, v53  }
0x34c: {  	v55 =	vld [tilespmem:$0x14020];
	[tilespmem:$0x14190] =	vst v0  }
0x34d: {  	v56 =	vld [tilespmem:s10+$0xFFFFFFA0];
	_ =	sdelay $0x4  }
0x34e: {  	v0 =	vadd.s32 v56, v55  }
0x34f: {  	v57 =	vld [tilespmem:$0x14030];
	[tilespmem:$0x141A0] =	vst v0  }
0x350: {  	v58 =	vld [tilespmem:s10+$0xFFFFFFB0];
	_ =	sdelay $0x4  }
0x351: {  	v0 =	vadd.s32 v58, v57  }
0x352: {  	[tilespmem:$0x141B0] =	vst v0  }
0x353: {  	[tilespmem:s4], [sflag:$0x3] =	stream.indirect.gather [spmem:s2], $0x80, s0, s26, $0xb8;
	[tilespmem:$0x1C280] =	vst v63  }
0x354: {  	s9 =	smov.u32 s8;
	_ =	swait.ge [sflag:s20], $0x2000  }
0x355: {  	s14 =	sadd.s32 s9, s17;
	[sflag:s20] =	ssyncset.done $0x0  }
0x356: {  	s7 =	sadd.s32 $0xC00, s14;
	[sflag:s20] =	ssyncadd.s32 $0xFFFFE000  }
0x357: {  	[hbm4b:s7+s3] =	stream.linear.scatter [tilespmem:s29], [sflag:$0x5], $0x2000, $0x38;
	[tilespmem:$0x1C280] =	vst v63  }
0x358: {  	_ =	swait.ge [sflag:s12], $0x2000  }
0x359: {  	[sflag:s12] =	ssyncset.done $0x0  }
0x35a: {  	[sflag:s12] =	ssyncadd.s32 $0xFFFFE000  }
0x35b: {  	v59 =	vld [tilespmem:s10+$0x0]  }
0x35c: {  	v60 =	vld [tilespmem:$0x14000];
	_ =	sdelay $0x4  }
0x35d: {  	v0 =	vadd.s32 v59, v60  }
0x35e: {  	v61 =	vld [tilespmem:$0x14010];
	[tilespmem:$0x14200] =	vst v0  }
0x35f: {  	v0 =	vld [tilespmem:s10+$0x10];
	_ =	sdelay $0x4  }
0x360: {  	v0 =	vadd.s32 v0, v61  }
0x361: {  	v62 =	vld [tilespmem:$0x14020];
	[tilespmem:$0x14210] =	vst v0  }
0x362: {  	v0 =	vld [tilespmem:s10+$0x20];
	_ =	sdelay $0x4  }
0x363: {  	v0 =	vadd.s32 v0, v62  }
0x364: {  	v63 =	vld [tilespmem:$0x14030];
	[tilespmem:$0x14220] =	vst v0  }
0x365: {  	v0 =	vld [tilespmem:s10+$0x30];
	_ =	sdelay $0x4  }
0x366: {  	v0 =	vadd.s32 v0, v63  }
0x367: {  	[tilespmem:$0x14230] =	vst v0  }
0x368: {  	[tilespmem:s22], [sflag:$0x4] =	stream.indirect.gather [spmem:s2], $0x80, s21, s26, $0xb8;
	[tilespmem:$0x1C280] =	vst v63  }
0x369: {  	p1 =	seq.s32 s9, $0x78000;
	_ =	swait.ge [sflag:s5], $0x2000  }
0x36a: {  	s16 =	simm.s32 @p1 $0x3;
	[sflag:s5] =	ssyncset.done $0x0  }
0x36b: {  	s9 =	sadd.s32 @!p1 s9, s17;
	s24 =	sadd.s32 $0x2C00, s14;
	[sflag:s5] =	ssyncadd.s32 $0xFFFFE000  }
0x36c: {  	[hbm4b:s24+s3] =	stream.linear.scatter [tilespmem:s31], [sflag:$0x6], $0x2000, $0x38;
	[tilespmem:$0x1C280] =	vst v63  }
0x36d: {  	s15 =	sadd.s32 @!p1 $0x4C00, s9;
	_ =	swait.ge @p1 [sflag:s16], $0x2000  }
0x36e: {  	s9 =	simm.s32 @p1 $0x0;
	s7 =	simm.s32 @p1 $0x18280;
	[sflag:s16] =	ssyncset.done @p1 $0x0  }
0x36f: {  	s18 =	rddreg [dreg:$0x9];
	[sflag:s16] =	ssyncadd.s32 @p1 $0xFFFFE000;
	s16 =	simm.s32 @!p1 $0x5  }
0x370: {  	[hbm4b:s18+s9] =	stream.linear.scatter @p1 [tilespmem:s7], [sflag:$0x7], $0x2000, $0x38;
	[tilespmem:$0x1C280] =	vst v63  }
0x371: {  	_ =	swait.ge @!p1 [sflag:s16], $0x2000  }
0x372: {  	[sflag:s16] =	ssyncset.done @!p1 $0x0  }
0x373: {  	[sflag:s16] =	ssyncadd.s32 @!p1 $0xFFFFE000  }
0x374: {  	v0 =	vld @!p1 [tilespmem:s10+$0x80]  }
0x375: {  	v1 =	vld @!p1 [tilespmem:$0x14000];
	_ =	sdelay $0x4  }
0x376: {  	v0 =	vadd.s32 @!p1 v0, v1  }
0x377: {  	v2 =	vld @!p1 [tilespmem:$0x14010];
	[tilespmem:$0x14080] =	vst @!p1 v0  }
0x378: {  	v0 =	vld @!p1 [tilespmem:s10+$0x90];
	_ =	sdelay $0x4  }
0x379: {  	v0 =	vadd.s32 @!p1 v0, v2  }
0x37a: {  	v1 =	vld @!p1 [tilespmem:$0x14020];
	[tilespmem:$0x14090] =	vst @!p1 v0  }
0x37b: {  	v0 =	vld @!p1 [tilespmem:s10+$0xA0];
	_ =	sdelay $0x4  }
0x37c: {  	v0 =	vadd.s32 @!p1 v0, v1  }
0x37d: {  	v2 =	vld @!p1 [tilespmem:$0x14030];
	[tilespmem:$0x140A0] =	vst @!p1 v0  }
0x37e: {  	v0 =	vld @!p1 [tilespmem:s10+$0xB0];
	_ =	sdelay $0x4  }
0x37f: {  	s9 =	simm.s32 @!p1 $0x40;
	v0 =	vadd.s32 @!p1 v0, v2  }
0x380: {  	s7 =	simm.s32 @!p1 $0x14080;
	s18 =	simm.s32 @!p1 $0x3;
	s16 =	simm.s32 @!p1 $0x14280;
	[tilespmem:$0x140B0] =	vst @!p1 v0  }
0x381: {  	[tilespmem:s16], [sflag:$0x1] =	stream.indirect.gather @!p1 [spmem:s2], $0x80, s7, s9, $0xb8;
	[tilespmem:$0x1C280] =	vst v63  }
0x382: {  	_ =	swait.ge @!p1 [sflag:s18], $0x2000  }
0x383: {  	s23 =	simm.s32 @!p1 $0x0;
	[sflag:s18] =	ssyncset.done @!p1 $0x0  }
0x384: {  	s24 =	simm.s32 @!p1 $0x18280;
	s7 =	simm.s32 @!p1 $0x6;
	[sflag:s18] =	ssyncadd.s32 @!p1 $0xFFFFE000  }
0x385: {  	[hbm4b:s15+s23] =	stream.linear.scatter @!p1 [tilespmem:s24], [sflag:$0x7], $0x2000, $0x38;
	[tilespmem:$0x1C280] =	vst v63  }
0x386: {  	_ =	swait.ge @!p1 [sflag:s7], $0x2000  }
0x387: {  	[sflag:s7] =	ssyncset.done @!p1 $0x0  }
0x388: {  	[sflag:s7] =	ssyncadd.s32 @!p1 $0xFFFFE000  }
0x389: {  	v0 =	vld @!p1 [tilespmem:s10+$0x100]  }
0x38a: {  	v1 =	vld @!p1 [tilespmem:$0x14000];
	_ =	sdelay $0x4  }
0x38b: {  	v0 =	vadd.s32 @!p1 v0, v1  }
0x38c: {  	v2 =	vld @!p1 [tilespmem:$0x14010];
	[tilespmem:$0x14100] =	vst @!p1 v0  }
0x38d: {  	v0 =	vld @!p1 [tilespmem:s10+$0x110];
	_ =	sdelay $0x4  }
0x38e: {  	v0 =	vadd.s32 @!p1 v0, v2  }
0x38f: {  	v1 =	vld @!p1 [tilespmem:$0x14020];
	[tilespmem:$0x14110] =	vst @!p1 v0  }
0x390: {  	v0 =	vld @!p1 [tilespmem:s10+$0x120];
	_ =	sdelay $0x4  }
0x391: {  	v0 =	vadd.s32 @!p1 v0, v1  }
0x392: {  	v2 =	vld @!p1 [tilespmem:$0x14030];
	[tilespmem:$0x14120] =	vst @!p1 v0  }
0x393: {  	s8 =	sadd.s32 $0x8000, s8;
	v0 =	vld @!p1 [tilespmem:s10+$0x130]  }
0x394: {  	p0 =	sne.s32 s8, $0x80000  }
.Ltmp3:
0x395: {  	_ = 	snop;
	(pc) =	sbr.rel @p0 .LBB2_8-.Ltmp3, $3  }
0x396: {  	_ =	sdelay $0x1  }
0x397: {  	s14 =	sadd.s32 $0x6C00, s14;
	v0 =	vadd.s32 @!p1 v0, v2  }
0x398: {  	s16 =	simm.s32 @!p1 $0x16280;
	s15 =	simm.s32 @!p1 $0x14100;
	s10 =	sadd.s32 $0x200, s10;
	[tilespmem:$0x14130] =	vst @!p1 v0  }
0x399: {  	[tilespmem:s16], [sflag:$0x2] =	stream.indirect.gather @!p1 [spmem:s2], $0x80, s15, s9, $0xb8;
	[tilespmem:$0x1C280] =	vst v63  }
0x39a: {  	_ =	swait.ge [sflag:s6], $0x2000  }
0x39b: {  	[sflag:s6] =	ssyncset.done $0x0  }
0x39c: {  	[sflag:s6] =	ssyncadd.s32 $0xFFFFE000  }
0x39d: {  	[hbm4b:s14+s3] =	stream.linear.scatter [tilespmem:s22], [sflag:$0x8], $0x2000, $0x38;
	[tilespmem:$0x1C280] =	vst v63  }
0x39e: {  	_ =	swait.ge [sflag:s19], $0x2000  }
0x39f: {  	[sflag:s19] =	ssyncset.done $0x0  }
0x3a0: {  	s7 =	simm.s32 $0x6;
	[sflag:s19] =	ssyncadd.s32 $0xFFFFE000  }
0x3a1: {  	_ =	swait.ge [sflag:s7], $0x2000  }
0x3a2: {  	[sflag:s7] =	ssyncset.done $0x0  }
0x3a3: {  	[sflag:s7] =	ssyncadd.s32 $0xFFFFE000  }
0x3a4: {  	_ =	swait.ge [sflag:s11], $0x2000  }
0x3a5: {  	[sflag:s11] =	ssyncset.done $0x0  }
0x3a6: {  	[sflag:s11] =	ssyncadd.s32 $0xFFFFE000  }
0x3a7: {  	_ =	swait.ge [sflag:s12], $0x2000  }
0x3a8: {  	s13 =	sadd.s32 $0x1, s13;
	s24 =	rddreg [dreg:$0x14]  }
0x3a9: {  	p0 =	sne.s32 s13, s24  }
.Ltmp4:
0x3aa: {  	_ = 	snop;
	(pc) =	sbr.rel @p0 .LBB2_1-.Ltmp4, $3  }
0x3ab: {  	_ =	sdelay $0x1  }
0x3ac: {  	[sflag:s12] =	ssyncset.done $0x0  }
0x3ad: {  	[sflag:s12] =	ssyncadd.s32 $0xFFFFE000  }
0x3ae: {  	_ =	sfence.sel $0x180000  }
0x3af: {  	[bflag:$0x0] =	sbarrier.arrive $0xFFFF  }
0x3b0: {  	_ =	strace $0x90000047  }
0x3b1: {  	s0 =	stileid.u32;
	[bflag:$0x2] =	sbarrier.arrive $0xFFFF  }
0x3b2: {  	p0 =	sne.s32 s0, $0x0;
	s0 =	rddreg [dreg:$0x5]  }
0x3b3: {  	s0 =	sadd.s32 @!p0 $0x100000, s0  }
0x3b4: {  	[sflag:s0] =	ssyncadd.tile.s32 @!p0 $0x1;
	_ =	shalt  }
.Lfunc_end2:
_tile_overlayer_lowered:
.L_overlay_start_2:
0x3b5: {  	(tag) =	ssettag $0x2  }
0x3b6: {  	s0 =	rddreg [dreg:$0x0];
	s2 =	stileid.u32  }
0x3b7: {  	s1 =	rddreg [dreg:$0x1];
	p0 =	sne.s32 s2, $0x0  }
0x3b8: {  	s3 =	rddreg [dreg:$0x2];
	[bflag:$0x3] =	sbarrier.arrive $0xFFFF;
	s2 =	simm.s32 @!p0 $0x1C0C  }
0x3b9: {  	[timem:s3], [sflag:s2] =	dma.local @!p0 [hbm:s0], s1  }
0x3ba: {  	s0 =	simm.s32 @!p0 $0xC  }
0x3bb: {  	_ =	swait.ge @!p0 [sflag:s0], s1  }
0x3bc: {  	s1 =	ssub.s32 @!p0 $0x0, s1;
	[sflag:s0] =	ssyncset.done @!p0 $0x0  }
0x3bd: {  	[sflag:s0] =	ssyncadd.s32 @!p0 s1  }
0x3be: {  	[bflag:$0x3] =	sbarrier.arrive $0xFFFF  }
0x3bf: {  	_ =	shalt  }

</sc_bundles>
